<compile_context>
chip_gen: v7x
topology: tpu7x:2x2x1
jax: 0.10.2.dev20260603
libtpu: 0.0.44.dev20260713+nightly
codegen_flags: <defaults>
</compile_context>

<pallas_src>
import functools

import jax
import jax.numpy as jnp
from jax import lax
from jax.experimental import pallas as pl
from jax.experimental.pallas import tpu as pltpu
from jax.experimental.pallas import tpu_sc as plsc

N = 10000
E = 320000
D = 8
NC, NS = 2, 16
NW = NC * NS
CH = 128
ER = E // CH
MAXC = 79
NPAD = 10240
STRIPE = NPAD // NS
PR = N * D // 128
PRP = NPAD * D // 128


def _sc_mesh():
    return plsc.VectorSubcoreMesh(
        core_axis_name="c", subcore_axis_name="s", num_cores=NC, num_subcores=NS
    )


def _tile_range(wid):
    r0 = (wid * ER) // NW
    r1 = ((wid + 1) * ER) // NW
    return r0, r1 - r0


def _edges_body(e_ref, s_ref, d_ref):
    v = e_ref[...]
    s_ref[...] = v[0].reshape(ER, CH)
    d_ref[...] = v[1].reshape(ER, CH)


def _edges_call(e):
    return pl.pallas_call(
        _edges_body,
        out_shape=(
            jax.ShapeDtypeStruct((ER, CH), jnp.int32),
            jax.ShapeDtypeStruct((ER, CH), jnp.int32),
        ),
    )(e)


@functools.partial(
    pl.kernel,
    out_type=jax.ShapeDtypeStruct((NC, NPAD, D), jnp.float32),
    mesh=_sc_mesh(),
    compiler_params=pltpu.CompilerParams(use_tc_tiling_on_sc=False),
    scratch_types=[
        pltpu.VMEM((MAXC, CH), jnp.int32),
        pltpu.VMEM((CH, D), jnp.float32),
        pltpu.VMEM_SHARED((NPAD, D), jnp.float32),
        pltpu.SemaphoreType.DMA,
    ],
)
def _deg_kernel(dst_hbm, zeros_hbm, ones_hbm, out_hbm, idx_v, ones_v, deg_sh, dsem):
    cid = lax.axis_index("c")
    sid = lax.axis_index("s")
    wid = cid * NS + sid
    r0, cnt = _tile_range(wid)
    pltpu.sync_copy(
        zeros_hbm.at[pl.ds(sid * STRIPE, STRIPE)],
        deg_sh.at[pl.ds(sid * STRIPE, STRIPE)],
    )
    pltpu.sync_copy(dst_hbm.at[pl.ds(r0, MAXC)], idx_v)
    pltpu.sync_copy(ones_hbm, ones_v)
    plsc.subcore_barrier()

    def body(j, carry):
        @pl.when(j >= 8)
        def _():
            pltpu.make_async_copy(ones_v, deg_sh.at[idx_v.at[j - 8]], dsem).wait()

        pltpu.async_copy(ones_v, deg_sh.at[idx_v.at[j]], dsem, add=True)
        return carry

    lax.fori_loop(0, cnt, body, 0)

    def drain(j, carry):
        pltpu.make_async_copy(ones_v, deg_sh.at[idx_v.at[j]], dsem).wait()
        return carry

    lax.fori_loop(cnt - 8, cnt, drain, 0)
    plsc.subcore_barrier()
    pltpu.sync_copy(
        deg_sh.at[pl.ds(sid * STRIPE, STRIPE)],
        out_hbm.at[cid, pl.ds(sid * STRIPE, STRIPE)],
    )


@functools.partial(
    pl.kernel,
    out_type=jax.ShapeDtypeStruct((NC, NPAD, D), jnp.float32),
    mesh=_sc_mesh(),
    compiler_params=pltpu.CompilerParams(use_tc_tiling_on_sc=False),
    scratch_types=(
        [
            pltpu.VMEM((MAXC, CH), jnp.int32),
            pltpu.VMEM((MAXC, CH), jnp.int32),
            pltpu.VMEM_SHARED((NPAD, D), jnp.float32),
        ]
        + [pltpu.VMEM((CH, D), jnp.float32)] * 8
        + [pltpu.SemaphoreType.DMA] * 16
    ),
)
def _msg_kernel(y_hbm, src_hbm, dst_hbm, zeros_hbm, out_hbm,
                src_v, dst_v, acc_sh, *bufs_and_sems):
    msg = bufs_and_sems[0:8]
    gsem = bufs_and_sems[8:16]
    ssem = bufs_and_sems[16:24]
    cid = lax.axis_index("c")
    sid = lax.axis_index("s")
    wid = cid * NS + sid
    r0, cnt = _tile_range(wid)
    pltpu.sync_copy(
        zeros_hbm.at[pl.ds(sid * STRIPE, STRIPE)],
        acc_sh.at[pl.ds(sid * STRIPE, STRIPE)],
    )
    pltpu.sync_copy(src_hbm.at[pl.ds(r0, MAXC)], src_v)
    pltpu.sync_copy(dst_hbm.at[pl.ds(r0, MAXC)], dst_v)
    plsc.subcore_barrier()

    def step(j, b):
        pb = (b + 4) % 8

        @pl.when(j >= 4)
        def _():
            pltpu.make_async_copy(
                msg[pb], acc_sh.at[dst_v.at[j - 4]], ssem[pb]).wait()

        @pl.when(j + 4 < cnt)
        def _():
            pltpu.async_copy(y_hbm.at[src_v.at[j + 4]], msg[pb], gsem[pb])

        pltpu.make_async_copy(y_hbm.at[src_v.at[j]], msg[b], gsem[b]).wait()
        pltpu.async_copy(msg[b], acc_sh.at[dst_v.at[j]], ssem[b], add=True)

    for b in range(4):
        pltpu.async_copy(y_hbm.at[src_v.at[b]], msg[b], gsem[b])

    grp = cnt // 8

    def body(i, carry):
        for b in range(8):
            step(8 * i + b, b)
        return carry

    lax.fori_loop(0, grp, body, 0)

    for b in range(8):
        j = 8 * grp + b

        @pl.when(j < cnt)
        def _():
            step(j, b)

    for b in range(8):
        jb = cnt - 1 - ((cnt - 1 - b) % 8)

        @pl.when(jb >= cnt - 4)
        def _():
            pltpu.make_async_copy(msg[b], acc_sh.at[dst_v.at[jb]], ssem[b]).wait()

    plsc.subcore_barrier()
    pltpu.sync_copy(
        acc_sh.at[pl.ds(sid * STRIPE, STRIPE)],
        out_hbm.at[cid, pl.ds(sid * STRIPE, STRIPE)],
    )


def _mm_body(x16_ref, wd_ref, xwv_ref):
    xwv_ref[...] = jnp.dot(
        x16_ref[...], wd_ref[...], preferred_element_type=jnp.float32)


def _mm_call(x16, wd):
    return pl.pallas_call(
        _mm_body,
        out_shape=jax.ShapeDtypeStruct((PR, 128), jnp.float32),
    )(x16, wd)


def _scale_body(xwv_ref, degv_ref, yv_ref):
    deg = 1.0 + degv_ref[0, :PR, :] + degv_ref[1, :PR, :]
    yv_ref[pl.ds(0, PR), :] = xwv_ref[...] * lax.rsqrt(deg)
    yv_ref[pl.ds(PR, PRP - PR), :] = jnp.zeros((PRP - PR, 128), jnp.float32)


def _scale_call(xwv, degv):
    return pl.pallas_call(
        _scale_body,
        out_shape=jax.ShapeDtypeStruct((PRP, 128), jnp.float32),
    )(xwv, degv)


def _head_body(yv_ref, accv_ref, degv_ref, bgv_ref, mz_ref, bov_ref,
               h_ref, z_ref):
    deg = 1.0 + degv_ref[0, :PR, :] + degv_ref[1, :PR, :]
    dis = lax.rsqrt(deg)
    s = (accv_ref[0, :PR, :] + accv_ref[1, :PR, :] + yv_ref[:PR, :]) * dis
    h8 = jnp.maximum(s + bgv_ref[...], 0.0)
    h_ref[...] = h8
    z_ref[...] = (
        jnp.dot(h8, mz_ref[...], preferred_element_type=jnp.float32)
        + bov_ref[...]
    )


def _head_call(yv, accv, degv, bgv, mz, bov):
    return pl.pallas_call(
        _head_body,
        out_shape=(
            jax.ShapeDtypeStruct((PR, 128), jnp.float32),
            jax.ShapeDtypeStruct((PR, 128), jnp.float32),
        ),
    )(yv, accv, degv, bgv, mz, bov)


def kernel(x, edge_index, W_gcn, b_gcn, W_out, b_out):
    src2, dst2 = _edges_call(edge_index.astype(jnp.int32))
    zeros2 = jnp.zeros((NPAD, D), jnp.float32)
    ones8 = jnp.ones((CH, D), jnp.float32)

    degp = _deg_kernel(dst2, zeros2, ones8)
    degv = degp.reshape(NC, PRP, 128)

    eye16 = jnp.eye(16, dtype=jnp.float32)
    wd = jnp.kron(eye16, jnp.pad(W_gcn, ((0, 0), (0, D - 3))))
    xwv = _mm_call(x.reshape(PR, 16 * 128), wd)
    yv = _scale_call(xwv, degv)

    accp = _msg_kernel(yv.reshape(NPAD, D), src2, dst2, zeros2)
    accv = accp.reshape(NC, PRP, 128)

    bgv = jnp.tile(jnp.pad(b_gcn, (0, D - 3)), 16).reshape(1, 128)
    mz = jnp.kron(eye16, jnp.pad(W_out, ((0, D - 3), (0, D - 4))))
    bov = jnp.tile(jnp.pad(b_out, (0, D - 4)), 16).reshape(1, 128)
    hv, zv = _head_call(yv, accv, degv, bgv, mz, bov)

    h = hv.reshape(N, D)[:, :3]
    z = zv.reshape(N, D)[:, :4]
    return (h, z)

# --- scband reference (transcript-rebuilt; emitter-appended) ---
"""Pipeline reference for scband-gcn-69269232549994 (READ-ONLY COPY).

The authoritative reference and input builder live on the scoring server;
editing this copy changes nothing except your own understanding.
"""

import jax, jax.numpy as jnp
import numpy as np

N_NODES = 10000
D_IN = 128
D_HID = 3
D_OUT = 4


def setup_inputs(seed: int = 0) -> dict:
    key = jax.random.key(seed)
    k1, k2, k3, k4, k5, k6 = jax.random.split(key, 6)
    x = jax.random.normal(k1, (N_NODES, D_IN), dtype=jnp.float32)
    edge_index = jax.random.randint(k2, (2, 320000), 0, N_NODES, dtype=jnp.int64)
    # GCNConv weights (glorot-ish init)
    W_gcn = jax.random.normal(k3, (D_IN, D_HID), dtype=jnp.float32) * (1.0 / np.sqrt(D_IN))
    b_gcn = jnp.zeros((D_HID,), dtype=jnp.float32)
    W_out = jax.random.normal(k4, (D_HID, D_OUT), dtype=jnp.float32) * (1.0 / np.sqrt(D_HID))
    b_out = jax.random.normal(k5, (D_OUT,), dtype=jnp.float32) * 0.01
    return {"x": x, "edge_index": edge_index, "W_gcn": W_gcn, "b_gcn": b_gcn, "W_out": W_out, "b_out": b_out}


def _gcn_conv(x, edge_index, W, b):
    # Faithful PyG GCNConv: add self-loops, symmetric deg^{-1/2} normalization,
    # linear transform, scatter-add aggregation, bias.
    N = x.shape[0]
    loop = jnp.arange(N, dtype=edge_index.dtype)
    src = jnp.concatenate([edge_index[0], loop])
    dst = jnp.concatenate([edge_index[1], loop])
    deg = jnp.zeros((N,), dtype=jnp.float32).at[dst].add(1.0)
    deg_inv_sqrt = jnp.where(deg > 0, deg ** -0.5, 0.0)
    norm = deg_inv_sqrt[src] * deg_inv_sqrt[dst]
    xw = x @ W
    msg = xw[src] * norm[:, None]
    out = jnp.zeros((N, W.shape[1]), dtype=jnp.float32).at[dst].add(msg)
    return out + b


def reference(x, edge_index, W_gcn, b_gcn, W_out, b_out):
    h = jax.nn.relu(_gcn_conv(x, edge_index, W_gcn, b_gcn))
    z = h @ W_out + b_out
    return (h, z)

if __name__ == "__main__":
    import jax
    _d = setup_inputs()
    print(jax.jit(kernel)(*tuple(_d.values())))

</pallas_src>

<mosaic_0001>
#map = affine_map<(d0, d1) -> (0, 0)>
#map1 = affine_map<(d0, d1) -> (0, 0, 0)>
module attributes {stable_mosaic.version = 14 : i64} {
  func.func @_deg_kernel(%arg0: i32, %arg1: i32, %arg2: memref<2500x128xi32, #tpu.memory_space<hbm>>, %arg3: memref<10240x8xf32, #tpu.memory_space<hbm>>, %arg4: memref<128x8xf32, #tpu.memory_space<hbm>>, %arg5: memref<2x10240x8xf32, #tpu.memory_space<hbm>>, %arg6: memref<79x128xi32, #tpu.memory_space<vmem>>, %arg7: memref<128x8xf32, #tpu.memory_space<vmem>>, %arg8: memref<10240x8xf32, #tpu.memory_space<vmem_shared>>, %arg9: memref<!tpu.dma_semaphore, #tpu.memory_space<semaphore_mem>>) attributes {dimension_semantics = [#tpu.dimension_semantics<core_parallel>, #tpu.dimension_semantics<subcore_parallel>], iteration_bounds = array<i64: 2, 16>, scalar_prefetch = 0 : i64, scratch_operands = 4 : i64, tpu.core_type = #tpu.core_type<sc_vector_subcore>, window_params = [{transform_indices = #map}, {transform_indices = #map}, {transform_indices = #map}, {transform_indices = #map1}]} {
    %mul3A = arith.constant 16 : i32
    %mul3A_0 = arith.muli %arg0, %mul3A : i32
    %add3A = arith.addi %mul3A_0, %arg1 : i32
    %mul3A_1 = arith.constant 2500 : i32
    %mul3A_2 = arith.muli %add3A, %mul3A_1 : i32
    %jit3A = arith.constant 32 : i32
    %div3A = arith.divsi %mul3A_2, %jit3A : i32
    %sign3A = arith.constant 0 : i32
    %sign3A_3 = arith.cmpi sgt, %mul3A_2, %sign3A : i32
    %sign3A_4 = arith.extui %sign3A_3 : i1 to i32
    %sign3A_5 = arith.constant 0 : i32
    %sign3A_6 = arith.cmpi slt, %mul3A_2, %sign3A_5 : i32
    %sign3A_7 = arith.extui %sign3A_6 : i1 to i32
    %sign3A_8 = arith.subi %sign3A_4, %sign3A_7 : i32
    %sign3A_9 = arith.constant 0 : i32
    %sign3A_10 = arith.cmpi sgt, %jit3A, %sign3A_9 : i32
    %sign3A_11 = arith.extui %sign3A_10 : i1 to i32
    %sign3A_12 = arith.constant 0 : i32
    %sign3A_13 = arith.cmpi slt, %jit3A, %sign3A_12 : i32
    %sign3A_14 = arith.extui %sign3A_13 : i1 to i32
    %sign3A_15 = arith.subi %sign3A_11, %sign3A_14 : i32
    %ne3A = arith.cmpi ne, %sign3A_8, %sign3A_15 : i32
    %rem3A = arith.remsi %mul3A_2, %jit3A : i32
    %ne3A_16 = arith.constant 0 : i32
    %ne3A_17 = arith.cmpi ne, %rem3A, %ne3A_16 : i32
    %and3A = arith.andi %ne3A, %ne3A_17 : i1
    %sub3A = arith.constant 1 : i32
    %sub3A_18 = arith.subi %div3A, %sub3A : i32
    %select_n3A = arith.select %and3A, %sub3A_18, %div3A : i32
    %add3A_19 = arith.constant 1 : i32
    %add3A_20 = arith.addi %add3A, %add3A_19 : i32
    %mul3A_21 = arith.constant 2500 : i32
    %mul3A_22 = arith.muli %add3A_20, %mul3A_21 : i32
    %jit3A_23 = arith.constant 32 : i32
    %div3A_24 = arith.divsi %mul3A_22, %jit3A_23 : i32
    %sign3A_25 = arith.constant 0 : i32
    %sign3A_26 = arith.cmpi sgt, %mul3A_22, %sign3A_25 : i32
    %sign3A_27 = arith.extui %sign3A_26 : i1 to i32
    %sign3A_28 = arith.constant 0 : i32
    %sign3A_29 = arith.cmpi slt, %mul3A_22, %sign3A_28 : i32
    %sign3A_30 = arith.extui %sign3A_29 : i1 to i32
    %sign3A_31 = arith.subi %sign3A_27, %sign3A_30 : i32
    %sign3A_32 = arith.constant 0 : i32
    %sign3A_33 = arith.cmpi sgt, %jit3A_23, %sign3A_32 : i32
    %sign3A_34 = arith.extui %sign3A_33 : i1 to i32
    %sign3A_35 = arith.constant 0 : i32
    %sign3A_36 = arith.cmpi slt, %jit3A_23, %sign3A_35 : i32
    %sign3A_37 = arith.extui %sign3A_36 : i1 to i32
    %sign3A_38 = arith.subi %sign3A_34, %sign3A_37 : i32
    %ne3A_39 = arith.cmpi ne, %sign3A_31, %sign3A_38 : i32
    %rem3A_40 = arith.remsi %mul3A_22, %jit3A_23 : i32
    %ne3A_41 = arith.constant 0 : i32
    %ne3A_42 = arith.cmpi ne, %rem3A_40, %ne3A_41 : i32
    %and3A_43 = arith.andi %ne3A_39, %ne3A_42 : i1
    %sub3A_44 = arith.constant 1 : i32
    %sub3A_45 = arith.subi %div3A_24, %sub3A_44 : i32
    %select_n3A_46 = arith.select %and3A_43, %sub3A_45, %div3A_24 : i32
    %sub3A_47 = arith.subi %select_n3A_46, %select_n3A : i32
    %mul3A_48 = arith.constant 640 : i32
    %mul3A_49 = arith.muli %arg1, %mul3A_48 : i32
    %mul3A_50 = arith.constant 640 : i32
    %mul3A_51 = arith.muli %arg1, %mul3A_50 : i32
    "tpu.region"() ({
      %run_scoped3A = tpu.sem_alloc : memref<!tpu.dma_semaphore, #tpu.memory_space<semaphore_mem>>
      %dma_start3A = arith.constant 0 : i32
      %dma_start3A_77 = tpu.memref_slice %arg8[%mul3A_51, %dma_start3A] : memref<10240x8xf32, #tpu.memory_space<vmem_shared>> -> memref<640x8xf32, #tpu.memory_space<vmem_shared>>
      %dma_start3A_78 = arith.constant 0 : i32
      %dma_start3A_79 = tpu.memref_slice %arg3[%mul3A_49, %dma_start3A_78] : memref<10240x8xf32, #tpu.memory_space<hbm>> -> memref<640x8xf32, #tpu.memory_space<hbm>>
      tpu.enqueue_dma source(%dma_start3A_79 : memref<640x8xf32, #tpu.memory_space<hbm>>) target(%dma_start3A_77 : memref<640x8xf32, #tpu.memory_space<vmem_shared>>) target_semaphore(%run_scoped3A : memref<!tpu.dma_semaphore, #tpu.memory_space<semaphore_mem>>)
      %dma_wait3A = arith.constant 0 : i32
      %dma_wait3A_80 = tpu.memref_slice %arg8[%mul3A_51, %dma_wait3A] : memref<10240x8xf32, #tpu.memory_space<vmem_shared>> -> memref<640x8xf32, #tpu.memory_space<vmem_shared>>
      %dma_wait3A_81 = arith.constant 0 : i32
      %dma_wait3A_82 = tpu.memref_slice %arg3[%mul3A_49, %dma_wait3A_81] : memref<10240x8xf32, #tpu.memory_space<hbm>> -> memref<640x8xf32, #tpu.memory_space<hbm>>
      tpu.wait_dma2 semaphore(%run_scoped3A : memref<!tpu.dma_semaphore, #tpu.memory_space<semaphore_mem>>) src(%dma_wait3A_82 : memref<640x8xf32, #tpu.memory_space<hbm>>) dst(%dma_wait3A_80 : memref<640x8xf32, #tpu.memory_space<vmem_shared>>)
      tpu.yield
    }) : () -> ()
    "tpu.region"() ({
      %run_scoped3A = tpu.sem_alloc : memref<!tpu.dma_semaphore, #tpu.memory_space<semaphore_mem>>
      %dma_start3A = arith.constant 0 : i32
      %dma_start3A_77 = tpu.memref_slice %arg2[%select_n3A, %dma_start3A] : memref<2500x128xi32, #tpu.memory_space<hbm>> -> memref<79x128xi32, #tpu.memory_space<hbm>>
      %dma_start3A_78 = arith.constant 0 : i32
      %dma_start3A_79 = tpu.memref_slice %arg2[%select_n3A, %dma_start3A_78] : memref<2500x128xi32, #tpu.memory_space<hbm>> -> memref<79x128xi32, #tpu.memory_space<hbm>>
      tpu.enqueue_dma source(%dma_start3A_79 : memref<79x128xi32, #tpu.memory_space<hbm>>) target(%arg6 : memref<79x128xi32, #tpu.memory_space<vmem>>) target_semaphore(%run_scoped3A : memref<!tpu.dma_semaphore, #tpu.memory_space<semaphore_mem>>)
      %dma_wait3A = arith.constant 0 : i32
      %dma_wait3A_80 = tpu.memref_slice %arg2[%select_n3A, %dma_wait3A] : memref<2500x128xi32, #tpu.memory_space<hbm>> -> memref<79x128xi32, #tpu.memory_space<hbm>>
      %dma_wait3A_81 = arith.constant 0 : i32
      %dma_wait3A_82 = tpu.memref_slice %arg2[%select_n3A, %dma_wait3A_81] : memref<2500x128xi32, #tpu.memory_space<hbm>> -> memref<79x128xi32, #tpu.memory_space<hbm>>
      tpu.wait_dma2 semaphore(%run_scoped3A : memref<!tpu.dma_semaphore, #tpu.memory_space<semaphore_mem>>) src(%dma_wait3A_82 : memref<79x128xi32, #tpu.memory_space<hbm>>) dst(%arg6 : memref<79x128xi32, #tpu.memory_space<vmem>>)
      tpu.yield
    }) : () -> ()
    "tpu.region"() ({
      %run_scoped3A = tpu.sem_alloc : memref<!tpu.dma_semaphore, #tpu.memory_space<semaphore_mem>>
      tpu.enqueue_dma source(%arg4 : memref<128x8xf32, #tpu.memory_space<hbm>>) target(%arg7 : memref<128x8xf32, #tpu.memory_space<vmem>>) target_semaphore(%run_scoped3A : memref<!tpu.dma_semaphore, #tpu.memory_space<semaphore_mem>>)
      tpu.wait_dma2 semaphore(%run_scoped3A : memref<!tpu.dma_semaphore, #tpu.memory_space<semaphore_mem>>) src(%arg4 : memref<128x8xf32, #tpu.memory_space<hbm>>) dst(%arg7 : memref<128x8xf32, #tpu.memory_space<vmem>>)
      tpu.yield
    }) : () -> ()
    %barrier3A = arith.constant 0 : index
    tpu.barrier barrier_id(%barrier3A)
    %while3A = arith.constant 0 : i32
    %while3A_52 = arith.constant 0 : i32
    %while3A_53 = arith.subi %sub3A_47, %while3A_52 : i32
    %while3A_54 = arith.addi %while3A_52, %while3A_53 : i32
    %while3A_55 = arith.constant 1 : i32
    %while3A_56 = arith.divsi %while3A_53, %while3A_55 : i32
    %while3A_57 = arith.muli %while3A_56, %while3A_55 : i32
    %while3A_58 = arith.addi %while3A_52, %while3A_57 : i32
    %while3A_59 = arith.constant 1 : i32
    scf.for %while3A_77 = %while3A_52 to %while3A_58 step %while3A_59  : i32 {
      %ge3A = arith.constant 8 : i32
      %ge3A_78 = arith.cmpi sge, %while3A_77, %ge3A : i32
      %convert_element_type3A = arith.extui %ge3A_78 : i1 to i32
      %cond3A = arith.constant 0 : i32
      %cond3A_79 = arith.cmpi ne, %convert_element_type3A, %cond3A : i32
      scf.if %cond3A_79 {
        %sub3A_85 = arith.constant 8 : i32
        %sub3A_86 = arith.subi %while3A_77, %sub3A_85 : i32
        %dma_wait3A = arith.constant 0 : i32
        %dma_wait3A_87 = tpu.memref_slice %arg6[%sub3A_86, %dma_wait3A] : memref<79x128xi32, #tpu.memory_space<vmem>> -> memref<1x128xi32, #tpu.memory_space<vmem>>
        %dma_wait3A_88 = tpu.memref_squeeze %dma_wait3A_87 : memref<1x128xi32, #tpu.memory_space<vmem>> -> memref<128xi32, #tpu.memory_space<vmem>>
        %dma_wait3A_89 = arith.constant 0 : i32
        %dma_wait3A_90 = arith.constant 0 : i32
        %dma_wait3A_91 = tpu.memref_slice %arg8[%dma_wait3A_89, %dma_wait3A_90] : memref<10240x8xf32, #tpu.memory_space<vmem_shared>> -> memref<10240x8xf32, #tpu.memory_space<vmem_shared>>
        tpu.wait_indirect_dma semaphore(%arg9 : memref<!tpu.dma_semaphore, #tpu.memory_space<semaphore_mem>>) src(%arg7 : memref<128x8xf32, #tpu.memory_space<vmem>>) dst(%dma_wait3A_91 : memref<10240x8xf32, #tpu.memory_space<vmem_shared>>)
      } else {
      }
      %dma_start3A = arith.constant 0 : i32
      %dma_start3A_80 = tpu.memref_slice %arg6[%while3A_77, %dma_start3A] : memref<79x128xi32, #tpu.memory_space<vmem>> -> memref<1x128xi32, #tpu.memory_space<vmem>>
      %dma_start3A_81 = tpu.memref_squeeze %dma_start3A_80 : memref<1x128xi32, #tpu.memory_space<vmem>> -> memref<128xi32, #tpu.memory_space<vmem>>
      %dma_start3A_82 = arith.constant 0 : i32
      %dma_start3A_83 = arith.constant 0 : i32
      %dma_start3A_84 = tpu.memref_slice %arg8[%dma_start3A_82, %dma_start3A_83] : memref<10240x8xf32, #tpu.memory_space<vmem_shared>> -> memref<10240x8xf32, #tpu.memory_space<vmem_shared>>
      tpu.enqueue_indirect_dma source(%arg7 : memref<128x8xf32, #tpu.memory_space<vmem>>) target(%dma_start3A_84 : memref<10240x8xf32, #tpu.memory_space<vmem_shared>>) offsets(%dma_start3A_81 : memref<128xi32, #tpu.memory_space<vmem>>) semaphore(%arg9 : memref<!tpu.dma_semaphore, #tpu.memory_space<semaphore_mem>>) {add = true}
    }
    %while3A_60 = arith.constant 1 : i32
    scf.for %while3A_77 = %while3A_58 to %while3A_54 step %while3A_60  : i32 {
      %ge3A = arith.constant 8 : i32
      %ge3A_78 = arith.cmpi sge, %while3A_77, %ge3A : i32
      %convert_element_type3A = arith.extui %ge3A_78 : i1 to i32
      %cond3A = arith.constant 0 : i32
      %cond3A_79 = arith.cmpi ne, %convert_element_type3A, %cond3A : i32
      scf.if %cond3A_79 {
        %sub3A_85 = arith.constant 8 : i32
        %sub3A_86 = arith.subi %while3A_77, %sub3A_85 : i32
        %dma_wait3A = arith.constant 0 : i32
        %dma_wait3A_87 = tpu.memref_slice %arg6[%sub3A_86, %dma_wait3A] : memref<79x128xi32, #tpu.memory_space<vmem>> -> memref<1x128xi32, #tpu.memory_space<vmem>>
        %dma_wait3A_88 = tpu.memref_squeeze %dma_wait3A_87 : memref<1x128xi32, #tpu.memory_space<vmem>> -> memref<128xi32, #tpu.memory_space<vmem>>
        %dma_wait3A_89 = arith.constant 0 : i32
        %dma_wait3A_90 = arith.constant 0 : i32
        %dma_wait3A_91 = tpu.memref_slice %arg8[%dma_wait3A_89, %dma_wait3A_90] : memref<10240x8xf32, #tpu.memory_space<vmem_shared>> -> memref<10240x8xf32, #tpu.memory_space<vmem_shared>>
        tpu.wait_indirect_dma semaphore(%arg9 : memref<!tpu.dma_semaphore, #tpu.memory_space<semaphore_mem>>) src(%arg7 : memref<128x8xf32, #tpu.memory_space<vmem>>) dst(%dma_wait3A_91 : memref<10240x8xf32, #tpu.memory_space<vmem_shared>>)
      } else {
      }
      %dma_start3A = arith.constant 0 : i32
      %dma_start3A_80 = tpu.memref_slice %arg6[%while3A_77, %dma_start3A] : memref<79x128xi32, #tpu.memory_space<vmem>> -> memref<1x128xi32, #tpu.memory_space<vmem>>
      %dma_start3A_81 = tpu.memref_squeeze %dma_start3A_80 : memref<1x128xi32, #tpu.memory_space<vmem>> -> memref<128xi32, #tpu.memory_space<vmem>>
      %dma_start3A_82 = arith.constant 0 : i32
      %dma_start3A_83 = arith.constant 0 : i32
      %dma_start3A_84 = tpu.memref_slice %arg8[%dma_start3A_82, %dma_start3A_83] : memref<10240x8xf32, #tpu.memory_space<vmem_shared>> -> memref<10240x8xf32, #tpu.memory_space<vmem_shared>>
      tpu.enqueue_indirect_dma source(%arg7 : memref<128x8xf32, #tpu.memory_space<vmem>>) target(%dma_start3A_84 : memref<10240x8xf32, #tpu.memory_space<vmem_shared>>) offsets(%dma_start3A_81 : memref<128xi32, #tpu.memory_space<vmem>>) semaphore(%arg9 : memref<!tpu.dma_semaphore, #tpu.memory_space<semaphore_mem>>) {add = true}
    }
    %sub3A_61 = arith.constant 8 : i32
    %sub3A_62 = arith.subi %sub3A_47, %sub3A_61 : i32
    %while3A_63 = arith.constant 0 : i32
    %while3A_64 = arith.subi %sub3A_47, %sub3A_62 : i32
    %while3A_65 = arith.addi %sub3A_62, %while3A_64 : i32
    %while3A_66 = arith.constant 1 : i32
    %while3A_67 = arith.divsi %while3A_64, %while3A_66 : i32
    %while3A_68 = arith.muli %while3A_67, %while3A_66 : i32
    %while3A_69 = arith.addi %sub3A_62, %while3A_68 : i32
    %while3A_70 = arith.constant 1 : i32
    scf.for %while3A_77 = %sub3A_62 to %while3A_69 step %while3A_70  : i32 {
      %dma_wait3A = arith.constant 0 : i32
      %dma_wait3A_78 = tpu.memref_slice %arg6[%while3A_77, %dma_wait3A] : memref<79x128xi32, #tpu.memory_space<vmem>> -> memref<1x128xi32, #tpu.memory_space<vmem>>
      %dma_wait3A_79 = tpu.memref_squeeze %dma_wait3A_78 : memref<1x128xi32, #tpu.memory_space<vmem>> -> memref<128xi32, #tpu.memory_space<vmem>>
      %dma_wait3A_80 = arith.constant 0 : i32
      %dma_wait3A_81 = arith.constant 0 : i32
      %dma_wait3A_82 = tpu.memref_slice %arg8[%dma_wait3A_80, %dma_wait3A_81] : memref<10240x8xf32, #tpu.memory_space<vmem_shared>> -> memref<10240x8xf32, #tpu.memory_space<vmem_shared>>
      tpu.wait_indirect_dma semaphore(%arg9 : memref<!tpu.dma_semaphore, #tpu.memory_space<semaphore_mem>>) src(%arg7 : memref<128x8xf32, #tpu.memory_space<vmem>>) dst(%dma_wait3A_82 : memref<10240x8xf32, #tpu.memory_space<vmem_shared>>)
    }
    %while3A_71 = arith.constant 1 : i32
    scf.for %while3A_77 = %while3A_69 to %while3A_65 step %while3A_71  : i32 {
      %dma_wait3A = arith.constant 0 : i32
      %dma_wait3A_78 = tpu.memref_slice %arg6[%while3A_77, %dma_wait3A] : memref<79x128xi32, #tpu.memory_space<vmem>> -> memref<1x128xi32, #tpu.memory_space<vmem>>
      %dma_wait3A_79 = tpu.memref_squeeze %dma_wait3A_78 : memref<1x128xi32, #tpu.memory_space<vmem>> -> memref<128xi32, #tpu.memory_space<vmem>>
      %dma_wait3A_80 = arith.constant 0 : i32
      %dma_wait3A_81 = arith.constant 0 : i32
      %dma_wait3A_82 = tpu.memref_slice %arg8[%dma_wait3A_80, %dma_wait3A_81] : memref<10240x8xf32, #tpu.memory_space<vmem_shared>> -> memref<10240x8xf32, #tpu.memory_space<vmem_shared>>
      tpu.wait_indirect_dma semaphore(%arg9 : memref<!tpu.dma_semaphore, #tpu.memory_space<semaphore_mem>>) src(%arg7 : memref<128x8xf32, #tpu.memory_space<vmem>>) dst(%dma_wait3A_82 : memref<10240x8xf32, #tpu.memory_space<vmem_shared>>)
    }
    %barrier3A_72 = arith.constant 0 : index
    tpu.barrier barrier_id(%barrier3A_72)
    %mul3A_73 = arith.constant 640 : i32
    %mul3A_74 = arith.muli %arg1, %mul3A_73 : i32
    %mul3A_75 = arith.constant 640 : i32
    %mul3A_76 = arith.muli %arg1, %mul3A_75 : i32
    "tpu.region"() ({
      %run_scoped3A = tpu.sem_alloc : memref<!tpu.dma_semaphore, #tpu.memory_space<semaphore_mem>>
      %dma_start3A = arith.constant 0 : i32
      %dma_start3A_77 = tpu.memref_slice %arg5[%arg0, %mul3A_76, %dma_start3A] : memref<2x10240x8xf32, #tpu.memory_space<hbm>> -> memref<1x640x8xf32, #tpu.memory_space<hbm>>
      %dma_start3A_78 = tpu.memref_squeeze %dma_start3A_77 : memref<1x640x8xf32, #tpu.memory_space<hbm>> -> memref<640x8xf32, #tpu.memory_space<hbm>>
      %dma_start3A_79 = arith.constant 0 : i32
      %dma_start3A_80 = tpu.memref_slice %arg8[%mul3A_74, %dma_start3A_79] : memref<10240x8xf32, #tpu.memory_space<vmem_shared>> -> memref<640x8xf32, #tpu.memory_space<vmem_shared>>
      tpu.enqueue_dma source(%dma_start3A_80 : memref<640x8xf32, #tpu.memory_space<vmem_shared>>) target(%dma_start3A_78 : memref<640x8xf32, #tpu.memory_space<hbm>>) target_semaphore(%run_scoped3A : memref<!tpu.dma_semaphore, #tpu.memory_space<semaphore_mem>>)
      %dma_wait3A = arith.constant 0 : i32
      %dma_wait3A_81 = tpu.memref_slice %arg5[%arg0, %mul3A_76, %dma_wait3A] : memref<2x10240x8xf32, #tpu.memory_space<hbm>> -> memref<1x640x8xf32, #tpu.memory_space<hbm>>
      %dma_wait3A_82 = tpu.memref_squeeze %dma_wait3A_81 : memref<1x640x8xf32, #tpu.memory_space<hbm>> -> memref<640x8xf32, #tpu.memory_space<hbm>>
      %dma_wait3A_83 = arith.constant 0 : i32
      %dma_wait3A_84 = tpu.memref_slice %arg8[%mul3A_74, %dma_wait3A_83] : memref<10240x8xf32, #tpu.memory_space<vmem_shared>> -> memref<640x8xf32, #tpu.memory_space<vmem_shared>>
      tpu.wait_dma2 semaphore(%run_scoped3A : memref<!tpu.dma_semaphore, #tpu.memory_space<semaphore_mem>>) src(%dma_wait3A_84 : memref<640x8xf32, #tpu.memory_space<vmem_shared>>) dst(%dma_wait3A_82 : memref<640x8xf32, #tpu.memory_space<hbm>>)
      tpu.yield
    }) : () -> ()
    return
  }
}

#map = affine_map<(d0, d1) -> (0, 0)>
#map1 = affine_map<(d0, d1) -> (0, 0, 0)>
module attributes {stable_mosaic.version = 14 : i64} {
  func.func @_msg_kernel(%arg0: i32, %arg1: i32, %arg2: memref<10240x8xf32, #tpu.memory_space<hbm>>, %arg3: memref<2500x128xi32, #tpu.memory_space<hbm>>, %arg4: memref<2500x128xi32, #tpu.memory_space<hbm>>, %arg5: memref<10240x8xf32, #tpu.memory_space<hbm>>, %arg6: memref<2x10240x8xf32, #tpu.memory_space<hbm>>, %arg7: memref<79x128xi32, #tpu.memory_space<vmem>>, %arg8: memref<79x128xi32, #tpu.memory_space<vmem>>, %arg9: memref<10240x8xf32, #tpu.memory_space<vmem_shared>>, %arg10: memref<128x8xf32, #tpu.memory_space<vmem>>, %arg11: memref<128x8xf32, #tpu.memory_space<vmem>>, %arg12: memref<128x8xf32, #tpu.memory_space<vmem>>, %arg13: memref<128x8xf32, #tpu.memory_space<vmem>>, %arg14: memref<128x8xf32, #tpu.memory_space<vmem>>, %arg15: memref<128x8xf32, #tpu.memory_space<vmem>>, %arg16: memref<128x8xf32, #tpu.memory_space<vmem>>, %arg17: memref<128x8xf32, #tpu.memory_space<vmem>>, %arg18: memref<!tpu.dma_semaphore, #tpu.memory_space<semaphore_mem>>, %arg19: memref<!tpu.dma_semaphore, #tpu.memory_space<semaphore_mem>>, %arg20: memref<!tpu.dma_semaphore, #tpu.memory_space<semaphore_mem>>, %arg21: memref<!tpu.dma_semaphore, #tpu.memory_space<semaphore_mem>>, %arg22: memref<!tpu.dma_semaphore, #tpu.memory_space<semaphore_mem>>, %arg23: memref<!tpu.dma_semaphore, #tpu.memory_space<semaphore_mem>>, %arg24: memref<!tpu.dma_semaphore, #tpu.memory_space<semaphore_mem>>, %arg25: memref<!tpu.dma_semaphore, #tpu.memory_space<semaphore_mem>>, %arg26: memref<!tpu.dma_semaphore, #tpu.memory_space<semaphore_mem>>, %arg27: memref<!tpu.dma_semaphore, #tpu.memory_space<semaphore_mem>>, %arg28: memref<!tpu.dma_semaphore, #tpu.memory_space<semaphore_mem>>, %arg29: memref<!tpu.dma_semaphore, #tpu.memory_space<semaphore_mem>>, %arg30: memref<!tpu.dma_semaphore, #tpu.memory_space<semaphore_mem>>, %arg31: memref<!tpu.dma_semaphore, #tpu.memory_space<semaphore_mem>>, %arg32: memref<!tpu.dma_semaphore, #tpu.memory_space<semaphore_mem>>, %arg33: memref<!tpu.dma_semaphore, #tpu.memory_space<semaphore_mem>>) attributes {dimension_semantics = [#tpu.dimension_semantics<core_parallel>, #tpu.dimension_semantics<subcore_parallel>], iteration_bounds = array<i64: 2, 16>, scalar_prefetch = 0 : i64, scratch_operands = 27 : i64, tpu.core_type = #tpu.core_type<sc_vector_subcore>, window_params = [{transform_indices = #map}, {transform_indices = #map}, {transform_indices = #map}, {transform_indices = #map}, {transform_indices = #map1}]} {
    %mul3A = arith.constant 16 : i32
    %mul3A_0 = arith.muli %arg0, %mul3A : i32
    %add3A = arith.addi %mul3A_0, %arg1 : i32
    %mul3A_1 = arith.constant 2500 : i32
    %mul3A_2 = arith.muli %add3A, %mul3A_1 : i32
    %jit3A = arith.constant 32 : i32
    %div3A = arith.divsi %mul3A_2, %jit3A : i32
    %sign3A = arith.constant 0 : i32
    %sign3A_3 = arith.cmpi sgt, %mul3A_2, %sign3A : i32
    %sign3A_4 = arith.extui %sign3A_3 : i1 to i32
    %sign3A_5 = arith.constant 0 : i32
    %sign3A_6 = arith.cmpi slt, %mul3A_2, %sign3A_5 : i32
    %sign3A_7 = arith.extui %sign3A_6 : i1 to i32
    %sign3A_8 = arith.subi %sign3A_4, %sign3A_7 : i32
    %sign3A_9 = arith.constant 0 : i32
    %sign3A_10 = arith.cmpi sgt, %jit3A, %sign3A_9 : i32
    %sign3A_11 = arith.extui %sign3A_10 : i1 to i32
    %sign3A_12 = arith.constant 0 : i32
    %sign3A_13 = arith.cmpi slt, %jit3A, %sign3A_12 : i32
    %sign3A_14 = arith.extui %sign3A_13 : i1 to i32
    %sign3A_15 = arith.subi %sign3A_11, %sign3A_14 : i32
    %ne3A = arith.cmpi ne, %sign3A_8, %sign3A_15 : i32
    %rem3A = arith.remsi %mul3A_2, %jit3A : i32
    %ne3A_16 = arith.constant 0 : i32
    %ne3A_17 = arith.cmpi ne, %rem3A, %ne3A_16 : i32
    %and3A = arith.andi %ne3A, %ne3A_17 : i1
    %sub3A = arith.constant 1 : i32
    %sub3A_18 = arith.subi %div3A, %sub3A : i32
    %select_n3A = arith.select %and3A, %sub3A_18, %div3A : i32
    %add3A_19 = arith.constant 1 : i32
    %add3A_20 = arith.addi %add3A, %add3A_19 : i32
    %mul3A_21 = arith.constant 2500 : i32
    %mul3A_22 = arith.muli %add3A_20, %mul3A_21 : i32
    %jit3A_23 = arith.constant 32 : i32
    %div3A_24 = arith.divsi %mul3A_22, %jit3A_23 : i32
    %sign3A_25 = arith.constant 0 : i32
    %sign3A_26 = arith.cmpi sgt, %mul3A_22, %sign3A_25 : i32
    %sign3A_27 = arith.extui %sign3A_26 : i1 to i32
    %sign3A_28 = arith.constant 0 : i32
    %sign3A_29 = arith.cmpi slt, %mul3A_22, %sign3A_28 : i32
    %sign3A_30 = arith.extui %sign3A_29 : i1 to i32
    %sign3A_31 = arith.subi %sign3A_27, %sign3A_30 : i32
    %sign3A_32 = arith.constant 0 : i32
    %sign3A_33 = arith.cmpi sgt, %jit3A_23, %sign3A_32 : i32
    %sign3A_34 = arith.extui %sign3A_33 : i1 to i32
    %sign3A_35 = arith.constant 0 : i32
    %sign3A_36 = arith.cmpi slt, %jit3A_23, %sign3A_35 : i32
    %sign3A_37 = arith.extui %sign3A_36 : i1 to i32
    %sign3A_38 = arith.subi %sign3A_34, %sign3A_37 : i32
    %ne3A_39 = arith.cmpi ne, %sign3A_31, %sign3A_38 : i32
    %rem3A_40 = arith.remsi %mul3A_22, %jit3A_23 : i32
    %ne3A_41 = arith.constant 0 : i32
    %ne3A_42 = arith.cmpi ne, %rem3A_40, %ne3A_41 : i32
    %and3A_43 = arith.andi %ne3A_39, %ne3A_42 : i1
    %sub3A_44 = arith.constant 1 : i32
    %sub3A_45 = arith.subi %div3A_24, %sub3A_44 : i32
    %select_n3A_46 = arith.select %and3A_43, %sub3A_45, %div3A_24 : i32
    %sub3A_47 = arith.subi %select_n3A_46, %select_n3A : i32
    %mul3A_48 = arith.constant 640 : i32
    %mul3A_49 = arith.muli %arg1, %mul3A_48 : i32
    %mul3A_50 = arith.constant 640 : i32
    %mul3A_51 = arith.muli %arg1, %mul3A_50 : i32
    "tpu.region"() ({
      %run_scoped3A = tpu.sem_alloc : memref<!tpu.dma_semaphore, #tpu.memory_space<semaphore_mem>>
      %dma_start3A_408 = arith.constant 0 : i32
      %dma_start3A_409 = tpu.memref_slice %arg9[%mul3A_51, %dma_start3A_408] : memref<10240x8xf32, #tpu.memory_space<vmem_shared>> -> memref<640x8xf32, #tpu.memory_space<vmem_shared>>
      %dma_start3A_410 = arith.constant 0 : i32
      %dma_start3A_411 = tpu.memref_slice %arg5[%mul3A_49, %dma_start3A_410] : memref<10240x8xf32, #tpu.memory_space<hbm>> -> memref<640x8xf32, #tpu.memory_space<hbm>>
      tpu.enqueue_dma source(%dma_start3A_411 : memref<640x8xf32, #tpu.memory_space<hbm>>) target(%dma_start3A_409 : memref<640x8xf32, #tpu.memory_space<vmem_shared>>) target_semaphore(%run_scoped3A : memref<!tpu.dma_semaphore, #tpu.memory_space<semaphore_mem>>)
      %dma_wait3A = arith.constant 0 : i32
      %dma_wait3A_412 = tpu.memref_slice %arg9[%mul3A_51, %dma_wait3A] : memref<10240x8xf32, #tpu.memory_space<vmem_shared>> -> memref<640x8xf32, #tpu.memory_space<vmem_shared>>
      %dma_wait3A_413 = arith.constant 0 : i32
      %dma_wait3A_414 = tpu.memref_slice %arg5[%mul3A_49, %dma_wait3A_413] : memref<10240x8xf32, #tpu.memory_space<hbm>> -> memref<640x8xf32, #tpu.memory_space<hbm>>
      tpu.wait_dma2 semaphore(%run_scoped3A : memref<!tpu.dma_semaphore, #tpu.memory_space<semaphore_mem>>) src(%dma_wait3A_414 : memref<640x8xf32, #tpu.memory_space<hbm>>) dst(%dma_wait3A_412 : memref<640x8xf32, #tpu.memory_space<vmem_shared>>)
      tpu.yield
    }) : () -> ()
    "tpu.region"() ({
      %run_scoped3A = tpu.sem_alloc : memref<!tpu.dma_semaphore, #tpu.memory_space<semaphore_mem>>
      %dma_start3A_408 = arith.constant 0 : i32
      %dma_start3A_409 = tpu.memref_slice %arg3[%select_n3A, %dma_start3A_408] : memref<2500x128xi32, #tpu.memory_space<hbm>> -> memref<79x128xi32, #tpu.memory_space<hbm>>
      %dma_start3A_410 = arith.constant 0 : i32
      %dma_start3A_411 = tpu.memref_slice %arg3[%select_n3A, %dma_start3A_410] : memref<2500x128xi32, #tpu.memory_space<hbm>> -> memref<79x128xi32, #tpu.memory_space<hbm>>
      tpu.enqueue_dma source(%dma_start3A_411 : memref<79x128xi32, #tpu.memory_space<hbm>>) target(%arg7 : memref<79x128xi32, #tpu.memory_space<vmem>>) target_semaphore(%run_scoped3A : memref<!tpu.dma_semaphore, #tpu.memory_space<semaphore_mem>>)
      %dma_wait3A = arith.constant 0 : i32
      %dma_wait3A_412 = tpu.memref_slice %arg3[%select_n3A, %dma_wait3A] : memref<2500x128xi32, #tpu.memory_space<hbm>> -> memref<79x128xi32, #tpu.memory_space<hbm>>
      %dma_wait3A_413 = arith.constant 0 : i32
      %dma_wait3A_414 = tpu.memref_slice %arg3[%select_n3A, %dma_wait3A_413] : memref<2500x128xi32, #tpu.memory_space<hbm>> -> memref<79x128xi32, #tpu.memory_space<hbm>>
      tpu.wait_dma2 semaphore(%run_scoped3A : memref<!tpu.dma_semaphore, #tpu.memory_space<semaphore_mem>>) src(%dma_wait3A_414 : memref<79x128xi32, #tpu.memory_space<hbm>>) dst(%arg7 : memref<79x128xi32, #tpu.memory_space<vmem>>)
      tpu.yield
    }) : () -> ()
    "tpu.region"() ({
      %run_scoped3A = tpu.sem_alloc : memref<!tpu.dma_semaphore, #tpu.memory_space<semaphore_mem>>
      %dma_start3A_408 = arith.constant 0 : i32
      %dma_start3A_409 = tpu.memref_slice %arg4[%select_n3A, %dma_start3A_408] : memref<2500x128xi32, #tpu.memory_space<hbm>> -> memref<79x128xi32, #tpu.memory_space<hbm>>
      %dma_start3A_410 = arith.constant 0 : i32
      %dma_start3A_411 = tpu.memref_slice %arg4[%select_n3A, %dma_start3A_410] : memref<2500x128xi32, #tpu.memory_space<hbm>> -> memref<79x128xi32, #tpu.memory_space<hbm>>
      tpu.enqueue_dma source(%dma_start3A_411 : memref<79x128xi32, #tpu.memory_space<hbm>>) target(%arg8 : memref<79x128xi32, #tpu.memory_space<vmem>>) target_semaphore(%run_scoped3A : memref<!tpu.dma_semaphore, #tpu.memory_space<semaphore_mem>>)
      %dma_wait3A = arith.constant 0 : i32
      %dma_wait3A_412 = tpu.memref_slice %arg4[%select_n3A, %dma_wait3A] : memref<2500x128xi32, #tpu.memory_space<hbm>> -> memref<79x128xi32, #tpu.memory_space<hbm>>
      %dma_wait3A_413 = arith.constant 0 : i32
      %dma_wait3A_414 = tpu.memref_slice %arg4[%select_n3A, %dma_wait3A_413] : memref<2500x128xi32, #tpu.memory_space<hbm>> -> memref<79x128xi32, #tpu.memory_space<hbm>>
      tpu.wait_dma2 semaphore(%run_scoped3A : memref<!tpu.dma_semaphore, #tpu.memory_space<semaphore_mem>>) src(%dma_wait3A_414 : memref<79x128xi32, #tpu.memory_space<hbm>>) dst(%arg8 : memref<79x128xi32, #tpu.memory_space<vmem>>)
      tpu.yield
    }) : () -> ()
    %barrier3A = arith.constant 0 : index
    tpu.barrier barrier_id(%barrier3A)
    %dma_start3A = arith.constant 0 : i32
    %dma_start3A_52 = arith.constant 0 : i32
    %dma_start3A_53 = tpu.memref_slice %arg7[%dma_start3A, %dma_start3A_52] : memref<79x128xi32, #tpu.memory_space<vmem>> -> memref<1x128xi32, #tpu.memory_space<vmem>>
    %dma_start3A_54 = tpu.memref_squeeze %dma_start3A_53 : memref<1x128xi32, #tpu.memory_space<vmem>> -> memref<128xi32, #tpu.memory_space<vmem>>
    %dma_start3A_55 = arith.constant 0 : i32
    %dma_start3A_56 = arith.constant 0 : i32
    %dma_start3A_57 = tpu.memref_slice %arg2[%dma_start3A_55, %dma_start3A_56] : memref<10240x8xf32, #tpu.memory_space<hbm>> -> memref<10240x8xf32, #tpu.memory_space<hbm>>
    tpu.enqueue_indirect_dma source(%dma_start3A_57 : memref<10240x8xf32, #tpu.memory_space<hbm>>) target(%arg10 : memref<128x8xf32, #tpu.memory_space<vmem>>) offsets(%dma_start3A_54 : memref<128xi32, #tpu.memory_space<vmem>>) semaphore(%arg18 : memref<!tpu.dma_semaphore, #tpu.memory_space<semaphore_mem>>)
    %dma_start3A_58 = arith.constant 1 : i32
    %dma_start3A_59 = arith.constant 0 : i32
    %dma_start3A_60 = tpu.memref_slice %arg7[%dma_start3A_58, %dma_start3A_59] : memref<79x128xi32, #tpu.memory_space<vmem>> -> memref<1x128xi32, #tpu.memory_space<vmem>>
    %dma_start3A_61 = tpu.memref_squeeze %dma_start3A_60 : memref<1x128xi32, #tpu.memory_space<vmem>> -> memref<128xi32, #tpu.memory_space<vmem>>
    %dma_start3A_62 = arith.constant 0 : i32
    %dma_start3A_63 = arith.constant 0 : i32
    %dma_start3A_64 = tpu.memref_slice %arg2[%dma_start3A_62, %dma_start3A_63] : memref<10240x8xf32, #tpu.memory_space<hbm>> -> memref<10240x8xf32, #tpu.memory_space<hbm>>
    tpu.enqueue_indirect_dma source(%dma_start3A_64 : memref<10240x8xf32, #tpu.memory_space<hbm>>) target(%arg11 : memref<128x8xf32, #tpu.memory_space<vmem>>) offsets(%dma_start3A_61 : memref<128xi32, #tpu.memory_space<vmem>>) semaphore(%arg19 : memref<!tpu.dma_semaphore, #tpu.memory_space<semaphore_mem>>)
    %dma_start3A_65 = arith.constant 2 : i32
    %dma_start3A_66 = arith.constant 0 : i32
    %dma_start3A_67 = tpu.memref_slice %arg7[%dma_start3A_65, %dma_start3A_66] : memref<79x128xi32, #tpu.memory_space<vmem>> -> memref<1x128xi32, #tpu.memory_space<vmem>>
    %dma_start3A_68 = tpu.memref_squeeze %dma_start3A_67 : memref<1x128xi32, #tpu.memory_space<vmem>> -> memref<128xi32, #tpu.memory_space<vmem>>
    %dma_start3A_69 = arith.constant 0 : i32
    %dma_start3A_70 = arith.constant 0 : i32
    %dma_start3A_71 = tpu.memref_slice %arg2[%dma_start3A_69, %dma_start3A_70] : memref<10240x8xf32, #tpu.memory_space<hbm>> -> memref<10240x8xf32, #tpu.memory_space<hbm>>
    tpu.enqueue_indirect_dma source(%dma_start3A_71 : memref<10240x8xf32, #tpu.memory_space<hbm>>) target(%arg12 : memref<128x8xf32, #tpu.memory_space<vmem>>) offsets(%dma_start3A_68 : memref<128xi32, #tpu.memory_space<vmem>>) semaphore(%arg20 : memref<!tpu.dma_semaphore, #tpu.memory_space<semaphore_mem>>)
    %dma_start3A_72 = arith.constant 3 : i32
    %dma_start3A_73 = arith.constant 0 : i32
    %dma_start3A_74 = tpu.memref_slice %arg7[%dma_start3A_72, %dma_start3A_73] : memref<79x128xi32, #tpu.memory_space<vmem>> -> memref<1x128xi32, #tpu.memory_space<vmem>>
    %dma_start3A_75 = tpu.memref_squeeze %dma_start3A_74 : memref<1x128xi32, #tpu.memory_space<vmem>> -> memref<128xi32, #tpu.memory_space<vmem>>
    %dma_start3A_76 = arith.constant 0 : i32
    %dma_start3A_77 = arith.constant 0 : i32
    %dma_start3A_78 = tpu.memref_slice %arg2[%dma_start3A_76, %dma_start3A_77] : memref<10240x8xf32, #tpu.memory_space<hbm>> -> memref<10240x8xf32, #tpu.memory_space<hbm>>
    tpu.enqueue_indirect_dma source(%dma_start3A_78 : memref<10240x8xf32, #tpu.memory_space<hbm>>) target(%arg13 : memref<128x8xf32, #tpu.memory_space<vmem>>) offsets(%dma_start3A_75 : memref<128xi32, #tpu.memory_space<vmem>>) semaphore(%arg21 : memref<!tpu.dma_semaphore, #tpu.memory_space<semaphore_mem>>)
    %jit3A_79 = arith.constant 8 : i32
    %div3A_80 = arith.divsi %sub3A_47, %jit3A_79 : i32
    %sign3A_81 = arith.constant 0 : i32
    %sign3A_82 = arith.cmpi sgt, %sub3A_47, %sign3A_81 : i32
    %sign3A_83 = arith.extui %sign3A_82 : i1 to i32
    %sign3A_84 = arith.constant 0 : i32
    %sign3A_85 = arith.cmpi slt, %sub3A_47, %sign3A_84 : i32
    %sign3A_86 = arith.extui %sign3A_85 : i1 to i32
    %sign3A_87 = arith.subi %sign3A_83, %sign3A_86 : i32
    %sign3A_88 = arith.constant 0 : i32
    %sign3A_89 = arith.cmpi sgt, %jit3A_79, %sign3A_88 : i32
    %sign3A_90 = arith.extui %sign3A_89 : i1 to i32
    %sign3A_91 = arith.constant 0 : i32
    %sign3A_92 = arith.cmpi slt, %jit3A_79, %sign3A_91 : i32
    %sign3A_93 = arith.extui %sign3A_92 : i1 to i32
    %sign3A_94 = arith.subi %sign3A_90, %sign3A_93 : i32
    %ne3A_95 = arith.cmpi ne, %sign3A_87, %sign3A_94 : i32
    %rem3A_96 = arith.remsi %sub3A_47, %jit3A_79 : i32
    %ne3A_97 = arith.constant 0 : i32
    %ne3A_98 = arith.cmpi ne, %rem3A_96, %ne3A_97 : i32
    %and3A_99 = arith.andi %ne3A_95, %ne3A_98 : i1
    %sub3A_100 = arith.constant 1 : i32
    %sub3A_101 = arith.subi %div3A_80, %sub3A_100 : i32
    %select_n3A_102 = arith.select %and3A_99, %sub3A_101, %div3A_80 : i32
    %while3A = arith.constant 0 : i32
    %while3A_103 = arith.constant 0 : i32
    %while3A_104 = arith.subi %select_n3A_102, %while3A_103 : i32
    %while3A_105 = arith.addi %while3A_103, %while3A_104 : i32
    %while3A_106 = arith.constant 1 : i32
    %while3A_107 = arith.divsi %while3A_104, %while3A_106 : i32
    %while3A_108 = arith.muli %while3A_107, %while3A_106 : i32
    %while3A_109 = arith.addi %while3A_103, %while3A_108 : i32
    %while3A_110 = arith.constant 1 : i32
    scf.for %while3A_408 = %while3A_103 to %while3A_109 step %while3A_110  : i32 {
      %mul3A_409 = arith.constant 8 : i32
      %mul3A_410 = arith.muli %mul3A_409, %while3A_408 : i32
      %add3A_411 = arith.constant 0 : i32
      %add3A_412 = arith.addi %mul3A_410, %add3A_411 : i32
      %ge3A_413 = arith.constant 4 : i32
      %ge3A_414 = arith.cmpi sge, %add3A_412, %ge3A_413 : i32
      %convert_element_type3A_415 = arith.extui %ge3A_414 : i1 to i32
      %cond3A_416 = arith.constant 0 : i32
      %cond3A_417 = arith.cmpi ne, %convert_element_type3A_415, %cond3A_416 : i32
      scf.if %cond3A_417 {
        %sub3A_624 = arith.constant 4 : i32
        %sub3A_625 = arith.subi %add3A_412, %sub3A_624 : i32
        %dma_wait3A_626 = arith.constant 0 : i32
        %dma_wait3A_627 = tpu.memref_slice %arg8[%sub3A_625, %dma_wait3A_626] : memref<79x128xi32, #tpu.memory_space<vmem>> -> memref<1x128xi32, #tpu.memory_space<vmem>>
        %dma_wait3A_628 = tpu.memref_squeeze %dma_wait3A_627 : memref<1x128xi32, #tpu.memory_space<vmem>> -> memref<128xi32, #tpu.memory_space<vmem>>
        %dma_wait3A_629 = arith.constant 0 : i32
        %dma_wait3A_630 = arith.constant 0 : i32
        %dma_wait3A_631 = tpu.memref_slice %arg9[%dma_wait3A_629, %dma_wait3A_630] : memref<10240x8xf32, #tpu.memory_space<vmem_shared>> -> memref<10240x8xf32, #tpu.memory_space<vmem_shared>>
        tpu.wait_indirect_dma semaphore(%arg30 : memref<!tpu.dma_semaphore, #tpu.memory_space<semaphore_mem>>) src(%arg14 : memref<128x8xf32, #tpu.memory_space<vmem>>) dst(%dma_wait3A_631 : memref<10240x8xf32, #tpu.memory_space<vmem_shared>>)
      } else {
      }
      %add3A_418 = arith.constant 4 : i32
      %add3A_419 = arith.addi %add3A_412, %add3A_418 : i32
      %lt3A_420 = arith.cmpi slt, %add3A_419, %sub3A_47 : i32
      %convert_element_type3A_421 = arith.extui %lt3A_420 : i1 to i32
      %cond3A_422 = arith.constant 0 : i32
      %cond3A_423 = arith.cmpi ne, %convert_element_type3A_421, %cond3A_422 : i32
      scf.if %cond3A_423 {
        %add3A_624 = arith.constant 4 : i32
        %add3A_625 = arith.addi %add3A_412, %add3A_624 : i32
        %dma_start3A_626 = arith.constant 0 : i32
        %dma_start3A_627 = tpu.memref_slice %arg7[%add3A_625, %dma_start3A_626] : memref<79x128xi32, #tpu.memory_space<vmem>> -> memref<1x128xi32, #tpu.memory_space<vmem>>
        %dma_start3A_628 = tpu.memref_squeeze %dma_start3A_627 : memref<1x128xi32, #tpu.memory_space<vmem>> -> memref<128xi32, #tpu.memory_space<vmem>>
        %dma_start3A_629 = arith.constant 0 : i32
        %dma_start3A_630 = arith.constant 0 : i32
        %dma_start3A_631 = tpu.memref_slice %arg2[%dma_start3A_629, %dma_start3A_630] : memref<10240x8xf32, #tpu.memory_space<hbm>> -> memref<10240x8xf32, #tpu.memory_space<hbm>>
        tpu.enqueue_indirect_dma source(%dma_start3A_631 : memref<10240x8xf32, #tpu.memory_space<hbm>>) target(%arg14 : memref<128x8xf32, #tpu.memory_space<vmem>>) offsets(%dma_start3A_628 : memref<128xi32, #tpu.memory_space<vmem>>) semaphore(%arg22 : memref<!tpu.dma_semaphore, #tpu.memory_space<semaphore_mem>>)
      } else {
      }
      %dma_wait3A = arith.constant 0 : i32
      %dma_wait3A_424 = tpu.memref_slice %arg7[%add3A_412, %dma_wait3A] : memref<79x128xi32, #tpu.memory_space<vmem>> -> memref<1x128xi32, #tpu.memory_space<vmem>>
      %dma_wait3A_425 = tpu.memref_squeeze %dma_wait3A_424 : memref<1x128xi32, #tpu.memory_space<vmem>> -> memref<128xi32, #tpu.memory_space<vmem>>
      %dma_wait3A_426 = arith.constant 0 : i32
      %dma_wait3A_427 = arith.constant 0 : i32
      %dma_wait3A_428 = tpu.memref_slice %arg2[%dma_wait3A_426, %dma_wait3A_427] : memref<10240x8xf32, #tpu.memory_space<hbm>> -> memref<10240x8xf32, #tpu.memory_space<hbm>>
      tpu.wait_indirect_dma semaphore(%arg18 : memref<!tpu.dma_semaphore, #tpu.memory_space<semaphore_mem>>) src(%dma_wait3A_428 : memref<10240x8xf32, #tpu.memory_space<hbm>>) dst(%arg10 : memref<128x8xf32, #tpu.memory_space<vmem>>)
      %dma_start3A_429 = arith.constant 0 : i32
      %dma_start3A_430 = tpu.memref_slice %arg8[%add3A_412, %dma_start3A_429] : memref<79x128xi32, #tpu.memory_space<vmem>> -> memref<1x128xi32, #tpu.memory_space<vmem>>
      %dma_start3A_431 = tpu.memref_squeeze %dma_start3A_430 : memref<1x128xi32, #tpu.memory_space<vmem>> -> memref<128xi32, #tpu.memory_space<vmem>>
      %dma_start3A_432 = arith.constant 0 : i32
      %dma_start3A_433 = arith.constant 0 : i32
      %dma_start3A_434 = tpu.memref_slice %arg9[%dma_start3A_432, %dma_start3A_433] : memref<10240x8xf32, #tpu.memory_space<vmem_shared>> -> memref<10240x8xf32, #tpu.memory_space<vmem_shared>>
      tpu.enqueue_indirect_dma source(%arg10 : memref<128x8xf32, #tpu.memory_space<vmem>>) target(%dma_start3A_434 : memref<10240x8xf32, #tpu.memory_space<vmem_shared>>) offsets(%dma_start3A_431 : memref<128xi32, #tpu.memory_space<vmem>>) semaphore(%arg26 : memref<!tpu.dma_semaphore, #tpu.memory_space<semaphore_mem>>) {add = true}
      %mul3A_435 = arith.constant 8 : i32
      %mul3A_436 = arith.muli %mul3A_435, %while3A_408 : i32
      %add3A_437 = arith.constant 1 : i32
      %add3A_438 = arith.addi %mul3A_436, %add3A_437 : i32
      %ge3A_439 = arith.constant 4 : i32
      %ge3A_440 = arith.cmpi sge, %add3A_438, %ge3A_439 : i32
      %convert_element_type3A_441 = arith.extui %ge3A_440 : i1 to i32
      %cond3A_442 = arith.constant 0 : i32
      %cond3A_443 = arith.cmpi ne, %convert_element_type3A_441, %cond3A_442 : i32
      scf.if %cond3A_443 {
        %sub3A_624 = arith.constant 4 : i32
        %sub3A_625 = arith.subi %add3A_438, %sub3A_624 : i32
        %dma_wait3A_626 = arith.constant 0 : i32
        %dma_wait3A_627 = tpu.memref_slice %arg8[%sub3A_625, %dma_wait3A_626] : memref<79x128xi32, #tpu.memory_space<vmem>> -> memref<1x128xi32, #tpu.memory_space<vmem>>
        %dma_wait3A_628 = tpu.memref_squeeze %dma_wait3A_627 : memref<1x128xi32, #tpu.memory_space<vmem>> -> memref<128xi32, #tpu.memory_space<vmem>>
        %dma_wait3A_629 = arith.constant 0 : i32
        %dma_wait3A_630 = arith.constant 0 : i32
        %dma_wait3A_631 = tpu.memref_slice %arg9[%dma_wait3A_629, %dma_wait3A_630] : memref<10240x8xf32, #tpu.memory_space<vmem_shared>> -> memref<10240x8xf32, #tpu.memory_space<vmem_shared>>
        tpu.wait_indirect_dma semaphore(%arg31 : memref<!tpu.dma_semaphore, #tpu.memory_space<semaphore_mem>>) src(%arg15 : memref<128x8xf32, #tpu.memory_space<vmem>>) dst(%dma_wait3A_631 : memref<10240x8xf32, #tpu.memory_space<vmem_shared>>)
      } else {
      }
      %add3A_444 = arith.constant 4 : i32
      %add3A_445 = arith.addi %add3A_438, %add3A_444 : i32
      %lt3A_446 = arith.cmpi slt, %add3A_445, %sub3A_47 : i32
      %convert_element_type3A_447 = arith.extui %lt3A_446 : i1 to i32
      %cond3A_448 = arith.constant 0 : i32
      %cond3A_449 = arith.cmpi ne, %convert_element_type3A_447, %cond3A_448 : i32
      scf.if %cond3A_449 {
        %add3A_624 = arith.constant 4 : i32
        %add3A_625 = arith.addi %add3A_438, %add3A_624 : i32
        %dma_start3A_626 = arith.constant 0 : i32
        %dma_start3A_627 = tpu.memref_slice %arg7[%add3A_625, %dma_start3A_626] : memref<79x128xi32, #tpu.memory_space<vmem>> -> memref<1x128xi32, #tpu.memory_space<vmem>>
        %dma_start3A_628 = tpu.memref_squeeze %dma_start3A_627 : memref<1x128xi32, #tpu.memory_space<vmem>> -> memref<128xi32, #tpu.memory_space<vmem>>
        %dma_start3A_629 = arith.constant 0 : i32
        %dma_start3A_630 = arith.constant 0 : i32
        %dma_start3A_631 = tpu.memref_slice %arg2[%dma_start3A_629, %dma_start3A_630] : memref<10240x8xf32, #tpu.memory_space<hbm>> -> memref<10240x8xf32, #tpu.memory_space<hbm>>
        tpu.enqueue_indirect_dma source(%dma_start3A_631 : memref<10240x8xf32, #tpu.memory_space<hbm>>) target(%arg15 : memref<128x8xf32, #tpu.memory_space<vmem>>) offsets(%dma_start3A_628 : memref<128xi32, #tpu.memory_space<vmem>>) semaphore(%arg23 : memref<!tpu.dma_semaphore, #tpu.memory_space<semaphore_mem>>)
      } else {
      }
      %dma_wait3A_450 = arith.constant 0 : i32
      %dma_wait3A_451 = tpu.memref_slice %arg7[%add3A_438, %dma_wait3A_450] : memref<79x128xi32, #tpu.memory_space<vmem>> -> memref<1x128xi32, #tpu.memory_space<vmem>>
      %dma_wait3A_452 = tpu.memref_squeeze %dma_wait3A_451 : memref<1x128xi32, #tpu.memory_space<vmem>> -> memref<128xi32, #tpu.memory_space<vmem>>
      %dma_wait3A_453 = arith.constant 0 : i32
      %dma_wait3A_454 = arith.constant 0 : i32
      %dma_wait3A_455 = tpu.memref_slice %arg2[%dma_wait3A_453, %dma_wait3A_454] : memref<10240x8xf32, #tpu.memory_space<hbm>> -> memref<10240x8xf32, #tpu.memory_space<hbm>>
      tpu.wait_indirect_dma semaphore(%arg19 : memref<!tpu.dma_semaphore, #tpu.memory_space<semaphore_mem>>) src(%dma_wait3A_455 : memref<10240x8xf32, #tpu.memory_space<hbm>>) dst(%arg11 : memref<128x8xf32, #tpu.memory_space<vmem>>)
      %dma_start3A_456 = arith.constant 0 : i32
      %dma_start3A_457 = tpu.memref_slice %arg8[%add3A_438, %dma_start3A_456] : memref<79x128xi32, #tpu.memory_space<vmem>> -> memref<1x128xi32, #tpu.memory_space<vmem>>
      %dma_start3A_458 = tpu.memref_squeeze %dma_start3A_457 : memref<1x128xi32, #tpu.memory_space<vmem>> -> memref<128xi32, #tpu.memory_space<vmem>>
      %dma_start3A_459 = arith.constant 0 : i32
      %dma_start3A_460 = arith.constant 0 : i32
      %dma_start3A_461 = tpu.memref_slice %arg9[%dma_start3A_459, %dma_start3A_460] : memref<10240x8xf32, #tpu.memory_space<vmem_shared>> -> memref<10240x8xf32, #tpu.memory_space<vmem_shared>>
      tpu.enqueue_indirect_dma source(%arg11 : memref<128x8xf32, #tpu.memory_space<vmem>>) target(%dma_start3A_461 : memref<10240x8xf32, #tpu.memory_space<vmem_shared>>) offsets(%dma_start3A_458 : memref<128xi32, #tpu.memory_space<vmem>>) semaphore(%arg27 : memref<!tpu.dma_semaphore, #tpu.memory_space<semaphore_mem>>) {add = true}
      %mul3A_462 = arith.constant 8 : i32
      %mul3A_463 = arith.muli %mul3A_462, %while3A_408 : i32
      %add3A_464 = arith.constant 2 : i32
      %add3A_465 = arith.addi %mul3A_463, %add3A_464 : i32
      %ge3A_466 = arith.constant 4 : i32
      %ge3A_467 = arith.cmpi sge, %add3A_465, %ge3A_466 : i32
      %convert_element_type3A_468 = arith.extui %ge3A_467 : i1 to i32
      %cond3A_469 = arith.constant 0 : i32
      %cond3A_470 = arith.cmpi ne, %convert_element_type3A_468, %cond3A_469 : i32
      scf.if %cond3A_470 {
        %sub3A_624 = arith.constant 4 : i32
        %sub3A_625 = arith.subi %add3A_465, %sub3A_624 : i32
        %dma_wait3A_626 = arith.constant 0 : i32
        %dma_wait3A_627 = tpu.memref_slice %arg8[%sub3A_625, %dma_wait3A_626] : memref<79x128xi32, #tpu.memory_space<vmem>> -> memref<1x128xi32, #tpu.memory_space<vmem>>
        %dma_wait3A_628 = tpu.memref_squeeze %dma_wait3A_627 : memref<1x128xi32, #tpu.memory_space<vmem>> -> memref<128xi32, #tpu.memory_space<vmem>>
        %dma_wait3A_629 = arith.constant 0 : i32
        %dma_wait3A_630 = arith.constant 0 : i32
        %dma_wait3A_631 = tpu.memref_slice %arg9[%dma_wait3A_629, %dma_wait3A_630] : memref<10240x8xf32, #tpu.memory_space<vmem_shared>> -> memref<10240x8xf32, #tpu.memory_space<vmem_shared>>
        tpu.wait_indirect_dma semaphore(%arg32 : memref<!tpu.dma_semaphore, #tpu.memory_space<semaphore_mem>>) src(%arg16 : memref<128x8xf32, #tpu.memory_space<vmem>>) dst(%dma_wait3A_631 : memref<10240x8xf32, #tpu.memory_space<vmem_shared>>)
      } else {
      }
      %add3A_471 = arith.constant 4 : i32
      %add3A_472 = arith.addi %add3A_465, %add3A_471 : i32
      %lt3A_473 = arith.cmpi slt, %add3A_472, %sub3A_47 : i32
      %convert_element_type3A_474 = arith.extui %lt3A_473 : i1 to i32
      %cond3A_475 = arith.constant 0 : i32
      %cond3A_476 = arith.cmpi ne, %convert_element_type3A_474, %cond3A_475 : i32
      scf.if %cond3A_476 {
        %add3A_624 = arith.constant 4 : i32
        %add3A_625 = arith.addi %add3A_465, %add3A_624 : i32
        %dma_start3A_626 = arith.constant 0 : i32
        %dma_start3A_627 = tpu.memref_slice %arg7[%add3A_625, %dma_start3A_626] : memref<79x128xi32, #tpu.memory_space<vmem>> -> memref<1x128xi32, #tpu.memory_space<vmem>>
        %dma_start3A_628 = tpu.memref_squeeze %dma_start3A_627 : memref<1x128xi32, #tpu.memory_space<vmem>> -> memref<128xi32, #tpu.memory_space<vmem>>
        %dma_start3A_629 = arith.constant 0 : i32
        %dma_start3A_630 = arith.constant 0 : i32
        %dma_start3A_631 = tpu.memref_slice %arg2[%dma_start3A_629, %dma_start3A_630] : memref<10240x8xf32, #tpu.memory_space<hbm>> -> memref<10240x8xf32, #tpu.memory_space<hbm>>
        tpu.enqueue_indirect_dma source(%dma_start3A_631 : memref<10240x8xf32, #tpu.memory_space<hbm>>) target(%arg16 : memref<128x8xf32, #tpu.memory_space<vmem>>) offsets(%dma_start3A_628 : memref<128xi32, #tpu.memory_space<vmem>>) semaphore(%arg24 : memref<!tpu.dma_semaphore, #tpu.memory_space<semaphore_mem>>)
      } else {
      }
      %dma_wait3A_477 = arith.constant 0 : i32
      %dma_wait3A_478 = tpu.memref_slice %arg7[%add3A_465, %dma_wait3A_477] : memref<79x128xi32, #tpu.memory_space<vmem>> -> memref<1x128xi32, #tpu.memory_space<vmem>>
      %dma_wait3A_479 = tpu.memref_squeeze %dma_wait3A_478 : memref<1x128xi32, #tpu.memory_space<vmem>> -> memref<128xi32, #tpu.memory_space<vmem>>
      %dma_wait3A_480 = arith.constant 0 : i32
      %dma_wait3A_481 = arith.constant 0 : i32
      %dma_wait3A_482 = tpu.memref_slice %arg2[%dma_wait3A_480, %dma_wait3A_481] : memref<10240x8xf32, #tpu.memory_space<hbm>> -> memref<10240x8xf32, #tpu.memory_space<hbm>>
      tpu.wait_indirect_dma semaphore(%arg20 : memref<!tpu.dma_semaphore, #tpu.memory_space<semaphore_mem>>) src(%dma_wait3A_482 : memref<10240x8xf32, #tpu.memory_space<hbm>>) dst(%arg12 : memref<128x8xf32, #tpu.memory_space<vmem>>)
      %dma_start3A_483 = arith.constant 0 : i32
      %dma_start3A_484 = tpu.memref_slice %arg8[%add3A_465, %dma_start3A_483] : memref<79x128xi32, #tpu.memory_space<vmem>> -> memref<1x128xi32, #tpu.memory_space<vmem>>
      %dma_start3A_485 = tpu.memref_squeeze %dma_start3A_484 : memref<1x128xi32, #tpu.memory_space<vmem>> -> memref<128xi32, #tpu.memory_space<vmem>>
      %dma_start3A_486 = arith.constant 0 : i32
      %dma_start3A_487 = arith.constant 0 : i32
      %dma_start3A_488 = tpu.memref_slice %arg9[%dma_start3A_486, %dma_start3A_487] : memref<10240x8xf32, #tpu.memory_space<vmem_shared>> -> memref<10240x8xf32, #tpu.memory_space<vmem_shared>>
      tpu.enqueue_indirect_dma source(%arg12 : memref<128x8xf32, #tpu.memory_space<vmem>>) target(%dma_start3A_488 : memref<10240x8xf32, #tpu.memory_space<vmem_shared>>) offsets(%dma_start3A_485 : memref<128xi32, #tpu.memory_space<vmem>>) semaphore(%arg28 : memref<!tpu.dma_semaphore, #tpu.memory_space<semaphore_mem>>) {add = true}
      %mul3A_489 = arith.constant 8 : i32
      %mul3A_490 = arith.muli %mul3A_489, %while3A_408 : i32
      %add3A_491 = arith.constant 3 : i32
      %add3A_492 = arith.addi %mul3A_490, %add3A_491 : i32
      %ge3A_493 = arith.constant 4 : i32
      %ge3A_494 = arith.cmpi sge, %add3A_492, %ge3A_493 : i32
      %convert_element_type3A_495 = arith.extui %ge3A_494 : i1 to i32
      %cond3A_496 = arith.constant 0 : i32
      %cond3A_497 = arith.cmpi ne, %convert_element_type3A_495, %cond3A_496 : i32
      scf.if %cond3A_497 {
        %sub3A_624 = arith.constant 4 : i32
        %sub3A_625 = arith.subi %add3A_492, %sub3A_624 : i32
        %dma_wait3A_626 = arith.constant 0 : i32
        %dma_wait3A_627 = tpu.memref_slice %arg8[%sub3A_625, %dma_wait3A_626] : memref<79x128xi32, #tpu.memory_space<vmem>> -> memref<1x128xi32, #tpu.memory_space<vmem>>
        %dma_wait3A_628 = tpu.memref_squeeze %dma_wait3A_627 : memref<1x128xi32, #tpu.memory_space<vmem>> -> memref<128xi32, #tpu.memory_space<vmem>>
        %dma_wait3A_629 = arith.constant 0 : i32
        %dma_wait3A_630 = arith.constant 0 : i32
        %dma_wait3A_631 = tpu.memref_slice %arg9[%dma_wait3A_629, %dma_wait3A_630] : memref<10240x8xf32, #tpu.memory_space<vmem_shared>> -> memref<10240x8xf32, #tpu.memory_space<vmem_shared>>
        tpu.wait_indirect_dma semaphore(%arg33 : memref<!tpu.dma_semaphore, #tpu.memory_space<semaphore_mem>>) src(%arg17 : memref<128x8xf32, #tpu.memory_space<vmem>>) dst(%dma_wait3A_631 : memref<10240x8xf32, #tpu.memory_space<vmem_shared>>)
      } else {
      }
      %add3A_498 = arith.constant 4 : i32
      %add3A_499 = arith.addi %add3A_492, %add3A_498 : i32
      %lt3A_500 = arith.cmpi slt, %add3A_499, %sub3A_47 : i32
      %convert_element_type3A_501 = arith.extui %lt3A_500 : i1 to i32
      %cond3A_502 = arith.constant 0 : i32
      %cond3A_503 = arith.cmpi ne, %convert_element_type3A_501, %cond3A_502 : i32
      scf.if %cond3A_503 {
        %add3A_624 = arith.constant 4 : i32
        %add3A_625 = arith.addi %add3A_492, %add3A_624 : i32
        %dma_start3A_626 = arith.constant 0 : i32
        %dma_start3A_627 = tpu.memref_slice %arg7[%add3A_625, %dma_start3A_626] : memref<79x128xi32, #tpu.memory_space<vmem>> -> memref<1x128xi32, #tpu.memory_space<vmem>>
        %dma_start3A_628 = tpu.memref_squeeze %dma_start3A_627 : memref<1x128xi32, #tpu.memory_space<vmem>> -> memref<128xi32, #tpu.memory_space<vmem>>
        %dma_start3A_629 = arith.constant 0 : i32
        %dma_start3A_630 = arith.constant 0 : i32
        %dma_start3A_631 = tpu.memref_slice %arg2[%dma_start3A_629, %dma_start3A_630] : memref<10240x8xf32, #tpu.memory_space<hbm>> -> memref<10240x8xf32, #tpu.memory_space<hbm>>
        tpu.enqueue_indirect_dma source(%dma_start3A_631 : memref<10240x8xf32, #tpu.memory_space<hbm>>) target(%arg17 : memref<128x8xf32, #tpu.memory_space<vmem>>) offsets(%dma_start3A_628 : memref<128xi32, #tpu.memory_space<vmem>>) semaphore(%arg25 : memref<!tpu.dma_semaphore, #tpu.memory_space<semaphore_mem>>)
      } else {
      }
      %dma_wait3A_504 = arith.constant 0 : i32
      %dma_wait3A_505 = tpu.memref_slice %arg7[%add3A_492, %dma_wait3A_504] : memref<79x128xi32, #tpu.memory_space<vmem>> -> memref<1x128xi32, #tpu.memory_space<vmem>>
      %dma_wait3A_506 = tpu.memref_squeeze %dma_wait3A_505 : memref<1x128xi32, #tpu.memory_space<vmem>> -> memref<128xi32, #tpu.memory_space<vmem>>
      %dma_wait3A_507 = arith.constant 0 : i32
      %dma_wait3A_508 = arith.constant 0 : i32
      %dma_wait3A_509 = tpu.memref_slice %arg2[%dma_wait3A_507, %dma_wait3A_508] : memref<10240x8xf32, #tpu.memory_space<hbm>> -> memref<10240x8xf32, #tpu.memory_space<hbm>>
      tpu.wait_indirect_dma semaphore(%arg21 : memref<!tpu.dma_semaphore, #tpu.memory_space<semaphore_mem>>) src(%dma_wait3A_509 : memref<10240x8xf32, #tpu.memory_space<hbm>>) dst(%arg13 : memref<128x8xf32, #tpu.memory_space<vmem>>)
      %dma_start3A_510 = arith.constant 0 : i32
      %dma_start3A_511 = tpu.memref_slice %arg8[%add3A_492, %dma_start3A_510] : memref<79x128xi32, #tpu.memory_space<vmem>> -> memref<1x128xi32, #tpu.memory_space<vmem>>
      %dma_start3A_512 = tpu.memref_squeeze %dma_start3A_511 : memref<1x128xi32, #tpu.memory_space<vmem>> -> memref<128xi32, #tpu.memory_space<vmem>>
      %dma_start3A_513 = arith.constant 0 : i32
      %dma_start3A_514 = arith.constant 0 : i32
      %dma_start3A_515 = tpu.memref_slice %arg9[%dma_start3A_513, %dma_start3A_514] : memref<10240x8xf32, #tpu.memory_space<vmem_shared>> -> memref<10240x8xf32, #tpu.memory_space<vmem_shared>>
      tpu.enqueue_indirect_dma source(%arg13 : memref<128x8xf32, #tpu.memory_space<vmem>>) target(%dma_start3A_515 : memref<10240x8xf32, #tpu.memory_space<vmem_shared>>) offsets(%dma_start3A_512 : memref<128xi32, #tpu.memory_space<vmem>>) semaphore(%arg29 : memref<!tpu.dma_semaphore, #tpu.memory_space<semaphore_mem>>) {add = true}
      %mul3A_516 = arith.constant 8 : i32
      %mul3A_517 = arith.muli %mul3A_516, %while3A_408 : i32
      %add3A_518 = arith.constant 4 : i32
      %add3A_519 = arith.addi %mul3A_517, %add3A_518 : i32
      %ge3A_520 = arith.constant 4 : i32
      %ge3A_521 = arith.cmpi sge, %add3A_519, %ge3A_520 : i32
      %convert_element_type3A_522 = arith.extui %ge3A_521 : i1 to i32
      %cond3A_523 = arith.constant 0 : i32
      %cond3A_524 = arith.cmpi ne, %convert_element_type3A_522, %cond3A_523 : i32
      scf.if %cond3A_524 {
        %sub3A_624 = arith.constant 4 : i32
        %sub3A_625 = arith.subi %add3A_519, %sub3A_624 : i32
        %dma_wait3A_626 = arith.constant 0 : i32
        %dma_wait3A_627 = tpu.memref_slice %arg8[%sub3A_625, %dma_wait3A_626] : memref<79x128xi32, #tpu.memory_space<vmem>> -> memref<1x128xi32, #tpu.memory_space<vmem>>
        %dma_wait3A_628 = tpu.memref_squeeze %dma_wait3A_627 : memref<1x128xi32, #tpu.memory_space<vmem>> -> memref<128xi32, #tpu.memory_space<vmem>>
        %dma_wait3A_629 = arith.constant 0 : i32
        %dma_wait3A_630 = arith.constant 0 : i32
        %dma_wait3A_631 = tpu.memref_slice %arg9[%dma_wait3A_629, %dma_wait3A_630] : memref<10240x8xf32, #tpu.memory_space<vmem_shared>> -> memref<10240x8xf32, #tpu.memory_space<vmem_shared>>
        tpu.wait_indirect_dma semaphore(%arg26 : memref<!tpu.dma_semaphore, #tpu.memory_space<semaphore_mem>>) src(%arg10 : memref<128x8xf32, #tpu.memory_space<vmem>>) dst(%dma_wait3A_631 : memref<10240x8xf32, #tpu.memory_space<vmem_shared>>)
      } else {
      }
      %add3A_525 = arith.constant 4 : i32
      %add3A_526 = arith.addi %add3A_519, %add3A_525 : i32
      %lt3A_527 = arith.cmpi slt, %add3A_526, %sub3A_47 : i32
      %convert_element_type3A_528 = arith.extui %lt3A_527 : i1 to i32
      %cond3A_529 = arith.constant 0 : i32
      %cond3A_530 = arith.cmpi ne, %convert_element_type3A_528, %cond3A_529 : i32
      scf.if %cond3A_530 {
        %add3A_624 = arith.constant 4 : i32
        %add3A_625 = arith.addi %add3A_519, %add3A_624 : i32
        %dma_start3A_626 = arith.constant 0 : i32
        %dma_start3A_627 = tpu.memref_slice %arg7[%add3A_625, %dma_start3A_626] : memref<79x128xi32, #tpu.memory_space<vmem>> -> memref<1x128xi32, #tpu.memory_space<vmem>>
        %dma_start3A_628 = tpu.memref_squeeze %dma_start3A_627 : memref<1x128xi32, #tpu.memory_space<vmem>> -> memref<128xi32, #tpu.memory_space<vmem>>
        %dma_start3A_629 = arith.constant 0 : i32
        %dma_start3A_630 = arith.constant 0 : i32
        %dma_start3A_631 = tpu.memref_slice %arg2[%dma_start3A_629, %dma_start3A_630] : memref<10240x8xf32, #tpu.memory_space<hbm>> -> memref<10240x8xf32, #tpu.memory_space<hbm>>
        tpu.enqueue_indirect_dma source(%dma_start3A_631 : memref<10240x8xf32, #tpu.memory_space<hbm>>) target(%arg10 : memref<128x8xf32, #tpu.memory_space<vmem>>) offsets(%dma_start3A_628 : memref<128xi32, #tpu.memory_space<vmem>>) semaphore(%arg18 : memref<!tpu.dma_semaphore, #tpu.memory_space<semaphore_mem>>)
      } else {
      }
      %dma_wait3A_531 = arith.constant 0 : i32
      %dma_wait3A_532 = tpu.memref_slice %arg7[%add3A_519, %dma_wait3A_531] : memref<79x128xi32, #tpu.memory_space<vmem>> -> memref<1x128xi32, #tpu.memory_space<vmem>>
      %dma_wait3A_533 = tpu.memref_squeeze %dma_wait3A_532 : memref<1x128xi32, #tpu.memory_space<vmem>> -> memref<128xi32, #tpu.memory_space<vmem>>
      %dma_wait3A_534 = arith.constant 0 : i32
      %dma_wait3A_535 = arith.constant 0 : i32
      %dma_wait3A_536 = tpu.memref_slice %arg2[%dma_wait3A_534, %dma_wait3A_535] : memref<10240x8xf32, #tpu.memory_space<hbm>> -> memref<10240x8xf32, #tpu.memory_space<hbm>>
      tpu.wait_indirect_dma semaphore(%arg22 : memref<!tpu.dma_semaphore, #tpu.memory_space<semaphore_mem>>) src(%dma_wait3A_536 : memref<10240x8xf32, #tpu.memory_space<hbm>>) dst(%arg14 : memref<128x8xf32, #tpu.memory_space<vmem>>)
      %dma_start3A_537 = arith.constant 0 : i32
      %dma_start3A_538 = tpu.memref_slice %arg8[%add3A_519, %dma_start3A_537] : memref<79x128xi32, #tpu.memory_space<vmem>> -> memref<1x128xi32, #tpu.memory_space<vmem>>
      %dma_start3A_539 = tpu.memref_squeeze %dma_start3A_538 : memref<1x128xi32, #tpu.memory_space<vmem>> -> memref<128xi32, #tpu.memory_space<vmem>>
      %dma_start3A_540 = arith.constant 0 : i32
      %dma_start3A_541 = arith.constant 0 : i32
      %dma_start3A_542 = tpu.memref_slice %arg9[%dma_start3A_540, %dma_start3A_541] : memref<10240x8xf32, #tpu.memory_space<vmem_shared>> -> memref<10240x8xf32, #tpu.memory_space<vmem_shared>>
      tpu.enqueue_indirect_dma source(%arg14 : memref<128x8xf32, #tpu.memory_space<vmem>>) target(%dma_start3A_542 : memref<10240x8xf32, #tpu.memory_space<vmem_shared>>) offsets(%dma_start3A_539 : memref<128xi32, #tpu.memory_space<vmem>>) semaphore(%arg30 : memref<!tpu.dma_semaphore, #tpu.memory_space<semaphore_mem>>) {add = true}
      %mul3A_543 = arith.constant 8 : i32
      %mul3A_544 = arith.muli %mul3A_543, %while3A_408 : i32
      %add3A_545 = arith.constant 5 : i32
      %add3A_546 = arith.addi %mul3A_544, %add3A_545 : i32
      %ge3A_547 = arith.constant 4 : i32
      %ge3A_548 = arith.cmpi sge, %add3A_546, %ge3A_547 : i32
      %convert_element_type3A_549 = arith.extui %ge3A_548 : i1 to i32
      %cond3A_550 = arith.constant 0 : i32
      %cond3A_551 = arith.cmpi ne, %convert_element_type3A_549, %cond3A_550 : i32
      scf.if %cond3A_551 {
        %sub3A_624 = arith.constant 4 : i32
        %sub3A_625 = arith.subi %add3A_546, %sub3A_624 : i32
        %dma_wait3A_626 = arith.constant 0 : i32
        %dma_wait3A_627 = tpu.memref_slice %arg8[%sub3A_625, %dma_wait3A_626] : memref<79x128xi32, #tpu.memory_space<vmem>> -> memref<1x128xi32, #tpu.memory_space<vmem>>
        %dma_wait3A_628 = tpu.memref_squeeze %dma_wait3A_627 : memref<1x128xi32, #tpu.memory_space<vmem>> -> memref<128xi32, #tpu.memory_space<vmem>>
        %dma_wait3A_629 = arith.constant 0 : i32
        %dma_wait3A_630 = arith.constant 0 : i32
        %dma_wait3A_631 = tpu.memref_slice %arg9[%dma_wait3A_629, %dma_wait3A_630] : memref<10240x8xf32, #tpu.memory_space<vmem_shared>> -> memref<10240x8xf32, #tpu.memory_space<vmem_shared>>
        tpu.wait_indirect_dma semaphore(%arg27 : memref<!tpu.dma_semaphore, #tpu.memory_space<semaphore_mem>>) src(%arg11 : memref<128x8xf32, #tpu.memory_space<vmem>>) dst(%dma_wait3A_631 : memref<10240x8xf32, #tpu.memory_space<vmem_shared>>)
      } else {
      }
      %add3A_552 = arith.constant 4 : i32
      %add3A_553 = arith.addi %add3A_546, %add3A_552 : i32
      %lt3A_554 = arith.cmpi slt, %add3A_553, %sub3A_47 : i32
      %convert_element_type3A_555 = arith.extui %lt3A_554 : i1 to i32
      %cond3A_556 = arith.constant 0 : i32
      %cond3A_557 = arith.cmpi ne, %convert_element_type3A_555, %cond3A_556 : i32
      scf.if %cond3A_557 {
        %add3A_624 = arith.constant 4 : i32
        %add3A_625 = arith.addi %add3A_546, %add3A_624 : i32
        %dma_start3A_626 = arith.constant 0 : i32
        %dma_start3A_627 = tpu.memref_slice %arg7[%add3A_625, %dma_start3A_626] : memref<79x128xi32, #tpu.memory_space<vmem>> -> memref<1x128xi32, #tpu.memory_space<vmem>>
        %dma_start3A_628 = tpu.memref_squeeze %dma_start3A_627 : memref<1x128xi32, #tpu.memory_space<vmem>> -> memref<128xi32, #tpu.memory_space<vmem>>
        %dma_start3A_629 = arith.constant 0 : i32
        %dma_start3A_630 = arith.constant 0 : i32
        %dma_start3A_631 = tpu.memref_slice %arg2[%dma_start3A_629, %dma_start3A_630] : memref<10240x8xf32, #tpu.memory_space<hbm>> -> memref<10240x8xf32, #tpu.memory_space<hbm>>
        tpu.enqueue_indirect_dma source(%dma_start3A_631 : memref<10240x8xf32, #tpu.memory_space<hbm>>) target(%arg11 : memref<128x8xf32, #tpu.memory_space<vmem>>) offsets(%dma_start3A_628 : memref<128xi32, #tpu.memory_space<vmem>>) semaphore(%arg19 : memref<!tpu.dma_semaphore, #tpu.memory_space<semaphore_mem>>)
      } else {
      }
      %dma_wait3A_558 = arith.constant 0 : i32
      %dma_wait3A_559 = tpu.memref_slice %arg7[%add3A_546, %dma_wait3A_558] : memref<79x128xi32, #tpu.memory_space<vmem>> -> memref<1x128xi32, #tpu.memory_space<vmem>>
      %dma_wait3A_560 = tpu.memref_squeeze %dma_wait3A_559 : memref<1x128xi32, #tpu.memory_space<vmem>> -> memref<128xi32, #tpu.memory_space<vmem>>
      %dma_wait3A_561 = arith.constant 0 : i32
      %dma_wait3A_562 = arith.constant 0 : i32
      %dma_wait3A_563 = tpu.memref_slice %arg2[%dma_wait3A_561, %dma_wait3A_562] : memref<10240x8xf32, #tpu.memory_space<hbm>> -> memref<10240x8xf32, #tpu.memory_space<hbm>>
      tpu.wait_indirect_dma semaphore(%arg23 : memref<!tpu.dma_semaphore, #tpu.memory_space<semaphore_mem>>) src(%dma_wait3A_563 : memref<10240x8xf32, #tpu.memory_space<hbm>>) dst(%arg15 : memref<128x8xf32, #tpu.memory_space<vmem>>)
      %dma_start3A_564 = arith.constant 0 : i32
      %dma_start3A_565 = tpu.memref_slice %arg8[%add3A_546, %dma_start3A_564] : memref<79x128xi32, #tpu.memory_space<vmem>> -> memref<1x128xi32, #tpu.memory_space<vmem>>
      %dma_start3A_566 = tpu.memref_squeeze %dma_start3A_565 : memref<1x128xi32, #tpu.memory_space<vmem>> -> memref<128xi32, #tpu.memory_space<vmem>>
      %dma_start3A_567 = arith.constant 0 : i32
      %dma_start3A_568 = arith.constant 0 : i32
      %dma_start3A_569 = tpu.memref_slice %arg9[%dma_start3A_567, %dma_start3A_568] : memref<10240x8xf32, #tpu.memory_space<vmem_shared>> -> memref<10240x8xf32, #tpu.memory_space<vmem_shared>>
      tpu.enqueue_indirect_dma source(%arg15 : memref<128x8xf32, #tpu.memory_space<vmem>>) target(%dma_start3A_569 : memref<10240x8xf32, #tpu.memory_space<vmem_shared>>) offsets(%dma_start3A_566 : memref<128xi32, #tpu.memory_space<vmem>>) semaphore(%arg31 : memref<!tpu.dma_semaphore, #tpu.memory_space<semaphore_mem>>) {add = true}
      %mul3A_570 = arith.constant 8 : i32
      %mul3A_571 = arith.muli %mul3A_570, %while3A_408 : i32
      %add3A_572 = arith.constant 6 : i32
      %add3A_573 = arith.addi %mul3A_571, %add3A_572 : i32
      %ge3A_574 = arith.constant 4 : i32
      %ge3A_575 = arith.cmpi sge, %add3A_573, %ge3A_574 : i32
      %convert_element_type3A_576 = arith.extui %ge3A_575 : i1 to i32
      %cond3A_577 = arith.constant 0 : i32
      %cond3A_578 = arith.cmpi ne, %convert_element_type3A_576, %cond3A_577 : i32
      scf.if %cond3A_578 {
        %sub3A_624 = arith.constant 4 : i32
        %sub3A_625 = arith.subi %add3A_573, %sub3A_624 : i32
        %dma_wait3A_626 = arith.constant 0 : i32
        %dma_wait3A_627 = tpu.memref_slice %arg8[%sub3A_625, %dma_wait3A_626] : memref<79x128xi32, #tpu.memory_space<vmem>> -> memref<1x128xi32, #tpu.memory_space<vmem>>
        %dma_wait3A_628 = tpu.memref_squeeze %dma_wait3A_627 : memref<1x128xi32, #tpu.memory_space<vmem>> -> memref<128xi32, #tpu.memory_space<vmem>>
        %dma_wait3A_629 = arith.constant 0 : i32
        %dma_wait3A_630 = arith.constant 0 : i32
        %dma_wait3A_631 = tpu.memref_slice %arg9[%dma_wait3A_629, %dma_wait3A_630] : memref<10240x8xf32, #tpu.memory_space<vmem_shared>> -> memref<10240x8xf32, #tpu.memory_space<vmem_shared>>
        tpu.wait_indirect_dma semaphore(%arg28 : memref<!tpu.dma_semaphore, #tpu.memory_space<semaphore_mem>>) src(%arg12 : memref<128x8xf32, #tpu.memory_space<vmem>>) dst(%dma_wait3A_631 : memref<10240x8xf32, #tpu.memory_space<vmem_shared>>)
      } else {
      }
      %add3A_579 = arith.constant 4 : i32
      %add3A_580 = arith.addi %add3A_573, %add3A_579 : i32
      %lt3A_581 = arith.cmpi slt, %add3A_580, %sub3A_47 : i32
      %convert_element_type3A_582 = arith.extui %lt3A_581 : i1 to i32
      %cond3A_583 = arith.constant 0 : i32
      %cond3A_584 = arith.cmpi ne, %convert_element_type3A_582, %cond3A_583 : i32
      scf.if %cond3A_584 {
        %add3A_624 = arith.constant 4 : i32
        %add3A_625 = arith.addi %add3A_573, %add3A_624 : i32
        %dma_start3A_626 = arith.constant 0 : i32
        %dma_start3A_627 = tpu.memref_slice %arg7[%add3A_625, %dma_start3A_626] : memref<79x128xi32, #tpu.memory_space<vmem>> -> memref<1x128xi32, #tpu.memory_space<vmem>>
        %dma_start3A_628 = tpu.memref_squeeze %dma_start3A_627 : memref<1x128xi32, #tpu.memory_space<vmem>> -> memref<128xi32, #tpu.memory_space<vmem>>
        %dma_start3A_629 = arith.constant 0 : i32
        %dma_start3A_630 = arith.constant 0 : i32
        %dma_start3A_631 = tpu.memref_slice %arg2[%dma_start3A_629, %dma_start3A_630] : memref<10240x8xf32, #tpu.memory_space<hbm>> -> memref<10240x8xf32, #tpu.memory_space<hbm>>
        tpu.enqueue_indirect_dma source(%dma_start3A_631 : memref<10240x8xf32, #tpu.memory_space<hbm>>) target(%arg12 : memref<128x8xf32, #tpu.memory_space<vmem>>) offsets(%dma_start3A_628 : memref<128xi32, #tpu.memory_space<vmem>>) semaphore(%arg20 : memref<!tpu.dma_semaphore, #tpu.memory_space<semaphore_mem>>)
      } else {
      }
      %dma_wait3A_585 = arith.constant 0 : i32
      %dma_wait3A_586 = tpu.memref_slice %arg7[%add3A_573, %dma_wait3A_585] : memref<79x128xi32, #tpu.memory_space<vmem>> -> memref<1x128xi32, #tpu.memory_space<vmem>>
      %dma_wait3A_587 = tpu.memref_squeeze %dma_wait3A_586 : memref<1x128xi32, #tpu.memory_space<vmem>> -> memref<128xi32, #tpu.memory_space<vmem>>
      %dma_wait3A_588 = arith.constant 0 : i32
      %dma_wait3A_589 = arith.constant 0 : i32
      %dma_wait3A_590 = tpu.memref_slice %arg2[%dma_wait3A_588, %dma_wait3A_589] : memref<10240x8xf32, #tpu.memory_space<hbm>> -> memref<10240x8xf32, #tpu.memory_space<hbm>>
      tpu.wait_indirect_dma semaphore(%arg24 : memref<!tpu.dma_semaphore, #tpu.memory_space<semaphore_mem>>) src(%dma_wait3A_590 : memref<10240x8xf32, #tpu.memory_space<hbm>>) dst(%arg16 : memref<128x8xf32, #tpu.memory_space<vmem>>)
      %dma_start3A_591 = arith.constant 0 : i32
      %dma_start3A_592 = tpu.memref_slice %arg8[%add3A_573, %dma_start3A_591] : memref<79x128xi32, #tpu.memory_space<vmem>> -> memref<1x128xi32, #tpu.memory_space<vmem>>
      %dma_start3A_593 = tpu.memref_squeeze %dma_start3A_592 : memref<1x128xi32, #tpu.memory_space<vmem>> -> memref<128xi32, #tpu.memory_space<vmem>>
      %dma_start3A_594 = arith.constant 0 : i32
      %dma_start3A_595 = arith.constant 0 : i32
      %dma_start3A_596 = tpu.memref_slice %arg9[%dma_start3A_594, %dma_start3A_595] : memref<10240x8xf32, #tpu.memory_space<vmem_shared>> -> memref<10240x8xf32, #tpu.memory_space<vmem_shared>>
      tpu.enqueue_indirect_dma source(%arg16 : memref<128x8xf32, #tpu.memory_space<vmem>>) target(%dma_start3A_596 : memref<10240x8xf32, #tpu.memory_space<vmem_shared>>) offsets(%dma_start3A_593 : memref<128xi32, #tpu.memory_space<vmem>>) semaphore(%arg32 : memref<!tpu.dma_semaphore, #tpu.memory_space<semaphore_mem>>) {add = true}
      %mul3A_597 = arith.constant 8 : i32
      %mul3A_598 = arith.muli %mul3A_597, %while3A_408 : i32
      %add3A_599 = arith.constant 7 : i32
      %add3A_600 = arith.addi %mul3A_598, %add3A_599 : i32
      %ge3A_601 = arith.constant 4 : i32
      %ge3A_602 = arith.cmpi sge, %add3A_600, %ge3A_601 : i32
      %convert_element_type3A_603 = arith.extui %ge3A_602 : i1 to i32
      %cond3A_604 = arith.constant 0 : i32
      %cond3A_605 = arith.cmpi ne, %convert_element_type3A_603, %cond3A_604 : i32
      scf.if %cond3A_605 {
        %sub3A_624 = arith.constant 4 : i32
        %sub3A_625 = arith.subi %add3A_600, %sub3A_624 : i32
        %dma_wait3A_626 = arith.constant 0 : i32
        %dma_wait3A_627 = tpu.memref_slice %arg8[%sub3A_625, %dma_wait3A_626] : memref<79x128xi32, #tpu.memory_space<vmem>> -> memref<1x128xi32, #tpu.memory_space<vmem>>
        %dma_wait3A_628 = tpu.memref_squeeze %dma_wait3A_627 : memref<1x128xi32, #tpu.memory_space<vmem>> -> memref<128xi32, #tpu.memory_space<vmem>>
        %dma_wait3A_629 = arith.constant 0 : i32
        %dma_wait3A_630 = arith.constant 0 : i32
        %dma_wait3A_631 = tpu.memref_slice %arg9[%dma_wait3A_629, %dma_wait3A_630] : memref<10240x8xf32, #tpu.memory_space<vmem_shared>> -> memref<10240x8xf32, #tpu.memory_space<vmem_shared>>
        tpu.wait_indirect_dma semaphore(%arg29 : memref<!tpu.dma_semaphore, #tpu.memory_space<semaphore_mem>>) src(%arg13 : memref<128x8xf32, #tpu.memory_space<vmem>>) dst(%dma_wait3A_631 : memref<10240x8xf32, #tpu.memory_space<vmem_shared>>)
      } else {
      }
      %add3A_606 = arith.constant 4 : i32
      %add3A_607 = arith.addi %add3A_600, %add3A_606 : i32
      %lt3A_608 = arith.cmpi slt, %add3A_607, %sub3A_47 : i32
      %convert_element_type3A_609 = arith.extui %lt3A_608 : i1 to i32
      %cond3A_610 = arith.constant 0 : i32
      %cond3A_611 = arith.cmpi ne, %convert_element_type3A_609, %cond3A_610 : i32
      scf.if %cond3A_611 {
        %add3A_624 = arith.constant 4 : i32
        %add3A_625 = arith.addi %add3A_600, %add3A_624 : i32
        %dma_start3A_626 = arith.constant 0 : i32
        %dma_start3A_627 = tpu.memref_slice %arg7[%add3A_625, %dma_start3A_626] : memref<79x128xi32, #tpu.memory_space<vmem>> -> memref<1x128xi32, #tpu.memory_space<vmem>>
        %dma_start3A_628 = tpu.memref_squeeze %dma_start3A_627 : memref<1x128xi32, #tpu.memory_space<vmem>> -> memref<128xi32, #tpu.memory_space<vmem>>
        %dma_start3A_629 = arith.constant 0 : i32
        %dma_start3A_630 = arith.constant 0 : i32
        %dma_start3A_631 = tpu.memref_slice %arg2[%dma_start3A_629, %dma_start3A_630] : memref<10240x8xf32, #tpu.memory_space<hbm>> -> memref<10240x8xf32, #tpu.memory_space<hbm>>
        tpu.enqueue_indirect_dma source(%dma_start3A_631 : memref<10240x8xf32, #tpu.memory_space<hbm>>) target(%arg13 : memref<128x8xf32, #tpu.memory_space<vmem>>) offsets(%dma_start3A_628 : memref<128xi32, #tpu.memory_space<vmem>>) semaphore(%arg21 : memref<!tpu.dma_semaphore, #tpu.memory_space<semaphore_mem>>)
      } else {
      }
      %dma_wait3A_612 = arith.constant 0 : i32
      %dma_wait3A_613 = tpu.memref_slice %arg7[%add3A_600, %dma_wait3A_612] : memref<79x128xi32, #tpu.memory_space<vmem>> -> memref<1x128xi32, #tpu.memory_space<vmem>>
      %dma_wait3A_614 = tpu.memref_squeeze %dma_wait3A_613 : memref<1x128xi32, #tpu.memory_space<vmem>> -> memref<128xi32, #tpu.memory_space<vmem>>
      %dma_wait3A_615 = arith.constant 0 : i32
      %dma_wait3A_616 = arith.constant 0 : i32
      %dma_wait3A_617 = tpu.memref_slice %arg2[%dma_wait3A_615, %dma_wait3A_616] : memref<10240x8xf32, #tpu.memory_space<hbm>> -> memref<10240x8xf32, #tpu.memory_space<hbm>>
      tpu.wait_indirect_dma semaphore(%arg25 : memref<!tpu.dma_semaphore, #tpu.memory_space<semaphore_mem>>) src(%dma_wait3A_617 : memref<10240x8xf32, #tpu.memory_space<hbm>>) dst(%arg17 : memref<128x8xf32, #tpu.memory_space<vmem>>)
      %dma_start3A_618 = arith.constant 0 : i32
      %dma_start3A_619 = tpu.memref_slice %arg8[%add3A_600, %dma_start3A_618] : memref<79x128xi32, #tpu.memory_space<vmem>> -> memref<1x128xi32, #tpu.memory_space<vmem>>
      %dma_start3A_620 = tpu.memref_squeeze %dma_start3A_619 : memref<1x128xi32, #tpu.memory_space<vmem>> -> memref<128xi32, #tpu.memory_space<vmem>>
      %dma_start3A_621 = arith.constant 0 : i32
      %dma_start3A_622 = arith.constant 0 : i32
      %dma_start3A_623 = tpu.memref_slice %arg9[%dma_start3A_621, %dma_start3A_622] : memref<10240x8xf32, #tpu.memory_space<vmem_shared>> -> memref<10240x8xf32, #tpu.memory_space<vmem_shared>>
      tpu.enqueue_indirect_dma source(%arg17 : memref<128x8xf32, #tpu.memory_space<vmem>>) target(%dma_start3A_623 : memref<10240x8xf32, #tpu.memory_space<vmem_shared>>) offsets(%dma_start3A_620 : memref<128xi32, #tpu.memory_space<vmem>>) semaphore(%arg33 : memref<!tpu.dma_semaphore, #tpu.memory_space<semaphore_mem>>) {add = true}
    }
    %while3A_111 = arith.constant 1 : i32
    scf.for %while3A_408 = %while3A_109 to %while3A_105 step %while3A_111  : i32 {
      %mul3A_409 = arith.constant 8 : i32
      %mul3A_410 = arith.muli %mul3A_409, %while3A_408 : i32
      %add3A_411 = arith.constant 0 : i32
      %add3A_412 = arith.addi %mul3A_410, %add3A_411 : i32
      %ge3A_413 = arith.constant 4 : i32
      %ge3A_414 = arith.cmpi sge, %add3A_412, %ge3A_413 : i32
      %convert_element_type3A_415 = arith.extui %ge3A_414 : i1 to i32
      %cond3A_416 = arith.constant 0 : i32
      %cond3A_417 = arith.cmpi ne, %convert_element_type3A_415, %cond3A_416 : i32
      scf.if %cond3A_417 {
        %sub3A_624 = arith.constant 4 : i32
        %sub3A_625 = arith.subi %add3A_412, %sub3A_624 : i32
        %dma_wait3A_626 = arith.constant 0 : i32
        %dma_wait3A_627 = tpu.memref_slice %arg8[%sub3A_625, %dma_wait3A_626] : memref<79x128xi32, #tpu.memory_space<vmem>> -> memref<1x128xi32, #tpu.memory_space<vmem>>
        %dma_wait3A_628 = tpu.memref_squeeze %dma_wait3A_627 : memref<1x128xi32, #tpu.memory_space<vmem>> -> memref<128xi32, #tpu.memory_space<vmem>>
        %dma_wait3A_629 = arith.constant 0 : i32
        %dma_wait3A_630 = arith.constant 0 : i32
        %dma_wait3A_631 = tpu.memref_slice %arg9[%dma_wait3A_629, %dma_wait3A_630] : memref<10240x8xf32, #tpu.memory_space<vmem_shared>> -> memref<10240x8xf32, #tpu.memory_space<vmem_shared>>
        tpu.wait_indirect_dma semaphore(%arg30 : memref<!tpu.dma_semaphore, #tpu.memory_space<semaphore_mem>>) src(%arg14 : memref<128x8xf32, #tpu.memory_space<vmem>>) dst(%dma_wait3A_631 : memref<10240x8xf32, #tpu.memory_space<vmem_shared>>)
      } else {
      }
      %add3A_418 = arith.constant 4 : i32
      %add3A_419 = arith.addi %add3A_412, %add3A_418 : i32
      %lt3A_420 = arith.cmpi slt, %add3A_419, %sub3A_47 : i32
      %convert_element_type3A_421 = arith.extui %lt3A_420 : i1 to i32
      %cond3A_422 = arith.constant 0 : i32
      %cond3A_423 = arith.cmpi ne, %convert_element_type3A_421, %cond3A_422 : i32
      scf.if %cond3A_423 {
        %add3A_624 = arith.constant 4 : i32
        %add3A_625 = arith.addi %add3A_412, %add3A_624 : i32
        %dma_start3A_626 = arith.constant 0 : i32
        %dma_start3A_627 = tpu.memref_slice %arg7[%add3A_625, %dma_start3A_626] : memref<79x128xi32, #tpu.memory_space<vmem>> -> memref<1x128xi32, #tpu.memory_space<vmem>>
        %dma_start3A_628 = tpu.memref_squeeze %dma_start3A_627 : memref<1x128xi32, #tpu.memory_space<vmem>> -> memref<128xi32, #tpu.memory_space<vmem>>
        %dma_start3A_629 = arith.constant 0 : i32
        %dma_start3A_630 = arith.constant 0 : i32
        %dma_start3A_631 = tpu.memref_slice %arg2[%dma_start3A_629, %dma_start3A_630] : memref<10240x8xf32, #tpu.memory_space<hbm>> -> memref<10240x8xf32, #tpu.memory_space<hbm>>
        tpu.enqueue_indirect_dma source(%dma_start3A_631 : memref<10240x8xf32, #tpu.memory_space<hbm>>) target(%arg14 : memref<128x8xf32, #tpu.memory_space<vmem>>) offsets(%dma_start3A_628 : memref<128xi32, #tpu.memory_space<vmem>>) semaphore(%arg22 : memref<!tpu.dma_semaphore, #tpu.memory_space<semaphore_mem>>)
      } else {
      }
      %dma_wait3A = arith.constant 0 : i32
      %dma_wait3A_424 = tpu.memref_slice %arg7[%add3A_412, %dma_wait3A] : memref<79x128xi32, #tpu.memory_space<vmem>> -> memref<1x128xi32, #tpu.memory_space<vmem>>
      %dma_wait3A_425 = tpu.memref_squeeze %dma_wait3A_424 : memref<1x128xi32, #tpu.memory_space<vmem>> -> memref<128xi32, #tpu.memory_space<vmem>>
      %dma_wait3A_426 = arith.constant 0 : i32
      %dma_wait3A_427 = arith.constant 0 : i32
      %dma_wait3A_428 = tpu.memref_slice %arg2[%dma_wait3A_426, %dma_wait3A_427] : memref<10240x8xf32, #tpu.memory_space<hbm>> -> memref<10240x8xf32, #tpu.memory_space<hbm>>
      tpu.wait_indirect_dma semaphore(%arg18 : memref<!tpu.dma_semaphore, #tpu.memory_space<semaphore_mem>>) src(%dma_wait3A_428 : memref<10240x8xf32, #tpu.memory_space<hbm>>) dst(%arg10 : memref<128x8xf32, #tpu.memory_space<vmem>>)
      %dma_start3A_429 = arith.constant 0 : i32
      %dma_start3A_430 = tpu.memref_slice %arg8[%add3A_412, %dma_start3A_429] : memref<79x128xi32, #tpu.memory_space<vmem>> -> memref<1x128xi32, #tpu.memory_space<vmem>>
      %dma_start3A_431 = tpu.memref_squeeze %dma_start3A_430 : memref<1x128xi32, #tpu.memory_space<vmem>> -> memref<128xi32, #tpu.memory_space<vmem>>
      %dma_start3A_432 = arith.constant 0 : i32
      %dma_start3A_433 = arith.constant 0 : i32
      %dma_start3A_434 = tpu.memref_slice %arg9[%dma_start3A_432, %dma_start3A_433] : memref<10240x8xf32, #tpu.memory_space<vmem_shared>> -> memref<10240x8xf32, #tpu.memory_space<vmem_shared>>
      tpu.enqueue_indirect_dma source(%arg10 : memref<128x8xf32, #tpu.memory_space<vmem>>) target(%dma_start3A_434 : memref<10240x8xf32, #tpu.memory_space<vmem_shared>>) offsets(%dma_start3A_431 : memref<128xi32, #tpu.memory_space<vmem>>) semaphore(%arg26 : memref<!tpu.dma_semaphore, #tpu.memory_space<semaphore_mem>>) {add = true}
      %mul3A_435 = arith.constant 8 : i32
      %mul3A_436 = arith.muli %mul3A_435, %while3A_408 : i32
      %add3A_437 = arith.constant 1 : i32
      %add3A_438 = arith.addi %mul3A_436, %add3A_437 : i32
      %ge3A_439 = arith.constant 4 : i32
      %ge3A_440 = arith.cmpi sge, %add3A_438, %ge3A_439 : i32
      %convert_element_type3A_441 = arith.extui %ge3A_440 : i1 to i32
      %cond3A_442 = arith.constant 0 : i32
      %cond3A_443 = arith.cmpi ne, %convert_element_type3A_441, %cond3A_442 : i32
      scf.if %cond3A_443 {
        %sub3A_624 = arith.constant 4 : i32
        %sub3A_625 = arith.subi %add3A_438, %sub3A_624 : i32
        %dma_wait3A_626 = arith.constant 0 : i32
        %dma_wait3A_627 = tpu.memref_slice %arg8[%sub3A_625, %dma_wait3A_626] : memref<79x128xi32, #tpu.memory_space<vmem>> -> memref<1x128xi32, #tpu.memory_space<vmem>>
        %dma_wait3A_628 = tpu.memref_squeeze %dma_wait3A_627 : memref<1x128xi32, #tpu.memory_space<vmem>> -> memref<128xi32, #tpu.memory_space<vmem>>
        %dma_wait3A_629 = arith.constant 0 : i32
        %dma_wait3A_630 = arith.constant 0 : i32
        %dma_wait3A_631 = tpu.memref_slice %arg9[%dma_wait3A_629, %dma_wait3A_630] : memref<10240x8xf32, #tpu.memory_space<vmem_shared>> -> memref<10240x8xf32, #tpu.memory_space<vmem_shared>>
        tpu.wait_indirect_dma semaphore(%arg31 : memref<!tpu.dma_semaphore, #tpu.memory_space<semaphore_mem>>) src(%arg15 : memref<128x8xf32, #tpu.memory_space<vmem>>) dst(%dma_wait3A_631 : memref<10240x8xf32, #tpu.memory_space<vmem_shared>>)
      } else {
      }
      %add3A_444 = arith.constant 4 : i32
      %add3A_445 = arith.addi %add3A_438, %add3A_444 : i32
      %lt3A_446 = arith.cmpi slt, %add3A_445, %sub3A_47 : i32
      %convert_element_type3A_447 = arith.extui %lt3A_446 : i1 to i32
      %cond3A_448 = arith.constant 0 : i32
      %cond3A_449 = arith.cmpi ne, %convert_element_type3A_447, %cond3A_448 : i32
      scf.if %cond3A_449 {
        %add3A_624 = arith.constant 4 : i32
        %add3A_625 = arith.addi %add3A_438, %add3A_624 : i32
        %dma_start3A_626 = arith.constant 0 : i32
        %dma_start3A_627 = tpu.memref_slice %arg7[%add3A_625, %dma_start3A_626] : memref<79x128xi32, #tpu.memory_space<vmem>> -> memref<1x128xi32, #tpu.memory_space<vmem>>
        %dma_start3A_628 = tpu.memref_squeeze %dma_start3A_627 : memref<1x128xi32, #tpu.memory_space<vmem>> -> memref<128xi32, #tpu.memory_space<vmem>>
        %dma_start3A_629 = arith.constant 0 : i32
        %dma_start3A_630 = arith.constant 0 : i32
        %dma_start3A_631 = tpu.memref_slice %arg2[%dma_start3A_629, %dma_start3A_630] : memref<10240x8xf32, #tpu.memory_space<hbm>> -> memref<10240x8xf32, #tpu.memory_space<hbm>>
        tpu.enqueue_indirect_dma source(%dma_start3A_631 : memref<10240x8xf32, #tpu.memory_space<hbm>>) target(%arg15 : memref<128x8xf32, #tpu.memory_space<vmem>>) offsets(%dma_start3A_628 : memref<128xi32, #tpu.memory_space<vmem>>) semaphore(%arg23 : memref<!tpu.dma_semaphore, #tpu.memory_space<semaphore_mem>>)
      } else {
      }
      %dma_wait3A_450 = arith.constant 0 : i32
      %dma_wait3A_451 = tpu.memref_slice %arg7[%add3A_438, %dma_wait3A_450] : memref<79x128xi32, #tpu.memory_space<vmem>> -> memref<1x128xi32, #tpu.memory_space<vmem>>
      %dma_wait3A_452 = tpu.memref_squeeze %dma_wait3A_451 : memref<1x128xi32, #tpu.memory_space<vmem>> -> memref<128xi32, #tpu.memory_space<vmem>>
      %dma_wait3A_453 = arith.constant 0 : i32
      %dma_wait3A_454 = arith.constant 0 : i32
      %dma_wait3A_455 = tpu.memref_slice %arg2[%dma_wait3A_453, %dma_wait3A_454] : memref<10240x8xf32, #tpu.memory_space<hbm>> -> memref<10240x8xf32, #tpu.memory_space<hbm>>
      tpu.wait_indirect_dma semaphore(%arg19 : memref<!tpu.dma_semaphore, #tpu.memory_space<semaphore_mem>>) src(%dma_wait3A_455 : memref<10240x8xf32, #tpu.memory_space<hbm>>) dst(%arg11 : memref<128x8xf32, #tpu.memory_space<vmem>>)
      %dma_start3A_456 = arith.constant 0 : i32
      %dma_start3A_457 = tpu.memref_slice %arg8[%add3A_438, %dma_start3A_456] : memref<79x128xi32, #tpu.memory_space<vmem>> -> memref<1x128xi32, #tpu.memory_space<vmem>>
      %dma_start3A_458 = tpu.memref_squeeze %dma_start3A_457 : memref<1x128xi32, #tpu.memory_space<vmem>> -> memref<128xi32, #tpu.memory_space<vmem>>
      %dma_start3A_459 = arith.constant 0 : i32
      %dma_start3A_460 = arith.constant 0 : i32
      %dma_start3A_461 = tpu.memref_slice %arg9[%dma_start3A_459, %dma_start3A_460] : memref<10240x8xf32, #tpu.memory_space<vmem_shared>> -> memref<10240x8xf32, #tpu.memory_space<vmem_shared>>
      tpu.enqueue_indirect_dma source(%arg11 : memref<128x8xf32, #tpu.memory_space<vmem>>) target(%dma_start3A_461 : memref<10240x8xf32, #tpu.memory_space<vmem_shared>>) offsets(%dma_start3A_458 : memref<128xi32, #tpu.memory_space<vmem>>) semaphore(%arg27 : memref<!tpu.dma_semaphore, #tpu.memory_space<semaphore_mem>>) {add = true}
      %mul3A_462 = arith.constant 8 : i32
      %mul3A_463 = arith.muli %mul3A_462, %while3A_408 : i32
      %add3A_464 = arith.constant 2 : i32
      %add3A_465 = arith.addi %mul3A_463, %add3A_464 : i32
      %ge3A_466 = arith.constant 4 : i32
      %ge3A_467 = arith.cmpi sge, %add3A_465, %ge3A_466 : i32
      %convert_element_type3A_468 = arith.extui %ge3A_467 : i1 to i32
      %cond3A_469 = arith.constant 0 : i32
      %cond3A_470 = arith.cmpi ne, %convert_element_type3A_468, %cond3A_469 : i32
      scf.if %cond3A_470 {
        %sub3A_624 = arith.constant 4 : i32
        %sub3A_625 = arith.subi %add3A_465, %sub3A_624 : i32
        %dma_wait3A_626 = arith.constant 0 : i32
        %dma_wait3A_627 = tpu.memref_slice %arg8[%sub3A_625, %dma_wait3A_626] : memref<79x128xi32, #tpu.memory_space<vmem>> -> memref<1x128xi32, #tpu.memory_space<vmem>>
        %dma_wait3A_628 = tpu.memref_squeeze %dma_wait3A_627 : memref<1x128xi32, #tpu.memory_space<vmem>> -> memref<128xi32, #tpu.memory_space<vmem>>
        %dma_wait3A_629 = arith.constant 0 : i32
        %dma_wait3A_630 = arith.constant 0 : i32
        %dma_wait3A_631 = tpu.memref_slice %arg9[%dma_wait3A_629, %dma_wait3A_630] : memref<10240x8xf32, #tpu.memory_space<vmem_shared>> -> memref<10240x8xf32, #tpu.memory_space<vmem_shared>>
        tpu.wait_indirect_dma semaphore(%arg32 : memref<!tpu.dma_semaphore, #tpu.memory_space<semaphore_mem>>) src(%arg16 : memref<128x8xf32, #tpu.memory_space<vmem>>) dst(%dma_wait3A_631 : memref<10240x8xf32, #tpu.memory_space<vmem_shared>>)
      } else {
      }
      %add3A_471 = arith.constant 4 : i32
      %add3A_472 = arith.addi %add3A_465, %add3A_471 : i32
      %lt3A_473 = arith.cmpi slt, %add3A_472, %sub3A_47 : i32
      %convert_element_type3A_474 = arith.extui %lt3A_473 : i1 to i32
      %cond3A_475 = arith.constant 0 : i32
      %cond3A_476 = arith.cmpi ne, %convert_element_type3A_474, %cond3A_475 : i32
      scf.if %cond3A_476 {
        %add3A_624 = arith.constant 4 : i32
        %add3A_625 = arith.addi %add3A_465, %add3A_624 : i32
        %dma_start3A_626 = arith.constant 0 : i32
        %dma_start3A_627 = tpu.memref_slice %arg7[%add3A_625, %dma_start3A_626] : memref<79x128xi32, #tpu.memory_space<vmem>> -> memref<1x128xi32, #tpu.memory_space<vmem>>
        %dma_start3A_628 = tpu.memref_squeeze %dma_start3A_627 : memref<1x128xi32, #tpu.memory_space<vmem>> -> memref<128xi32, #tpu.memory_space<vmem>>
        %dma_start3A_629 = arith.constant 0 : i32
        %dma_start3A_630 = arith.constant 0 : i32
        %dma_start3A_631 = tpu.memref_slice %arg2[%dma_start3A_629, %dma_start3A_630] : memref<10240x8xf32, #tpu.memory_space<hbm>> -> memref<10240x8xf32, #tpu.memory_space<hbm>>
        tpu.enqueue_indirect_dma source(%dma_start3A_631 : memref<10240x8xf32, #tpu.memory_space<hbm>>) target(%arg16 : memref<128x8xf32, #tpu.memory_space<vmem>>) offsets(%dma_start3A_628 : memref<128xi32, #tpu.memory_space<vmem>>) semaphore(%arg24 : memref<!tpu.dma_semaphore, #tpu.memory_space<semaphore_mem>>)
      } else {
      }
      %dma_wait3A_477 = arith.constant 0 : i32
      %dma_wait3A_478 = tpu.memref_slice %arg7[%add3A_465, %dma_wait3A_477] : memref<79x128xi32, #tpu.memory_space<vmem>> -> memref<1x128xi32, #tpu.memory_space<vmem>>
      %dma_wait3A_479 = tpu.memref_squeeze %dma_wait3A_478 : memref<1x128xi32, #tpu.memory_space<vmem>> -> memref<128xi32, #tpu.memory_space<vmem>>
      %dma_wait3A_480 = arith.constant 0 : i32
      %dma_wait3A_481 = arith.constant 0 : i32
      %dma_wait3A_482 = tpu.memref_slice %arg2[%dma_wait3A_480, %dma_wait3A_481] : memref<10240x8xf32, #tpu.memory_space<hbm>> -> memref<10240x8xf32, #tpu.memory_space<hbm>>
      tpu.wait_indirect_dma semaphore(%arg20 : memref<!tpu.dma_semaphore, #tpu.memory_space<semaphore_mem>>) src(%dma_wait3A_482 : memref<10240x8xf32, #tpu.memory_space<hbm>>) dst(%arg12 : memref<128x8xf32, #tpu.memory_space<vmem>>)
      %dma_start3A_483 = arith.constant 0 : i32
      %dma_start3A_484 = tpu.memref_slice %arg8[%add3A_465, %dma_start3A_483] : memref<79x128xi32, #tpu.memory_space<vmem>> -> memref<1x128xi32, #tpu.memory_space<vmem>>
      %dma_start3A_485 = tpu.memref_squeeze %dma_start3A_484 : memref<1x128xi32, #tpu.memory_space<vmem>> -> memref<128xi32, #tpu.memory_space<vmem>>
      %dma_start3A_486 = arith.constant 0 : i32
      %dma_start3A_487 = arith.constant 0 : i32
      %dma_start3A_488 = tpu.memref_slice %arg9[%dma_start3A_486, %dma_start3A_487] : memref<10240x8xf32, #tpu.memory_space<vmem_shared>> -> memref<10240x8xf32, #tpu.memory_space<vmem_shared>>
      tpu.enqueue_indirect_dma source(%arg12 : memref<128x8xf32, #tpu.memory_space<vmem>>) target(%dma_start3A_488 : memref<10240x8xf32, #tpu.memory_space<vmem_shared>>) offsets(%dma_start3A_485 : memref<128xi32, #tpu.memory_space<vmem>>) semaphore(%arg28 : memref<!tpu.dma_semaphore, #tpu.memory_space<semaphore_mem>>) {add = true}
      %mul3A_489 = arith.constant 8 : i32
      %mul3A_490 = arith.muli %mul3A_489, %while3A_408 : i32
      %add3A_491 = arith.constant 3 : i32
      %add3A_492 = arith.addi %mul3A_490, %add3A_491 : i32
      %ge3A_493 = arith.constant 4 : i32
      %ge3A_494 = arith.cmpi sge, %add3A_492, %ge3A_493 : i32
      %convert_element_type3A_495 = arith.extui %ge3A_494 : i1 to i32
      %cond3A_496 = arith.constant 0 : i32
      %cond3A_497 = arith.cmpi ne, %convert_element_type3A_495, %cond3A_496 : i32
      scf.if %cond3A_497 {
        %sub3A_624 = arith.constant 4 : i32
        %sub3A_625 = arith.subi %add3A_492, %sub3A_624 : i32
        %dma_wait3A_626 = arith.constant 0 : i32
        %dma_wait3A_627 = tpu.memref_slice %arg8[%sub3A_625, %dma_wait3A_626] : memref<79x128xi32, #tpu.memory_space<vmem>> -> memref<1x128xi32, #tpu.memory_space<vmem>>
        %dma_wait3A_628 = tpu.memref_squeeze %dma_wait3A_627 : memref<1x128xi32, #tpu.memory_space<vmem>> -> memref<128xi32, #tpu.memory_space<vmem>>
        %dma_wait3A_629 = arith.constant 0 : i32
        %dma_wait3A_630 = arith.constant 0 : i32
        %dma_wait3A_631 = tpu.memref_slice %arg9[%dma_wait3A_629, %dma_wait3A_630] : memref<10240x8xf32, #tpu.memory_space<vmem_shared>> -> memref<10240x8xf32, #tpu.memory_space<vmem_shared>>
        tpu.wait_indirect_dma semaphore(%arg33 : memref<!tpu.dma_semaphore, #tpu.memory_space<semaphore_mem>>) src(%arg17 : memref<128x8xf32, #tpu.memory_space<vmem>>) dst(%dma_wait3A_631 : memref<10240x8xf32, #tpu.memory_space<vmem_shared>>)
      } else {
      }
      %add3A_498 = arith.constant 4 : i32
      %add3A_499 = arith.addi %add3A_492, %add3A_498 : i32
      %lt3A_500 = arith.cmpi slt, %add3A_499, %sub3A_47 : i32
      %convert_element_type3A_501 = arith.extui %lt3A_500 : i1 to i32
      %cond3A_502 = arith.constant 0 : i32
      %cond3A_503 = arith.cmpi ne, %convert_element_type3A_501, %cond3A_502 : i32
      scf.if %cond3A_503 {
        %add3A_624 = arith.constant 4 : i32
        %add3A_625 = arith.addi %add3A_492, %add3A_624 : i32
        %dma_start3A_626 = arith.constant 0 : i32
        %dma_start3A_627 = tpu.memref_slice %arg7[%add3A_625, %dma_start3A_626] : memref<79x128xi32, #tpu.memory_space<vmem>> -> memref<1x128xi32, #tpu.memory_space<vmem>>
        %dma_start3A_628 = tpu.memref_squeeze %dma_start3A_627 : memref<1x128xi32, #tpu.memory_space<vmem>> -> memref<128xi32, #tpu.memory_space<vmem>>
        %dma_start3A_629 = arith.constant 0 : i32
        %dma_start3A_630 = arith.constant 0 : i32
        %dma_start3A_631 = tpu.memref_slice %arg2[%dma_start3A_629, %dma_start3A_630] : memref<10240x8xf32, #tpu.memory_space<hbm>> -> memref<10240x8xf32, #tpu.memory_space<hbm>>
        tpu.enqueue_indirect_dma source(%dma_start3A_631 : memref<10240x8xf32, #tpu.memory_space<hbm>>) target(%arg17 : memref<128x8xf32, #tpu.memory_space<vmem>>) offsets(%dma_start3A_628 : memref<128xi32, #tpu.memory_space<vmem>>) semaphore(%arg25 : memref<!tpu.dma_semaphore, #tpu.memory_space<semaphore_mem>>)
      } else {
      }
      %dma_wait3A_504 = arith.constant 0 : i32
      %dma_wait3A_505 = tpu.memref_slice %arg7[%add3A_492, %dma_wait3A_504] : memref<79x128xi32, #tpu.memory_space<vmem>> -> memref<1x128xi32, #tpu.memory_space<vmem>>
      %dma_wait3A_506 = tpu.memref_squeeze %dma_wait3A_505 : memref<1x128xi32, #tpu.memory_space<vmem>> -> memref<128xi32, #tpu.memory_space<vmem>>
      %dma_wait3A_507 = arith.constant 0 : i32
      %dma_wait3A_508 = arith.constant 0 : i32
      %dma_wait3A_509 = tpu.memref_slice %arg2[%dma_wait3A_507, %dma_wait3A_508] : memref<10240x8xf32, #tpu.memory_space<hbm>> -> memref<10240x8xf32, #tpu.memory_space<hbm>>
      tpu.wait_indirect_dma semaphore(%arg21 : memref<!tpu.dma_semaphore, #tpu.memory_space<semaphore_mem>>) src(%dma_wait3A_509 : memref<10240x8xf32, #tpu.memory_space<hbm>>) dst(%arg13 : memref<128x8xf32, #tpu.memory_space<vmem>>)
      %dma_start3A_510 = arith.constant 0 : i32
      %dma_start3A_511 = tpu.memref_slice %arg8[%add3A_492, %dma_start3A_510] : memref<79x128xi32, #tpu.memory_space<vmem>> -> memref<1x128xi32, #tpu.memory_space<vmem>>
      %dma_start3A_512 = tpu.memref_squeeze %dma_start3A_511 : memref<1x128xi32, #tpu.memory_space<vmem>> -> memref<128xi32, #tpu.memory_space<vmem>>
      %dma_start3A_513 = arith.constant 0 : i32
      %dma_start3A_514 = arith.constant 0 : i32
      %dma_start3A_515 = tpu.memref_slice %arg9[%dma_start3A_513, %dma_start3A_514] : memref<10240x8xf32, #tpu.memory_space<vmem_shared>> -> memref<10240x8xf32, #tpu.memory_space<vmem_shared>>
      tpu.enqueue_indirect_dma source(%arg13 : memref<128x8xf32, #tpu.memory_space<vmem>>) target(%dma_start3A_515 : memref<10240x8xf32, #tpu.memory_space<vmem_shared>>) offsets(%dma_start3A_512 : memref<128xi32, #tpu.memory_space<vmem>>) semaphore(%arg29 : memref<!tpu.dma_semaphore, #tpu.memory_space<semaphore_mem>>) {add = true}
      %mul3A_516 = arith.constant 8 : i32
      %mul3A_517 = arith.muli %mul3A_516, %while3A_408 : i32
      %add3A_518 = arith.constant 4 : i32
      %add3A_519 = arith.addi %mul3A_517, %add3A_518 : i32
      %ge3A_520 = arith.constant 4 : i32
      %ge3A_521 = arith.cmpi sge, %add3A_519, %ge3A_520 : i32
      %convert_element_type3A_522 = arith.extui %ge3A_521 : i1 to i32
      %cond3A_523 = arith.constant 0 : i32
      %cond3A_524 = arith.cmpi ne, %convert_element_type3A_522, %cond3A_523 : i32
      scf.if %cond3A_524 {
        %sub3A_624 = arith.constant 4 : i32
        %sub3A_625 = arith.subi %add3A_519, %sub3A_624 : i32
        %dma_wait3A_626 = arith.constant 0 : i32
        %dma_wait3A_627 = tpu.memref_slice %arg8[%sub3A_625, %dma_wait3A_626] : memref<79x128xi32, #tpu.memory_space<vmem>> -> memref<1x128xi32, #tpu.memory_space<vmem>>
        %dma_wait3A_628 = tpu.memref_squeeze %dma_wait3A_627 : memref<1x128xi32, #tpu.memory_space<vmem>> -> memref<128xi32, #tpu.memory_space<vmem>>
        %dma_wait3A_629 = arith.constant 0 : i32
        %dma_wait3A_630 = arith.constant 0 : i32
        %dma_wait3A_631 = tpu.memref_slice %arg9[%dma_wait3A_629, %dma_wait3A_630] : memref<10240x8xf32, #tpu.memory_space<vmem_shared>> -> memref<10240x8xf32, #tpu.memory_space<vmem_shared>>
        tpu.wait_indirect_dma semaphore(%arg26 : memref<!tpu.dma_semaphore, #tpu.memory_space<semaphore_mem>>) src(%arg10 : memref<128x8xf32, #tpu.memory_space<vmem>>) dst(%dma_wait3A_631 : memref<10240x8xf32, #tpu.memory_space<vmem_shared>>)
      } else {
      }
      %add3A_525 = arith.constant 4 : i32
      %add3A_526 = arith.addi %add3A_519, %add3A_525 : i32
      %lt3A_527 = arith.cmpi slt, %add3A_526, %sub3A_47 : i32
      %convert_element_type3A_528 = arith.extui %lt3A_527 : i1 to i32
      %cond3A_529 = arith.constant 0 : i32
      %cond3A_530 = arith.cmpi ne, %convert_element_type3A_528, %cond3A_529 : i32
      scf.if %cond3A_530 {
        %add3A_624 = arith.constant 4 : i32
        %add3A_625 = arith.addi %add3A_519, %add3A_624 : i32
        %dma_start3A_626 = arith.constant 0 : i32
        %dma_start3A_627 = tpu.memref_slice %arg7[%add3A_625, %dma_start3A_626] : memref<79x128xi32, #tpu.memory_space<vmem>> -> memref<1x128xi32, #tpu.memory_space<vmem>>
        %dma_start3A_628 = tpu.memref_squeeze %dma_start3A_627 : memref<1x128xi32, #tpu.memory_space<vmem>> -> memref<128xi32, #tpu.memory_space<vmem>>
        %dma_start3A_629 = arith.constant 0 : i32
        %dma_start3A_630 = arith.constant 0 : i32
        %dma_start3A_631 = tpu.memref_slice %arg2[%dma_start3A_629, %dma_start3A_630] : memref<10240x8xf32, #tpu.memory_space<hbm>> -> memref<10240x8xf32, #tpu.memory_space<hbm>>
        tpu.enqueue_indirect_dma source(%dma_start3A_631 : memref<10240x8xf32, #tpu.memory_space<hbm>>) target(%arg10 : memref<128x8xf32, #tpu.memory_space<vmem>>) offsets(%dma_start3A_628 : memref<128xi32, #tpu.memory_space<vmem>>) semaphore(%arg18 : memref<!tpu.dma_semaphore, #tpu.memory_space<semaphore_mem>>)
      } else {
      }
      %dma_wait3A_531 = arith.constant 0 : i32
      %dma_wait3A_532 = tpu.memref_slice %arg7[%add3A_519, %dma_wait3A_531] : memref<79x128xi32, #tpu.memory_space<vmem>> -> memref<1x128xi32, #tpu.memory_space<vmem>>
      %dma_wait3A_533 = tpu.memref_squeeze %dma_wait3A_532 : memref<1x128xi32, #tpu.memory_space<vmem>> -> memref<128xi32, #tpu.memory_space<vmem>>
      %dma_wait3A_534 = arith.constant 0 : i32
      %dma_wait3A_535 = arith.constant 0 : i32
      %dma_wait3A_536 = tpu.memref_slice %arg2[%dma_wait3A_534, %dma_wait3A_535] : memref<10240x8xf32, #tpu.memory_space<hbm>> -> memref<10240x8xf32, #tpu.memory_space<hbm>>
      tpu.wait_indirect_dma semaphore(%arg22 : memref<!tpu.dma_semaphore, #tpu.memory_space<semaphore_mem>>) src(%dma_wait3A_536 : memref<10240x8xf32, #tpu.memory_space<hbm>>) dst(%arg14 : memref<128x8xf32, #tpu.memory_space<vmem>>)
      %dma_start3A_537 = arith.constant 0 : i32
      %dma_start3A_538 = tpu.memref_slice %arg8[%add3A_519, %dma_start3A_537] : memref<79x128xi32, #tpu.memory_space<vmem>> -> memref<1x128xi32, #tpu.memory_space<vmem>>
      %dma_start3A_539 = tpu.memref_squeeze %dma_start3A_538 : memref<1x128xi32, #tpu.memory_space<vmem>> -> memref<128xi32, #tpu.memory_space<vmem>>
      %dma_start3A_540 = arith.constant 0 : i32
      %dma_start3A_541 = arith.constant 0 : i32
      %dma_start3A_542 = tpu.memref_slice %arg9[%dma_start3A_540, %dma_start3A_541] : memref<10240x8xf32, #tpu.memory_space<vmem_shared>> -> memref<10240x8xf32, #tpu.memory_space<vmem_shared>>
      tpu.enqueue_indirect_dma source(%arg14 : memref<128x8xf32, #tpu.memory_space<vmem>>) target(%dma_start3A_542 : memref<10240x8xf32, #tpu.memory_space<vmem_shared>>) offsets(%dma_start3A_539 : memref<128xi32, #tpu.memory_space<vmem>>) semaphore(%arg30 : memref<!tpu.dma_semaphore, #tpu.memory_space<semaphore_mem>>) {add = true}
      %mul3A_543 = arith.constant 8 : i32
      %mul3A_544 = arith.muli %mul3A_543, %while3A_408 : i32
      %add3A_545 = arith.constant 5 : i32
      %add3A_546 = arith.addi %mul3A_544, %add3A_545 : i32
      %ge3A_547 = arith.constant 4 : i32
      %ge3A_548 = arith.cmpi sge, %add3A_546, %ge3A_547 : i32
      %convert_element_type3A_549 = arith.extui %ge3A_548 : i1 to i32
      %cond3A_550 = arith.constant 0 : i32
      %cond3A_551 = arith.cmpi ne, %convert_element_type3A_549, %cond3A_550 : i32
      scf.if %cond3A_551 {
        %sub3A_624 = arith.constant 4 : i32
        %sub3A_625 = arith.subi %add3A_546, %sub3A_624 : i32
        %dma_wait3A_626 = arith.constant 0 : i32
        %dma_wait3A_627 = tpu.memref_slice %arg8[%sub3A_625, %dma_wait3A_626] : memref<79x128xi32, #tpu.memory_space<vmem>> -> memref<1x128xi32, #tpu.memory_space<vmem>>
        %dma_wait3A_628 = tpu.memref_squeeze %dma_wait3A_627 : memref<1x128xi32, #tpu.memory_space<vmem>> -> memref<128xi32, #tpu.memory_space<vmem>>
        %dma_wait3A_629 = arith.constant 0 : i32
        %dma_wait3A_630 = arith.constant 0 : i32
        %dma_wait3A_631 = tpu.memref_slice %arg9[%dma_wait3A_629, %dma_wait3A_630] : memref<10240x8xf32, #tpu.memory_space<vmem_shared>> -> memref<10240x8xf32, #tpu.memory_space<vmem_shared>>
        tpu.wait_indirect_dma semaphore(%arg27 : memref<!tpu.dma_semaphore, #tpu.memory_space<semaphore_mem>>) src(%arg11 : memref<128x8xf32, #tpu.memory_space<vmem>>) dst(%dma_wait3A_631 : memref<10240x8xf32, #tpu.memory_space<vmem_shared>>)
      } else {
      }
      %add3A_552 = arith.constant 4 : i32
      %add3A_553 = arith.addi %add3A_546, %add3A_552 : i32
      %lt3A_554 = arith.cmpi slt, %add3A_553, %sub3A_47 : i32
      %convert_element_type3A_555 = arith.extui %lt3A_554 : i1 to i32
      %cond3A_556 = arith.constant 0 : i32
      %cond3A_557 = arith.cmpi ne, %convert_element_type3A_555, %cond3A_556 : i32
      scf.if %cond3A_557 {
        %add3A_624 = arith.constant 4 : i32
        %add3A_625 = arith.addi %add3A_546, %add3A_624 : i32
        %dma_start3A_626 = arith.constant 0 : i32
        %dma_start3A_627 = tpu.memref_slice %arg7[%add3A_625, %dma_start3A_626] : memref<79x128xi32, #tpu.memory_space<vmem>> -> memref<1x128xi32, #tpu.memory_space<vmem>>
        %dma_start3A_628 = tpu.memref_squeeze %dma_start3A_627 : memref<1x128xi32, #tpu.memory_space<vmem>> -> memref<128xi32, #tpu.memory_space<vmem>>
        %dma_start3A_629 = arith.constant 0 : i32
        %dma_start3A_630 = arith.constant 0 : i32
        %dma_start3A_631 = tpu.memref_slice %arg2[%dma_start3A_629, %dma_start3A_630] : memref<10240x8xf32, #tpu.memory_space<hbm>> -> memref<10240x8xf32, #tpu.memory_space<hbm>>
        tpu.enqueue_indirect_dma source(%dma_start3A_631 : memref<10240x8xf32, #tpu.memory_space<hbm>>) target(%arg11 : memref<128x8xf32, #tpu.memory_space<vmem>>) offsets(%dma_start3A_628 : memref<128xi32, #tpu.memory_space<vmem>>) semaphore(%arg19 : memref<!tpu.dma_semaphore, #tpu.memory_space<semaphore_mem>>)
      } else {
      }
      %dma_wait3A_558 = arith.constant 0 : i32
      %dma_wait3A_559 = tpu.memref_slice %arg7[%add3A_546, %dma_wait3A_558] : memref<79x128xi32, #tpu.memory_space<vmem>> -> memref<1x128xi32, #tpu.memory_space<vmem>>
      %dma_wait3A_560 = tpu.memref_squeeze %dma_wait3A_559 : memref<1x128xi32, #tpu.memory_space<vmem>> -> memref<128xi32, #tpu.memory_space<vmem>>
      %dma_wait3A_561 = arith.constant 0 : i32
      %dma_wait3A_562 = arith.constant 0 : i32
      %dma_wait3A_563 = tpu.memref_slice %arg2[%dma_wait3A_561, %dma_wait3A_562] : memref<10240x8xf32, #tpu.memory_space<hbm>> -> memref<10240x8xf32, #tpu.memory_space<hbm>>
      tpu.wait_indirect_dma semaphore(%arg23 : memref<!tpu.dma_semaphore, #tpu.memory_space<semaphore_mem>>) src(%dma_wait3A_563 : memref<10240x8xf32, #tpu.memory_space<hbm>>) dst(%arg15 : memref<128x8xf32, #tpu.memory_space<vmem>>)
      %dma_start3A_564 = arith.constant 0 : i32
      %dma_start3A_565 = tpu.memref_slice %arg8[%add3A_546, %dma_start3A_564] : memref<79x128xi32, #tpu.memory_space<vmem>> -> memref<1x128xi32, #tpu.memory_space<vmem>>
      %dma_start3A_566 = tpu.memref_squeeze %dma_start3A_565 : memref<1x128xi32, #tpu.memory_space<vmem>> -> memref<128xi32, #tpu.memory_space<vmem>>
      %dma_start3A_567 = arith.constant 0 : i32
      %dma_start3A_568 = arith.constant 0 : i32
      %dma_start3A_569 = tpu.memref_slice %arg9[%dma_start3A_567, %dma_start3A_568] : memref<10240x8xf32, #tpu.memory_space<vmem_shared>> -> memref<10240x8xf32, #tpu.memory_space<vmem_shared>>
      tpu.enqueue_indirect_dma source(%arg15 : memref<128x8xf32, #tpu.memory_space<vmem>>) target(%dma_start3A_569 : memref<10240x8xf32, #tpu.memory_space<vmem_shared>>) offsets(%dma_start3A_566 : memref<128xi32, #tpu.memory_space<vmem>>) semaphore(%arg31 : memref<!tpu.dma_semaphore, #tpu.memory_space<semaphore_mem>>) {add = true}
      %mul3A_570 = arith.constant 8 : i32
      %mul3A_571 = arith.muli %mul3A_570, %while3A_408 : i32
      %add3A_572 = arith.constant 6 : i32
      %add3A_573 = arith.addi %mul3A_571, %add3A_572 : i32
      %ge3A_574 = arith.constant 4 : i32
      %ge3A_575 = arith.cmpi sge, %add3A_573, %ge3A_574 : i32
      %convert_element_type3A_576 = arith.extui %ge3A_575 : i1 to i32
      %cond3A_577 = arith.constant 0 : i32
      %cond3A_578 = arith.cmpi ne, %convert_element_type3A_576, %cond3A_577 : i32
      scf.if %cond3A_578 {
        %sub3A_624 = arith.constant 4 : i32
        %sub3A_625 = arith.subi %add3A_573, %sub3A_624 : i32
        %dma_wait3A_626 = arith.constant 0 : i32
        %dma_wait3A_627 = tpu.memref_slice %arg8[%sub3A_625, %dma_wait3A_626] : memref<79x128xi32, #tpu.memory_space<vmem>> -> memref<1x128xi32, #tpu.memory_space<vmem>>
        %dma_wait3A_628 = tpu.memref_squeeze %dma_wait3A_627 : memref<1x128xi32, #tpu.memory_space<vmem>> -> memref<128xi32, #tpu.memory_space<vmem>>
        %dma_wait3A_629 = arith.constant 0 : i32
        %dma_wait3A_630 = arith.constant 0 : i32
        %dma_wait3A_631 = tpu.memref_slice %arg9[%dma_wait3A_629, %dma_wait3A_630] : memref<10240x8xf32, #tpu.memory_space<vmem_shared>> -> memref<10240x8xf32, #tpu.memory_space<vmem_shared>>
        tpu.wait_indirect_dma semaphore(%arg28 : memref<!tpu.dma_semaphore, #tpu.memory_space<semaphore_mem>>) src(%arg12 : memref<128x8xf32, #tpu.memory_space<vmem>>) dst(%dma_wait3A_631 : memref<10240x8xf32, #tpu.memory_space<vmem_shared>>)
      } else {
      }
      %add3A_579 = arith.constant 4 : i32
      %add3A_580 = arith.addi %add3A_573, %add3A_579 : i32
      %lt3A_581 = arith.cmpi slt, %add3A_580, %sub3A_47 : i32
      %convert_element_type3A_582 = arith.extui %lt3A_581 : i1 to i32
      %cond3A_583 = arith.constant 0 : i32
      %cond3A_584 = arith.cmpi ne, %convert_element_type3A_582, %cond3A_583 : i32
      scf.if %cond3A_584 {
        %add3A_624 = arith.constant 4 : i32
        %add3A_625 = arith.addi %add3A_573, %add3A_624 : i32
        %dma_start3A_626 = arith.constant 0 : i32
        %dma_start3A_627 = tpu.memref_slice %arg7[%add3A_625, %dma_start3A_626] : memref<79x128xi32, #tpu.memory_space<vmem>> -> memref<1x128xi32, #tpu.memory_space<vmem>>
        %dma_start3A_628 = tpu.memref_squeeze %dma_start3A_627 : memref<1x128xi32, #tpu.memory_space<vmem>> -> memref<128xi32, #tpu.memory_space<vmem>>
        %dma_start3A_629 = arith.constant 0 : i32
        %dma_start3A_630 = arith.constant 0 : i32
        %dma_start3A_631 = tpu.memref_slice %arg2[%dma_start3A_629, %dma_start3A_630] : memref<10240x8xf32, #tpu.memory_space<hbm>> -> memref<10240x8xf32, #tpu.memory_space<hbm>>
        tpu.enqueue_indirect_dma source(%dma_start3A_631 : memref<10240x8xf32, #tpu.memory_space<hbm>>) target(%arg12 : memref<128x8xf32, #tpu.memory_space<vmem>>) offsets(%dma_start3A_628 : memref<128xi32, #tpu.memory_space<vmem>>) semaphore(%arg20 : memref<!tpu.dma_semaphore, #tpu.memory_space<semaphore_mem>>)
      } else {
      }
      %dma_wait3A_585 = arith.constant 0 : i32
      %dma_wait3A_586 = tpu.memref_slice %arg7[%add3A_573, %dma_wait3A_585] : memref<79x128xi32, #tpu.memory_space<vmem>> -> memref<1x128xi32, #tpu.memory_space<vmem>>
      %dma_wait3A_587 = tpu.memref_squeeze %dma_wait3A_586 : memref<1x128xi32, #tpu.memory_space<vmem>> -> memref<128xi32, #tpu.memory_space<vmem>>
      %dma_wait3A_588 = arith.constant 0 : i32
      %dma_wait3A_589 = arith.constant 0 : i32
      %dma_wait3A_590 = tpu.memref_slice %arg2[%dma_wait3A_588, %dma_wait3A_589] : memref<10240x8xf32, #tpu.memory_space<hbm>> -> memref<10240x8xf32, #tpu.memory_space<hbm>>
      tpu.wait_indirect_dma semaphore(%arg24 : memref<!tpu.dma_semaphore, #tpu.memory_space<semaphore_mem>>) src(%dma_wait3A_590 : memref<10240x8xf32, #tpu.memory_space<hbm>>) dst(%arg16 : memref<128x8xf32, #tpu.memory_space<vmem>>)
      %dma_start3A_591 = arith.constant 0 : i32
      %dma_start3A_592 = tpu.memref_slice %arg8[%add3A_573, %dma_start3A_591] : memref<79x128xi32, #tpu.memory_space<vmem>> -> memref<1x128xi32, #tpu.memory_space<vmem>>
      %dma_start3A_593 = tpu.memref_squeeze %dma_start3A_592 : memref<1x128xi32, #tpu.memory_space<vmem>> -> memref<128xi32, #tpu.memory_space<vmem>>
      %dma_start3A_594 = arith.constant 0 : i32
      %dma_start3A_595 = arith.constant 0 : i32
      %dma_start3A_596 = tpu.memref_slice %arg9[%dma_start3A_594, %dma_start3A_595] : memref<10240x8xf32, #tpu.memory_space<vmem_shared>> -> memref<10240x8xf32, #tpu.memory_space<vmem_shared>>
      tpu.enqueue_indirect_dma source(%arg16 : memref<128x8xf32, #tpu.memory_space<vmem>>) target(%dma_start3A_596 : memref<10240x8xf32, #tpu.memory_space<vmem_shared>>) offsets(%dma_start3A_593 : memref<128xi32, #tpu.memory_space<vmem>>) semaphore(%arg32 : memref<!tpu.dma_semaphore, #tpu.memory_space<semaphore_mem>>) {add = true}
      %mul3A_597 = arith.constant 8 : i32
      %mul3A_598 = arith.muli %mul3A_597, %while3A_408 : i32
      %add3A_599 = arith.constant 7 : i32
      %add3A_600 = arith.addi %mul3A_598, %add3A_599 : i32
      %ge3A_601 = arith.constant 4 : i32
      %ge3A_602 = arith.cmpi sge, %add3A_600, %ge3A_601 : i32
      %convert_element_type3A_603 = arith.extui %ge3A_602 : i1 to i32
      %cond3A_604 = arith.constant 0 : i32
      %cond3A_605 = arith.cmpi ne, %convert_element_type3A_603, %cond3A_604 : i32
      scf.if %cond3A_605 {
        %sub3A_624 = arith.constant 4 : i32
        %sub3A_625 = arith.subi %add3A_600, %sub3A_624 : i32
        %dma_wait3A_626 = arith.constant 0 : i32
        %dma_wait3A_627 = tpu.memref_slice %arg8[%sub3A_625, %dma_wait3A_626] : memref<79x128xi32, #tpu.memory_space<vmem>> -> memref<1x128xi32, #tpu.memory_space<vmem>>
        %dma_wait3A_628 = tpu.memref_squeeze %dma_wait3A_627 : memref<1x128xi32, #tpu.memory_space<vmem>> -> memref<128xi32, #tpu.memory_space<vmem>>
        %dma_wait3A_629 = arith.constant 0 : i32
        %dma_wait3A_630 = arith.constant 0 : i32
        %dma_wait3A_631 = tpu.memref_slice %arg9[%dma_wait3A_629, %dma_wait3A_630] : memref<10240x8xf32, #tpu.memory_space<vmem_shared>> -> memref<10240x8xf32, #tpu.memory_space<vmem_shared>>
        tpu.wait_indirect_dma semaphore(%arg29 : memref<!tpu.dma_semaphore, #tpu.memory_space<semaphore_mem>>) src(%arg13 : memref<128x8xf32, #tpu.memory_space<vmem>>) dst(%dma_wait3A_631 : memref<10240x8xf32, #tpu.memory_space<vmem_shared>>)
      } else {
      }
      %add3A_606 = arith.constant 4 : i32
      %add3A_607 = arith.addi %add3A_600, %add3A_606 : i32
      %lt3A_608 = arith.cmpi slt, %add3A_607, %sub3A_47 : i32
      %convert_element_type3A_609 = arith.extui %lt3A_608 : i1 to i32
      %cond3A_610 = arith.constant 0 : i32
      %cond3A_611 = arith.cmpi ne, %convert_element_type3A_609, %cond3A_610 : i32
      scf.if %cond3A_611 {
        %add3A_624 = arith.constant 4 : i32
        %add3A_625 = arith.addi %add3A_600, %add3A_624 : i32
        %dma_start3A_626 = arith.constant 0 : i32
        %dma_start3A_627 = tpu.memref_slice %arg7[%add3A_625, %dma_start3A_626] : memref<79x128xi32, #tpu.memory_space<vmem>> -> memref<1x128xi32, #tpu.memory_space<vmem>>
        %dma_start3A_628 = tpu.memref_squeeze %dma_start3A_627 : memref<1x128xi32, #tpu.memory_space<vmem>> -> memref<128xi32, #tpu.memory_space<vmem>>
        %dma_start3A_629 = arith.constant 0 : i32
        %dma_start3A_630 = arith.constant 0 : i32
        %dma_start3A_631 = tpu.memref_slice %arg2[%dma_start3A_629, %dma_start3A_630] : memref<10240x8xf32, #tpu.memory_space<hbm>> -> memref<10240x8xf32, #tpu.memory_space<hbm>>
        tpu.enqueue_indirect_dma source(%dma_start3A_631 : memref<10240x8xf32, #tpu.memory_space<hbm>>) target(%arg13 : memref<128x8xf32, #tpu.memory_space<vmem>>) offsets(%dma_start3A_628 : memref<128xi32, #tpu.memory_space<vmem>>) semaphore(%arg21 : memref<!tpu.dma_semaphore, #tpu.memory_space<semaphore_mem>>)
      } else {
      }
      %dma_wait3A_612 = arith.constant 0 : i32
      %dma_wait3A_613 = tpu.memref_slice %arg7[%add3A_600, %dma_wait3A_612] : memref<79x128xi32, #tpu.memory_space<vmem>> -> memref<1x128xi32, #tpu.memory_space<vmem>>
      %dma_wait3A_614 = tpu.memref_squeeze %dma_wait3A_613 : memref<1x128xi32, #tpu.memory_space<vmem>> -> memref<128xi32, #tpu.memory_space<vmem>>
      %dma_wait3A_615 = arith.constant 0 : i32
      %dma_wait3A_616 = arith.constant 0 : i32
      %dma_wait3A_617 = tpu.memref_slice %arg2[%dma_wait3A_615, %dma_wait3A_616] : memref<10240x8xf32, #tpu.memory_space<hbm>> -> memref<10240x8xf32, #tpu.memory_space<hbm>>
      tpu.wait_indirect_dma semaphore(%arg25 : memref<!tpu.dma_semaphore, #tpu.memory_space<semaphore_mem>>) src(%dma_wait3A_617 : memref<10240x8xf32, #tpu.memory_space<hbm>>) dst(%arg17 : memref<128x8xf32, #tpu.memory_space<vmem>>)
      %dma_start3A_618 = arith.constant 0 : i32
      %dma_start3A_619 = tpu.memref_slice %arg8[%add3A_600, %dma_start3A_618] : memref<79x128xi32, #tpu.memory_space<vmem>> -> memref<1x128xi32, #tpu.memory_space<vmem>>
      %dma_start3A_620 = tpu.memref_squeeze %dma_start3A_619 : memref<1x128xi32, #tpu.memory_space<vmem>> -> memref<128xi32, #tpu.memory_space<vmem>>
      %dma_start3A_621 = arith.constant 0 : i32
      %dma_start3A_622 = arith.constant 0 : i32
      %dma_start3A_623 = tpu.memref_slice %arg9[%dma_start3A_621, %dma_start3A_622] : memref<10240x8xf32, #tpu.memory_space<vmem_shared>> -> memref<10240x8xf32, #tpu.memory_space<vmem_shared>>
      tpu.enqueue_indirect_dma source(%arg17 : memref<128x8xf32, #tpu.memory_space<vmem>>) target(%dma_start3A_623 : memref<10240x8xf32, #tpu.memory_space<vmem_shared>>) offsets(%dma_start3A_620 : memref<128xi32, #tpu.memory_space<vmem>>) semaphore(%arg33 : memref<!tpu.dma_semaphore, #tpu.memory_space<semaphore_mem>>) {add = true}
    }
    %mul3A_112 = arith.constant 8 : i32
    %mul3A_113 = arith.muli %mul3A_112, %select_n3A_102 : i32
    %add3A_114 = arith.constant 0 : i32
    %add3A_115 = arith.addi %mul3A_113, %add3A_114 : i32
    %lt3A = arith.cmpi slt, %add3A_115, %sub3A_47 : i32
    %convert_element_type3A = arith.extui %lt3A : i1 to i32
    %cond3A = arith.constant 0 : i32
    %cond3A_116 = arith.cmpi ne, %convert_element_type3A, %cond3A : i32
    scf.if %cond3A_116 {
      %ge3A_408 = arith.constant 4 : i32
      %ge3A_409 = arith.cmpi sge, %add3A_115, %ge3A_408 : i32
      %convert_element_type3A_410 = arith.extui %ge3A_409 : i1 to i32
      %cond3A_411 = arith.constant 0 : i32
      %cond3A_412 = arith.cmpi ne, %convert_element_type3A_410, %cond3A_411 : i32
      scf.if %cond3A_412 {
        %sub3A_430 = arith.constant 4 : i32
        %sub3A_431 = arith.subi %add3A_115, %sub3A_430 : i32
        %dma_wait3A_432 = arith.constant 0 : i32
        %dma_wait3A_433 = tpu.memref_slice %arg8[%sub3A_431, %dma_wait3A_432] : memref<79x128xi32, #tpu.memory_space<vmem>> -> memref<1x128xi32, #tpu.memory_space<vmem>>
        %dma_wait3A_434 = tpu.memref_squeeze %dma_wait3A_433 : memref<1x128xi32, #tpu.memory_space<vmem>> -> memref<128xi32, #tpu.memory_space<vmem>>
        %dma_wait3A_435 = arith.constant 0 : i32
        %dma_wait3A_436 = arith.constant 0 : i32
        %dma_wait3A_437 = tpu.memref_slice %arg9[%dma_wait3A_435, %dma_wait3A_436] : memref<10240x8xf32, #tpu.memory_space<vmem_shared>> -> memref<10240x8xf32, #tpu.memory_space<vmem_shared>>
        tpu.wait_indirect_dma semaphore(%arg30 : memref<!tpu.dma_semaphore, #tpu.memory_space<semaphore_mem>>) src(%arg14 : memref<128x8xf32, #tpu.memory_space<vmem>>) dst(%dma_wait3A_437 : memref<10240x8xf32, #tpu.memory_space<vmem_shared>>)
      } else {
      }
      %add3A_413 = arith.constant 4 : i32
      %add3A_414 = arith.addi %add3A_115, %add3A_413 : i32
      %lt3A_415 = arith.cmpi slt, %add3A_414, %sub3A_47 : i32
      %convert_element_type3A_416 = arith.extui %lt3A_415 : i1 to i32
      %cond3A_417 = arith.constant 0 : i32
      %cond3A_418 = arith.cmpi ne, %convert_element_type3A_416, %cond3A_417 : i32
      scf.if %cond3A_418 {
        %add3A_430 = arith.constant 4 : i32
        %add3A_431 = arith.addi %add3A_115, %add3A_430 : i32
        %dma_start3A_432 = arith.constant 0 : i32
        %dma_start3A_433 = tpu.memref_slice %arg7[%add3A_431, %dma_start3A_432] : memref<79x128xi32, #tpu.memory_space<vmem>> -> memref<1x128xi32, #tpu.memory_space<vmem>>
        %dma_start3A_434 = tpu.memref_squeeze %dma_start3A_433 : memref<1x128xi32, #tpu.memory_space<vmem>> -> memref<128xi32, #tpu.memory_space<vmem>>
        %dma_start3A_435 = arith.constant 0 : i32
        %dma_start3A_436 = arith.constant 0 : i32
        %dma_start3A_437 = tpu.memref_slice %arg2[%dma_start3A_435, %dma_start3A_436] : memref<10240x8xf32, #tpu.memory_space<hbm>> -> memref<10240x8xf32, #tpu.memory_space<hbm>>
        tpu.enqueue_indirect_dma source(%dma_start3A_437 : memref<10240x8xf32, #tpu.memory_space<hbm>>) target(%arg14 : memref<128x8xf32, #tpu.memory_space<vmem>>) offsets(%dma_start3A_434 : memref<128xi32, #tpu.memory_space<vmem>>) semaphore(%arg22 : memref<!tpu.dma_semaphore, #tpu.memory_space<semaphore_mem>>)
      } else {
      }
      %dma_wait3A = arith.constant 0 : i32
      %dma_wait3A_419 = tpu.memref_slice %arg7[%add3A_115, %dma_wait3A] : memref<79x128xi32, #tpu.memory_space<vmem>> -> memref<1x128xi32, #tpu.memory_space<vmem>>
      %dma_wait3A_420 = tpu.memref_squeeze %dma_wait3A_419 : memref<1x128xi32, #tpu.memory_space<vmem>> -> memref<128xi32, #tpu.memory_space<vmem>>
      %dma_wait3A_421 = arith.constant 0 : i32
      %dma_wait3A_422 = arith.constant 0 : i32
      %dma_wait3A_423 = tpu.memref_slice %arg2[%dma_wait3A_421, %dma_wait3A_422] : memref<10240x8xf32, #tpu.memory_space<hbm>> -> memref<10240x8xf32, #tpu.memory_space<hbm>>
      tpu.wait_indirect_dma semaphore(%arg18 : memref<!tpu.dma_semaphore, #tpu.memory_space<semaphore_mem>>) src(%dma_wait3A_423 : memref<10240x8xf32, #tpu.memory_space<hbm>>) dst(%arg10 : memref<128x8xf32, #tpu.memory_space<vmem>>)
      %dma_start3A_424 = arith.constant 0 : i32
      %dma_start3A_425 = tpu.memref_slice %arg8[%add3A_115, %dma_start3A_424] : memref<79x128xi32, #tpu.memory_space<vmem>> -> memref<1x128xi32, #tpu.memory_space<vmem>>
      %dma_start3A_426 = tpu.memref_squeeze %dma_start3A_425 : memref<1x128xi32, #tpu.memory_space<vmem>> -> memref<128xi32, #tpu.memory_space<vmem>>
      %dma_start3A_427 = arith.constant 0 : i32
      %dma_start3A_428 = arith.constant 0 : i32
      %dma_start3A_429 = tpu.memref_slice %arg9[%dma_start3A_427, %dma_start3A_428] : memref<10240x8xf32, #tpu.memory_space<vmem_shared>> -> memref<10240x8xf32, #tpu.memory_space<vmem_shared>>
      tpu.enqueue_indirect_dma source(%arg10 : memref<128x8xf32, #tpu.memory_space<vmem>>) target(%dma_start3A_429 : memref<10240x8xf32, #tpu.memory_space<vmem_shared>>) offsets(%dma_start3A_426 : memref<128xi32, #tpu.memory_space<vmem>>) semaphore(%arg26 : memref<!tpu.dma_semaphore, #tpu.memory_space<semaphore_mem>>) {add = true}
    } else {
    }
    %mul3A_117 = arith.constant 8 : i32
    %mul3A_118 = arith.muli %mul3A_117, %select_n3A_102 : i32
    %add3A_119 = arith.constant 1 : i32
    %add3A_120 = arith.addi %mul3A_118, %add3A_119 : i32
    %lt3A_121 = arith.cmpi slt, %add3A_120, %sub3A_47 : i32
    %convert_element_type3A_122 = arith.extui %lt3A_121 : i1 to i32
    %cond3A_123 = arith.constant 0 : i32
    %cond3A_124 = arith.cmpi ne, %convert_element_type3A_122, %cond3A_123 : i32
    scf.if %cond3A_124 {
      %ge3A_408 = arith.constant 4 : i32
      %ge3A_409 = arith.cmpi sge, %add3A_120, %ge3A_408 : i32
      %convert_element_type3A_410 = arith.extui %ge3A_409 : i1 to i32
      %cond3A_411 = arith.constant 0 : i32
      %cond3A_412 = arith.cmpi ne, %convert_element_type3A_410, %cond3A_411 : i32
      scf.if %cond3A_412 {
        %sub3A_430 = arith.constant 4 : i32
        %sub3A_431 = arith.subi %add3A_120, %sub3A_430 : i32
        %dma_wait3A_432 = arith.constant 0 : i32
        %dma_wait3A_433 = tpu.memref_slice %arg8[%sub3A_431, %dma_wait3A_432] : memref<79x128xi32, #tpu.memory_space<vmem>> -> memref<1x128xi32, #tpu.memory_space<vmem>>
        %dma_wait3A_434 = tpu.memref_squeeze %dma_wait3A_433 : memref<1x128xi32, #tpu.memory_space<vmem>> -> memref<128xi32, #tpu.memory_space<vmem>>
        %dma_wait3A_435 = arith.constant 0 : i32
        %dma_wait3A_436 = arith.constant 0 : i32
        %dma_wait3A_437 = tpu.memref_slice %arg9[%dma_wait3A_435, %dma_wait3A_436] : memref<10240x8xf32, #tpu.memory_space<vmem_shared>> -> memref<10240x8xf32, #tpu.memory_space<vmem_shared>>
        tpu.wait_indirect_dma semaphore(%arg31 : memref<!tpu.dma_semaphore, #tpu.memory_space<semaphore_mem>>) src(%arg15 : memref<128x8xf32, #tpu.memory_space<vmem>>) dst(%dma_wait3A_437 : memref<10240x8xf32, #tpu.memory_space<vmem_shared>>)
      } else {
      }
      %add3A_413 = arith.constant 4 : i32
      %add3A_414 = arith.addi %add3A_120, %add3A_413 : i32
      %lt3A_415 = arith.cmpi slt, %add3A_414, %sub3A_47 : i32
      %convert_element_type3A_416 = arith.extui %lt3A_415 : i1 to i32
      %cond3A_417 = arith.constant 0 : i32
      %cond3A_418 = arith.cmpi ne, %convert_element_type3A_416, %cond3A_417 : i32
      scf.if %cond3A_418 {
        %add3A_430 = arith.constant 4 : i32
        %add3A_431 = arith.addi %add3A_120, %add3A_430 : i32
        %dma_start3A_432 = arith.constant 0 : i32
        %dma_start3A_433 = tpu.memref_slice %arg7[%add3A_431, %dma_start3A_432] : memref<79x128xi32, #tpu.memory_space<vmem>> -> memref<1x128xi32, #tpu.memory_space<vmem>>
        %dma_start3A_434 = tpu.memref_squeeze %dma_start3A_433 : memref<1x128xi32, #tpu.memory_space<vmem>> -> memref<128xi32, #tpu.memory_space<vmem>>
        %dma_start3A_435 = arith.constant 0 : i32
        %dma_start3A_436 = arith.constant 0 : i32
        %dma_start3A_437 = tpu.memref_slice %arg2[%dma_start3A_435, %dma_start3A_436] : memref<10240x8xf32, #tpu.memory_space<hbm>> -> memref<10240x8xf32, #tpu.memory_space<hbm>>
        tpu.enqueue_indirect_dma source(%dma_start3A_437 : memref<10240x8xf32, #tpu.memory_space<hbm>>) target(%arg15 : memref<128x8xf32, #tpu.memory_space<vmem>>) offsets(%dma_start3A_434 : memref<128xi32, #tpu.memory_space<vmem>>) semaphore(%arg23 : memref<!tpu.dma_semaphore, #tpu.memory_space<semaphore_mem>>)
      } else {
      }
      %dma_wait3A = arith.constant 0 : i32
      %dma_wait3A_419 = tpu.memref_slice %arg7[%add3A_120, %dma_wait3A] : memref<79x128xi32, #tpu.memory_space<vmem>> -> memref<1x128xi32, #tpu.memory_space<vmem>>
      %dma_wait3A_420 = tpu.memref_squeeze %dma_wait3A_419 : memref<1x128xi32, #tpu.memory_space<vmem>> -> memref<128xi32, #tpu.memory_space<vmem>>
      %dma_wait3A_421 = arith.constant 0 : i32
      %dma_wait3A_422 = arith.constant 0 : i32
      %dma_wait3A_423 = tpu.memref_slice %arg2[%dma_wait3A_421, %dma_wait3A_422] : memref<10240x8xf32, #tpu.memory_space<hbm>> -> memref<10240x8xf32, #tpu.memory_space<hbm>>
      tpu.wait_indirect_dma semaphore(%arg19 : memref<!tpu.dma_semaphore, #tpu.memory_space<semaphore_mem>>) src(%dma_wait3A_423 : memref<10240x8xf32, #tpu.memory_space<hbm>>) dst(%arg11 : memref<128x8xf32, #tpu.memory_space<vmem>>)
      %dma_start3A_424 = arith.constant 0 : i32
      %dma_start3A_425 = tpu.memref_slice %arg8[%add3A_120, %dma_start3A_424] : memref<79x128xi32, #tpu.memory_space<vmem>> -> memref<1x128xi32, #tpu.memory_space<vmem>>
      %dma_start3A_426 = tpu.memref_squeeze %dma_start3A_425 : memref<1x128xi32, #tpu.memory_space<vmem>> -> memref<128xi32, #tpu.memory_space<vmem>>
      %dma_start3A_427 = arith.constant 0 : i32
      %dma_start3A_428 = arith.constant 0 : i32
      %dma_start3A_429 = tpu.memref_slice %arg9[%dma_start3A_427, %dma_start3A_428] : memref<10240x8xf32, #tpu.memory_space<vmem_shared>> -> memref<10240x8xf32, #tpu.memory_space<vmem_shared>>
      tpu.enqueue_indirect_dma source(%arg11 : memref<128x8xf32, #tpu.memory_space<vmem>>) target(%dma_start3A_429 : memref<10240x8xf32, #tpu.memory_space<vmem_shared>>) offsets(%dma_start3A_426 : memref<128xi32, #tpu.memory_space<vmem>>) semaphore(%arg27 : memref<!tpu.dma_semaphore, #tpu.memory_space<semaphore_mem>>) {add = true}
    } else {
    }
    %mul3A_125 = arith.constant 8 : i32
    %mul3A_126 = arith.muli %mul3A_125, %select_n3A_102 : i32
    %add3A_127 = arith.constant 2 : i32
    %add3A_128 = arith.addi %mul3A_126, %add3A_127 : i32
    %lt3A_129 = arith.cmpi slt, %add3A_128, %sub3A_47 : i32
    %convert_element_type3A_130 = arith.extui %lt3A_129 : i1 to i32
    %cond3A_131 = arith.constant 0 : i32
    %cond3A_132 = arith.cmpi ne, %convert_element_type3A_130, %cond3A_131 : i32
    scf.if %cond3A_132 {
      %ge3A_408 = arith.constant 4 : i32
      %ge3A_409 = arith.cmpi sge, %add3A_128, %ge3A_408 : i32
      %convert_element_type3A_410 = arith.extui %ge3A_409 : i1 to i32
      %cond3A_411 = arith.constant 0 : i32
      %cond3A_412 = arith.cmpi ne, %convert_element_type3A_410, %cond3A_411 : i32
      scf.if %cond3A_412 {
        %sub3A_430 = arith.constant 4 : i32
        %sub3A_431 = arith.subi %add3A_128, %sub3A_430 : i32
        %dma_wait3A_432 = arith.constant 0 : i32
        %dma_wait3A_433 = tpu.memref_slice %arg8[%sub3A_431, %dma_wait3A_432] : memref<79x128xi32, #tpu.memory_space<vmem>> -> memref<1x128xi32, #tpu.memory_space<vmem>>
        %dma_wait3A_434 = tpu.memref_squeeze %dma_wait3A_433 : memref<1x128xi32, #tpu.memory_space<vmem>> -> memref<128xi32, #tpu.memory_space<vmem>>
        %dma_wait3A_435 = arith.constant 0 : i32
        %dma_wait3A_436 = arith.constant 0 : i32
        %dma_wait3A_437 = tpu.memref_slice %arg9[%dma_wait3A_435, %dma_wait3A_436] : memref<10240x8xf32, #tpu.memory_space<vmem_shared>> -> memref<10240x8xf32, #tpu.memory_space<vmem_shared>>
        tpu.wait_indirect_dma semaphore(%arg32 : memref<!tpu.dma_semaphore, #tpu.memory_space<semaphore_mem>>) src(%arg16 : memref<128x8xf32, #tpu.memory_space<vmem>>) dst(%dma_wait3A_437 : memref<10240x8xf32, #tpu.memory_space<vmem_shared>>)
      } else {
      }
      %add3A_413 = arith.constant 4 : i32
      %add3A_414 = arith.addi %add3A_128, %add3A_413 : i32
      %lt3A_415 = arith.cmpi slt, %add3A_414, %sub3A_47 : i32
      %convert_element_type3A_416 = arith.extui %lt3A_415 : i1 to i32
      %cond3A_417 = arith.constant 0 : i32
      %cond3A_418 = arith.cmpi ne, %convert_element_type3A_416, %cond3A_417 : i32
      scf.if %cond3A_418 {
        %add3A_430 = arith.constant 4 : i32
        %add3A_431 = arith.addi %add3A_128, %add3A_430 : i32
        %dma_start3A_432 = arith.constant 0 : i32
        %dma_start3A_433 = tpu.memref_slice %arg7[%add3A_431, %dma_start3A_432] : memref<79x128xi32, #tpu.memory_space<vmem>> -> memref<1x128xi32, #tpu.memory_space<vmem>>
        %dma_start3A_434 = tpu.memref_squeeze %dma_start3A_433 : memref<1x128xi32, #tpu.memory_space<vmem>> -> memref<128xi32, #tpu.memory_space<vmem>>
        %dma_start3A_435 = arith.constant 0 : i32
        %dma_start3A_436 = arith.constant 0 : i32
        %dma_start3A_437 = tpu.memref_slice %arg2[%dma_start3A_435, %dma_start3A_436] : memref<10240x8xf32, #tpu.memory_space<hbm>> -> memref<10240x8xf32, #tpu.memory_space<hbm>>
        tpu.enqueue_indirect_dma source(%dma_start3A_437 : memref<10240x8xf32, #tpu.memory_space<hbm>>) target(%arg16 : memref<128x8xf32, #tpu.memory_space<vmem>>) offsets(%dma_start3A_434 : memref<128xi32, #tpu.memory_space<vmem>>) semaphore(%arg24 : memref<!tpu.dma_semaphore, #tpu.memory_space<semaphore_mem>>)
      } else {
      }
      %dma_wait3A = arith.constant 0 : i32
      %dma_wait3A_419 = tpu.memref_slice %arg7[%add3A_128, %dma_wait3A] : memref<79x128xi32, #tpu.memory_space<vmem>> -> memref<1x128xi32, #tpu.memory_space<vmem>>
      %dma_wait3A_420 = tpu.memref_squeeze %dma_wait3A_419 : memref<1x128xi32, #tpu.memory_space<vmem>> -> memref<128xi32, #tpu.memory_space<vmem>>
      %dma_wait3A_421 = arith.constant 0 : i32
      %dma_wait3A_422 = arith.constant 0 : i32
      %dma_wait3A_423 = tpu.memref_slice %arg2[%dma_wait3A_421, %dma_wait3A_422] : memref<10240x8xf32, #tpu.memory_space<hbm>> -> memref<10240x8xf32, #tpu.memory_space<hbm>>
      tpu.wait_indirect_dma semaphore(%arg20 : memref<!tpu.dma_semaphore, #tpu.memory_space<semaphore_mem>>) src(%dma_wait3A_423 : memref<10240x8xf32, #tpu.memory_space<hbm>>) dst(%arg12 : memref<128x8xf32, #tpu.memory_space<vmem>>)
      %dma_start3A_424 = arith.constant 0 : i32
      %dma_start3A_425 = tpu.memref_slice %arg8[%add3A_128, %dma_start3A_424] : memref<79x128xi32, #tpu.memory_space<vmem>> -> memref<1x128xi32, #tpu.memory_space<vmem>>
      %dma_start3A_426 = tpu.memref_squeeze %dma_start3A_425 : memref<1x128xi32, #tpu.memory_space<vmem>> -> memref<128xi32, #tpu.memory_space<vmem>>
      %dma_start3A_427 = arith.constant 0 : i32
      %dma_start3A_428 = arith.constant 0 : i32
      %dma_start3A_429 = tpu.memref_slice %arg9[%dma_start3A_427, %dma_start3A_428] : memref<10240x8xf32, #tpu.memory_space<vmem_shared>> -> memref<10240x8xf32, #tpu.memory_space<vmem_shared>>
      tpu.enqueue_indirect_dma source(%arg12 : memref<128x8xf32, #tpu.memory_space<vmem>>) target(%dma_start3A_429 : memref<10240x8xf32, #tpu.memory_space<vmem_shared>>) offsets(%dma_start3A_426 : memref<128xi32, #tpu.memory_space<vmem>>) semaphore(%arg28 : memref<!tpu.dma_semaphore, #tpu.memory_space<semaphore_mem>>) {add = true}
    } else {
    }
    %mul3A_133 = arith.constant 8 : i32
    %mul3A_134 = arith.muli %mul3A_133, %select_n3A_102 : i32
    %add3A_135 = arith.constant 3 : i32
    %add3A_136 = arith.addi %mul3A_134, %add3A_135 : i32
    %lt3A_137 = arith.cmpi slt, %add3A_136, %sub3A_47 : i32
    %convert_element_type3A_138 = arith.extui %lt3A_137 : i1 to i32
    %cond3A_139 = arith.constant 0 : i32
    %cond3A_140 = arith.cmpi ne, %convert_element_type3A_138, %cond3A_139 : i32
    scf.if %cond3A_140 {
      %ge3A_408 = arith.constant 4 : i32
      %ge3A_409 = arith.cmpi sge, %add3A_136, %ge3A_408 : i32
      %convert_element_type3A_410 = arith.extui %ge3A_409 : i1 to i32
      %cond3A_411 = arith.constant 0 : i32
      %cond3A_412 = arith.cmpi ne, %convert_element_type3A_410, %cond3A_411 : i32
      scf.if %cond3A_412 {
        %sub3A_430 = arith.constant 4 : i32
        %sub3A_431 = arith.subi %add3A_136, %sub3A_430 : i32
        %dma_wait3A_432 = arith.constant 0 : i32
        %dma_wait3A_433 = tpu.memref_slice %arg8[%sub3A_431, %dma_wait3A_432] : memref<79x128xi32, #tpu.memory_space<vmem>> -> memref<1x128xi32, #tpu.memory_space<vmem>>
        %dma_wait3A_434 = tpu.memref_squeeze %dma_wait3A_433 : memref<1x128xi32, #tpu.memory_space<vmem>> -> memref<128xi32, #tpu.memory_space<vmem>>
        %dma_wait3A_435 = arith.constant 0 : i32
        %dma_wait3A_436 = arith.constant 0 : i32
        %dma_wait3A_437 = tpu.memref_slice %arg9[%dma_wait3A_435, %dma_wait3A_436] : memref<10240x8xf32, #tpu.memory_space<vmem_shared>> -> memref<10240x8xf32, #tpu.memory_space<vmem_shared>>
        tpu.wait_indirect_dma semaphore(%arg33 : memref<!tpu.dma_semaphore, #tpu.memory_space<semaphore_mem>>) src(%arg17 : memref<128x8xf32, #tpu.memory_space<vmem>>) dst(%dma_wait3A_437 : memref<10240x8xf32, #tpu.memory_space<vmem_shared>>)
      } else {
      }
      %add3A_413 = arith.constant 4 : i32
      %add3A_414 = arith.addi %add3A_136, %add3A_413 : i32
      %lt3A_415 = arith.cmpi slt, %add3A_414, %sub3A_47 : i32
      %convert_element_type3A_416 = arith.extui %lt3A_415 : i1 to i32
      %cond3A_417 = arith.constant 0 : i32
      %cond3A_418 = arith.cmpi ne, %convert_element_type3A_416, %cond3A_417 : i32
      scf.if %cond3A_418 {
        %add3A_430 = arith.constant 4 : i32
        %add3A_431 = arith.addi %add3A_136, %add3A_430 : i32
        %dma_start3A_432 = arith.constant 0 : i32
        %dma_start3A_433 = tpu.memref_slice %arg7[%add3A_431, %dma_start3A_432] : memref<79x128xi32, #tpu.memory_space<vmem>> -> memref<1x128xi32, #tpu.memory_space<vmem>>
        %dma_start3A_434 = tpu.memref_squeeze %dma_start3A_433 : memref<1x128xi32, #tpu.memory_space<vmem>> -> memref<128xi32, #tpu.memory_space<vmem>>
        %dma_start3A_435 = arith.constant 0 : i32
        %dma_start3A_436 = arith.constant 0 : i32
        %dma_start3A_437 = tpu.memref_slice %arg2[%dma_start3A_435, %dma_start3A_436] : memref<10240x8xf32, #tpu.memory_space<hbm>> -> memref<10240x8xf32, #tpu.memory_space<hbm>>
        tpu.enqueue_indirect_dma source(%dma_start3A_437 : memref<10240x8xf32, #tpu.memory_space<hbm>>) target(%arg17 : memref<128x8xf32, #tpu.memory_space<vmem>>) offsets(%dma_start3A_434 : memref<128xi32, #tpu.memory_space<vmem>>) semaphore(%arg25 : memref<!tpu.dma_semaphore, #tpu.memory_space<semaphore_mem>>)
      } else {
      }
      %dma_wait3A = arith.constant 0 : i32
      %dma_wait3A_419 = tpu.memref_slice %arg7[%add3A_136, %dma_wait3A] : memref<79x128xi32, #tpu.memory_space<vmem>> -> memref<1x128xi32, #tpu.memory_space<vmem>>
      %dma_wait3A_420 = tpu.memref_squeeze %dma_wait3A_419 : memref<1x128xi32, #tpu.memory_space<vmem>> -> memref<128xi32, #tpu.memory_space<vmem>>
      %dma_wait3A_421 = arith.constant 0 : i32
      %dma_wait3A_422 = arith.constant 0 : i32
      %dma_wait3A_423 = tpu.memref_slice %arg2[%dma_wait3A_421, %dma_wait3A_422] : memref<10240x8xf32, #tpu.memory_space<hbm>> -> memref<10240x8xf32, #tpu.memory_space<hbm>>
      tpu.wait_indirect_dma semaphore(%arg21 : memref<!tpu.dma_semaphore, #tpu.memory_space<semaphore_mem>>) src(%dma_wait3A_423 : memref<10240x8xf32, #tpu.memory_space<hbm>>) dst(%arg13 : memref<128x8xf32, #tpu.memory_space<vmem>>)
      %dma_start3A_424 = arith.constant 0 : i32
      %dma_start3A_425 = tpu.memref_slice %arg8[%add3A_136, %dma_start3A_424] : memref<79x128xi32, #tpu.memory_space<vmem>> -> memref<1x128xi32, #tpu.memory_space<vmem>>
      %dma_start3A_426 = tpu.memref_squeeze %dma_start3A_425 : memref<1x128xi32, #tpu.memory_space<vmem>> -> memref<128xi32, #tpu.memory_space<vmem>>
      %dma_start3A_427 = arith.constant 0 : i32
      %dma_start3A_428 = arith.constant 0 : i32
      %dma_start3A_429 = tpu.memref_slice %arg9[%dma_start3A_427, %dma_start3A_428] : memref<10240x8xf32, #tpu.memory_space<vmem_shared>> -> memref<10240x8xf32, #tpu.memory_space<vmem_shared>>
      tpu.enqueue_indirect_dma source(%arg13 : memref<128x8xf32, #tpu.memory_space<vmem>>) target(%dma_start3A_429 : memref<10240x8xf32, #tpu.memory_space<vmem_shared>>) offsets(%dma_start3A_426 : memref<128xi32, #tpu.memory_space<vmem>>) semaphore(%arg29 : memref<!tpu.dma_semaphore, #tpu.memory_space<semaphore_mem>>) {add = true}
    } else {
    }
    %mul3A_141 = arith.constant 8 : i32
    %mul3A_142 = arith.muli %mul3A_141, %select_n3A_102 : i32
    %add3A_143 = arith.constant 4 : i32
    %add3A_144 = arith.addi %mul3A_142, %add3A_143 : i32
    %lt3A_145 = arith.cmpi slt, %add3A_144, %sub3A_47 : i32
    %convert_element_type3A_146 = arith.extui %lt3A_145 : i1 to i32
    %cond3A_147 = arith.constant 0 : i32
    %cond3A_148 = arith.cmpi ne, %convert_element_type3A_146, %cond3A_147 : i32
    scf.if %cond3A_148 {
      %ge3A_408 = arith.constant 4 : i32
      %ge3A_409 = arith.cmpi sge, %add3A_144, %ge3A_408 : i32
      %convert_element_type3A_410 = arith.extui %ge3A_409 : i1 to i32
      %cond3A_411 = arith.constant 0 : i32
      %cond3A_412 = arith.cmpi ne, %convert_element_type3A_410, %cond3A_411 : i32
      scf.if %cond3A_412 {
        %sub3A_430 = arith.constant 4 : i32
        %sub3A_431 = arith.subi %add3A_144, %sub3A_430 : i32
        %dma_wait3A_432 = arith.constant 0 : i32
        %dma_wait3A_433 = tpu.memref_slice %arg8[%sub3A_431, %dma_wait3A_432] : memref<79x128xi32, #tpu.memory_space<vmem>> -> memref<1x128xi32, #tpu.memory_space<vmem>>
        %dma_wait3A_434 = tpu.memref_squeeze %dma_wait3A_433 : memref<1x128xi32, #tpu.memory_space<vmem>> -> memref<128xi32, #tpu.memory_space<vmem>>
        %dma_wait3A_435 = arith.constant 0 : i32
        %dma_wait3A_436 = arith.constant 0 : i32
        %dma_wait3A_437 = tpu.memref_slice %arg9[%dma_wait3A_435, %dma_wait3A_436] : memref<10240x8xf32, #tpu.memory_space<vmem_shared>> -> memref<10240x8xf32, #tpu.memory_space<vmem_shared>>
        tpu.wait_indirect_dma semaphore(%arg26 : memref<!tpu.dma_semaphore, #tpu.memory_space<semaphore_mem>>) src(%arg10 : memref<128x8xf32, #tpu.memory_space<vmem>>) dst(%dma_wait3A_437 : memref<10240x8xf32, #tpu.memory_space<vmem_shared>>)
      } else {
      }
      %add3A_413 = arith.constant 4 : i32
      %add3A_414 = arith.addi %add3A_144, %add3A_413 : i32
      %lt3A_415 = arith.cmpi slt, %add3A_414, %sub3A_47 : i32
      %convert_element_type3A_416 = arith.extui %lt3A_415 : i1 to i32
      %cond3A_417 = arith.constant 0 : i32
      %cond3A_418 = arith.cmpi ne, %convert_element_type3A_416, %cond3A_417 : i32
      scf.if %cond3A_418 {
        %add3A_430 = arith.constant 4 : i32
        %add3A_431 = arith.addi %add3A_144, %add3A_430 : i32
        %dma_start3A_432 = arith.constant 0 : i32
        %dma_start3A_433 = tpu.memref_slice %arg7[%add3A_431, %dma_start3A_432] : memref<79x128xi32, #tpu.memory_space<vmem>> -> memref<1x128xi32, #tpu.memory_space<vmem>>
        %dma_start3A_434 = tpu.memref_squeeze %dma_start3A_433 : memref<1x128xi32, #tpu.memory_space<vmem>> -> memref<128xi32, #tpu.memory_space<vmem>>
        %dma_start3A_435 = arith.constant 0 : i32
        %dma_start3A_436 = arith.constant 0 : i32
        %dma_start3A_437 = tpu.memref_slice %arg2[%dma_start3A_435, %dma_start3A_436] : memref<10240x8xf32, #tpu.memory_space<hbm>> -> memref<10240x8xf32, #tpu.memory_space<hbm>>
        tpu.enqueue_indirect_dma source(%dma_start3A_437 : memref<10240x8xf32, #tpu.memory_space<hbm>>) target(%arg10 : memref<128x8xf32, #tpu.memory_space<vmem>>) offsets(%dma_start3A_434 : memref<128xi32, #tpu.memory_space<vmem>>) semaphore(%arg18 : memref<!tpu.dma_semaphore, #tpu.memory_space<semaphore_mem>>)
      } else {
      }
      %dma_wait3A = arith.constant 0 : i32
      %dma_wait3A_419 = tpu.memref_slice %arg7[%add3A_144, %dma_wait3A] : memref<79x128xi32, #tpu.memory_space<vmem>> -> memref<1x128xi32, #tpu.memory_space<vmem>>
      %dma_wait3A_420 = tpu.memref_squeeze %dma_wait3A_419 : memref<1x128xi32, #tpu.memory_space<vmem>> -> memref<128xi32, #tpu.memory_space<vmem>>
      %dma_wait3A_421 = arith.constant 0 : i32
      %dma_wait3A_422 = arith.constant 0 : i32
      %dma_wait3A_423 = tpu.memref_slice %arg2[%dma_wait3A_421, %dma_wait3A_422] : memref<10240x8xf32, #tpu.memory_space<hbm>> -> memref<10240x8xf32, #tpu.memory_space<hbm>>
      tpu.wait_indirect_dma semaphore(%arg22 : memref<!tpu.dma_semaphore, #tpu.memory_space<semaphore_mem>>) src(%dma_wait3A_423 : memref<10240x8xf32, #tpu.memory_space<hbm>>) dst(%arg14 : memref<128x8xf32, #tpu.memory_space<vmem>>)
      %dma_start3A_424 = arith.constant 0 : i32
      %dma_start3A_425 = tpu.memref_slice %arg8[%add3A_144, %dma_start3A_424] : memref<79x128xi32, #tpu.memory_space<vmem>> -> memref<1x128xi32, #tpu.memory_space<vmem>>
      %dma_start3A_426 = tpu.memref_squeeze %dma_start3A_425 : memref<1x128xi32, #tpu.memory_space<vmem>> -> memref<128xi32, #tpu.memory_space<vmem>>
      %dma_start3A_427 = arith.constant 0 : i32
      %dma_start3A_428 = arith.constant 0 : i32
      %dma_start3A_429 = tpu.memref_slice %arg9[%dma_start3A_427, %dma_start3A_428] : memref<10240x8xf32, #tpu.memory_space<vmem_shared>> -> memref<10240x8xf32, #tpu.memory_space<vmem_shared>>
      tpu.enqueue_indirect_dma source(%arg14 : memref<128x8xf32, #tpu.memory_space<vmem>>) target(%dma_start3A_429 : memref<10240x8xf32, #tpu.memory_space<vmem_shared>>) offsets(%dma_start3A_426 : memref<128xi32, #tpu.memory_space<vmem>>) semaphore(%arg30 : memref<!tpu.dma_semaphore, #tpu.memory_space<semaphore_mem>>) {add = true}
    } else {
    }
    %mul3A_149 = arith.constant 8 : i32
    %mul3A_150 = arith.muli %mul3A_149, %select_n3A_102 : i32
    %add3A_151 = arith.constant 5 : i32
    %add3A_152 = arith.addi %mul3A_150, %add3A_151 : i32
    %lt3A_153 = arith.cmpi slt, %add3A_152, %sub3A_47 : i32
    %convert_element_type3A_154 = arith.extui %lt3A_153 : i1 to i32
    %cond3A_155 = arith.constant 0 : i32
    %cond3A_156 = arith.cmpi ne, %convert_element_type3A_154, %cond3A_155 : i32
    scf.if %cond3A_156 {
      %ge3A_408 = arith.constant 4 : i32
      %ge3A_409 = arith.cmpi sge, %add3A_152, %ge3A_408 : i32
      %convert_element_type3A_410 = arith.extui %ge3A_409 : i1 to i32
      %cond3A_411 = arith.constant 0 : i32
      %cond3A_412 = arith.cmpi ne, %convert_element_type3A_410, %cond3A_411 : i32
      scf.if %cond3A_412 {
        %sub3A_430 = arith.constant 4 : i32
        %sub3A_431 = arith.subi %add3A_152, %sub3A_430 : i32
        %dma_wait3A_432 = arith.constant 0 : i32
        %dma_wait3A_433 = tpu.memref_slice %arg8[%sub3A_431, %dma_wait3A_432] : memref<79x128xi32, #tpu.memory_space<vmem>> -> memref<1x128xi32, #tpu.memory_space<vmem>>
        %dma_wait3A_434 = tpu.memref_squeeze %dma_wait3A_433 : memref<1x128xi32, #tpu.memory_space<vmem>> -> memref<128xi32, #tpu.memory_space<vmem>>
        %dma_wait3A_435 = arith.constant 0 : i32
        %dma_wait3A_436 = arith.constant 0 : i32
        %dma_wait3A_437 = tpu.memref_slice %arg9[%dma_wait3A_435, %dma_wait3A_436] : memref<10240x8xf32, #tpu.memory_space<vmem_shared>> -> memref<10240x8xf32, #tpu.memory_space<vmem_shared>>
        tpu.wait_indirect_dma semaphore(%arg27 : memref<!tpu.dma_semaphore, #tpu.memory_space<semaphore_mem>>) src(%arg11 : memref<128x8xf32, #tpu.memory_space<vmem>>) dst(%dma_wait3A_437 : memref<10240x8xf32, #tpu.memory_space<vmem_shared>>)
      } else {
      }
      %add3A_413 = arith.constant 4 : i32
      %add3A_414 = arith.addi %add3A_152, %add3A_413 : i32
      %lt3A_415 = arith.cmpi slt, %add3A_414, %sub3A_47 : i32
      %convert_element_type3A_416 = arith.extui %lt3A_415 : i1 to i32
      %cond3A_417 = arith.constant 0 : i32
      %cond3A_418 = arith.cmpi ne, %convert_element_type3A_416, %cond3A_417 : i32
      scf.if %cond3A_418 {
        %add3A_430 = arith.constant 4 : i32
        %add3A_431 = arith.addi %add3A_152, %add3A_430 : i32
        %dma_start3A_432 = arith.constant 0 : i32
        %dma_start3A_433 = tpu.memref_slice %arg7[%add3A_431, %dma_start3A_432] : memref<79x128xi32, #tpu.memory_space<vmem>> -> memref<1x128xi32, #tpu.memory_space<vmem>>
        %dma_start3A_434 = tpu.memref_squeeze %dma_start3A_433 : memref<1x128xi32, #tpu.memory_space<vmem>> -> memref<128xi32, #tpu.memory_space<vmem>>
        %dma_start3A_435 = arith.constant 0 : i32
        %dma_start3A_436 = arith.constant 0 : i32
        %dma_start3A_437 = tpu.memref_slice %arg2[%dma_start3A_435, %dma_start3A_436] : memref<10240x8xf32, #tpu.memory_space<hbm>> -> memref<10240x8xf32, #tpu.memory_space<hbm>>
        tpu.enqueue_indirect_dma source(%dma_start3A_437 : memref<10240x8xf32, #tpu.memory_space<hbm>>) target(%arg11 : memref<128x8xf32, #tpu.memory_space<vmem>>) offsets(%dma_start3A_434 : memref<128xi32, #tpu.memory_space<vmem>>) semaphore(%arg19 : memref<!tpu.dma_semaphore, #tpu.memory_space<semaphore_mem>>)
      } else {
      }
      %dma_wait3A = arith.constant 0 : i32
      %dma_wait3A_419 = tpu.memref_slice %arg7[%add3A_152, %dma_wait3A] : memref<79x128xi32, #tpu.memory_space<vmem>> -> memref<1x128xi32, #tpu.memory_space<vmem>>
      %dma_wait3A_420 = tpu.memref_squeeze %dma_wait3A_419 : memref<1x128xi32, #tpu.memory_space<vmem>> -> memref<128xi32, #tpu.memory_space<vmem>>
      %dma_wait3A_421 = arith.constant 0 : i32
      %dma_wait3A_422 = arith.constant 0 : i32
      %dma_wait3A_423 = tpu.memref_slice %arg2[%dma_wait3A_421, %dma_wait3A_422] : memref<10240x8xf32, #tpu.memory_space<hbm>> -> memref<10240x8xf32, #tpu.memory_space<hbm>>
      tpu.wait_indirect_dma semaphore(%arg23 : memref<!tpu.dma_semaphore, #tpu.memory_space<semaphore_mem>>) src(%dma_wait3A_423 : memref<10240x8xf32, #tpu.memory_space<hbm>>) dst(%arg15 : memref<128x8xf32, #tpu.memory_space<vmem>>)
      %dma_start3A_424 = arith.constant 0 : i32
      %dma_start3A_425 = tpu.memref_slice %arg8[%add3A_152, %dma_start3A_424] : memref<79x128xi32, #tpu.memory_space<vmem>> -> memref<1x128xi32, #tpu.memory_space<vmem>>
      %dma_start3A_426 = tpu.memref_squeeze %dma_start3A_425 : memref<1x128xi32, #tpu.memory_space<vmem>> -> memref<128xi32, #tpu.memory_space<vmem>>
      %dma_start3A_427 = arith.constant 0 : i32
      %dma_start3A_428 = arith.constant 0 : i32
      %dma_start3A_429 = tpu.memref_slice %arg9[%dma_start3A_427, %dma_start3A_428] : memref<10240x8xf32, #tpu.memory_space<vmem_shared>> -> memref<10240x8xf32, #tpu.memory_space<vmem_shared>>
      tpu.enqueue_indirect_dma source(%arg15 : memref<128x8xf32, #tpu.memory_space<vmem>>) target(%dma_start3A_429 : memref<10240x8xf32, #tpu.memory_space<vmem_shared>>) offsets(%dma_start3A_426 : memref<128xi32, #tpu.memory_space<vmem>>) semaphore(%arg31 : memref<!tpu.dma_semaphore, #tpu.memory_space<semaphore_mem>>) {add = true}
    } else {
    }
    %mul3A_157 = arith.constant 8 : i32
    %mul3A_158 = arith.muli %mul3A_157, %select_n3A_102 : i32
    %add3A_159 = arith.constant 6 : i32
    %add3A_160 = arith.addi %mul3A_158, %add3A_159 : i32
    %lt3A_161 = arith.cmpi slt, %add3A_160, %sub3A_47 : i32
    %convert_element_type3A_162 = arith.extui %lt3A_161 : i1 to i32
    %cond3A_163 = arith.constant 0 : i32
    %cond3A_164 = arith.cmpi ne, %convert_element_type3A_162, %cond3A_163 : i32
    scf.if %cond3A_164 {
      %ge3A_408 = arith.constant 4 : i32
      %ge3A_409 = arith.cmpi sge, %add3A_160, %ge3A_408 : i32
      %convert_element_type3A_410 = arith.extui %ge3A_409 : i1 to i32
      %cond3A_411 = arith.constant 0 : i32
      %cond3A_412 = arith.cmpi ne, %convert_element_type3A_410, %cond3A_411 : i32
      scf.if %cond3A_412 {
        %sub3A_430 = arith.constant 4 : i32
        %sub3A_431 = arith.subi %add3A_160, %sub3A_430 : i32
        %dma_wait3A_432 = arith.constant 0 : i32
        %dma_wait3A_433 = tpu.memref_slice %arg8[%sub3A_431, %dma_wait3A_432] : memref<79x128xi32, #tpu.memory_space<vmem>> -> memref<1x128xi32, #tpu.memory_space<vmem>>
        %dma_wait3A_434 = tpu.memref_squeeze %dma_wait3A_433 : memref<1x128xi32, #tpu.memory_space<vmem>> -> memref<128xi32, #tpu.memory_space<vmem>>
        %dma_wait3A_435 = arith.constant 0 : i32
        %dma_wait3A_436 = arith.constant 0 : i32
        %dma_wait3A_437 = tpu.memref_slice %arg9[%dma_wait3A_435, %dma_wait3A_436] : memref<10240x8xf32, #tpu.memory_space<vmem_shared>> -> memref<10240x8xf32, #tpu.memory_space<vmem_shared>>
        tpu.wait_indirect_dma semaphore(%arg28 : memref<!tpu.dma_semaphore, #tpu.memory_space<semaphore_mem>>) src(%arg12 : memref<128x8xf32, #tpu.memory_space<vmem>>) dst(%dma_wait3A_437 : memref<10240x8xf32, #tpu.memory_space<vmem_shared>>)
      } else {
      }
      %add3A_413 = arith.constant 4 : i32
      %add3A_414 = arith.addi %add3A_160, %add3A_413 : i32
      %lt3A_415 = arith.cmpi slt, %add3A_414, %sub3A_47 : i32
      %convert_element_type3A_416 = arith.extui %lt3A_415 : i1 to i32
      %cond3A_417 = arith.constant 0 : i32
      %cond3A_418 = arith.cmpi ne, %convert_element_type3A_416, %cond3A_417 : i32
      scf.if %cond3A_418 {
        %add3A_430 = arith.constant 4 : i32
        %add3A_431 = arith.addi %add3A_160, %add3A_430 : i32
        %dma_start3A_432 = arith.constant 0 : i32
        %dma_start3A_433 = tpu.memref_slice %arg7[%add3A_431, %dma_start3A_432] : memref<79x128xi32, #tpu.memory_space<vmem>> -> memref<1x128xi32, #tpu.memory_space<vmem>>
        %dma_start3A_434 = tpu.memref_squeeze %dma_start3A_433 : memref<1x128xi32, #tpu.memory_space<vmem>> -> memref<128xi32, #tpu.memory_space<vmem>>
        %dma_start3A_435 = arith.constant 0 : i32
        %dma_start3A_436 = arith.constant 0 : i32
        %dma_start3A_437 = tpu.memref_slice %arg2[%dma_start3A_435, %dma_start3A_436] : memref<10240x8xf32, #tpu.memory_space<hbm>> -> memref<10240x8xf32, #tpu.memory_space<hbm>>
        tpu.enqueue_indirect_dma source(%dma_start3A_437 : memref<10240x8xf32, #tpu.memory_space<hbm>>) target(%arg12 : memref<128x8xf32, #tpu.memory_space<vmem>>) offsets(%dma_start3A_434 : memref<128xi32, #tpu.memory_space<vmem>>) semaphore(%arg20 : memref<!tpu.dma_semaphore, #tpu.memory_space<semaphore_mem>>)
      } else {
      }
      %dma_wait3A = arith.constant 0 : i32
      %dma_wait3A_419 = tpu.memref_slice %arg7[%add3A_160, %dma_wait3A] : memref<79x128xi32, #tpu.memory_space<vmem>> -> memref<1x128xi32, #tpu.memory_space<vmem>>
      %dma_wait3A_420 = tpu.memref_squeeze %dma_wait3A_419 : memref<1x128xi32, #tpu.memory_space<vmem>> -> memref<128xi32, #tpu.memory_space<vmem>>
      %dma_wait3A_421 = arith.constant 0 : i32
      %dma_wait3A_422 = arith.constant 0 : i32
      %dma_wait3A_423 = tpu.memref_slice %arg2[%dma_wait3A_421, %dma_wait3A_422] : memref<10240x8xf32, #tpu.memory_space<hbm>> -> memref<10240x8xf32, #tpu.memory_space<hbm>>
      tpu.wait_indirect_dma semaphore(%arg24 : memref<!tpu.dma_semaphore, #tpu.memory_space<semaphore_mem>>) src(%dma_wait3A_423 : memref<10240x8xf32, #tpu.memory_space<hbm>>) dst(%arg16 : memref<128x8xf32, #tpu.memory_space<vmem>>)
      %dma_start3A_424 = arith.constant 0 : i32
      %dma_start3A_425 = tpu.memref_slice %arg8[%add3A_160, %dma_start3A_424] : memref<79x128xi32, #tpu.memory_space<vmem>> -> memref<1x128xi32, #tpu.memory_space<vmem>>
      %dma_start3A_426 = tpu.memref_squeeze %dma_start3A_425 : memref<1x128xi32, #tpu.memory_space<vmem>> -> memref<128xi32, #tpu.memory_space<vmem>>
      %dma_start3A_427 = arith.constant 0 : i32
      %dma_start3A_428 = arith.constant 0 : i32
      %dma_start3A_429 = tpu.memref_slice %arg9[%dma_start3A_427, %dma_start3A_428] : memref<10240x8xf32, #tpu.memory_space<vmem_shared>> -> memref<10240x8xf32, #tpu.memory_space<vmem_shared>>
      tpu.enqueue_indirect_dma source(%arg16 : memref<128x8xf32, #tpu.memory_space<vmem>>) target(%dma_start3A_429 : memref<10240x8xf32, #tpu.memory_space<vmem_shared>>) offsets(%dma_start3A_426 : memref<128xi32, #tpu.memory_space<vmem>>) semaphore(%arg32 : memref<!tpu.dma_semaphore, #tpu.memory_space<semaphore_mem>>) {add = true}
    } else {
    }
    %mul3A_165 = arith.constant 8 : i32
    %mul3A_166 = arith.muli %mul3A_165, %select_n3A_102 : i32
    %add3A_167 = arith.constant 7 : i32
    %add3A_168 = arith.addi %mul3A_166, %add3A_167 : i32
    %lt3A_169 = arith.cmpi slt, %add3A_168, %sub3A_47 : i32
    %convert_element_type3A_170 = arith.extui %lt3A_169 : i1 to i32
    %cond3A_171 = arith.constant 0 : i32
    %cond3A_172 = arith.cmpi ne, %convert_element_type3A_170, %cond3A_171 : i32
    scf.if %cond3A_172 {
      %ge3A_408 = arith.constant 4 : i32
      %ge3A_409 = arith.cmpi sge, %add3A_168, %ge3A_408 : i32
      %convert_element_type3A_410 = arith.extui %ge3A_409 : i1 to i32
      %cond3A_411 = arith.constant 0 : i32
      %cond3A_412 = arith.cmpi ne, %convert_element_type3A_410, %cond3A_411 : i32
      scf.if %cond3A_412 {
        %sub3A_430 = arith.constant 4 : i32
        %sub3A_431 = arith.subi %add3A_168, %sub3A_430 : i32
        %dma_wait3A_432 = arith.constant 0 : i32
        %dma_wait3A_433 = tpu.memref_slice %arg8[%sub3A_431, %dma_wait3A_432] : memref<79x128xi32, #tpu.memory_space<vmem>> -> memref<1x128xi32, #tpu.memory_space<vmem>>
        %dma_wait3A_434 = tpu.memref_squeeze %dma_wait3A_433 : memref<1x128xi32, #tpu.memory_space<vmem>> -> memref<128xi32, #tpu.memory_space<vmem>>
        %dma_wait3A_435 = arith.constant 0 : i32
        %dma_wait3A_436 = arith.constant 0 : i32
        %dma_wait3A_437 = tpu.memref_slice %arg9[%dma_wait3A_435, %dma_wait3A_436] : memref<10240x8xf32, #tpu.memory_space<vmem_shared>> -> memref<10240x8xf32, #tpu.memory_space<vmem_shared>>
        tpu.wait_indirect_dma semaphore(%arg29 : memref<!tpu.dma_semaphore, #tpu.memory_space<semaphore_mem>>) src(%arg13 : memref<128x8xf32, #tpu.memory_space<vmem>>) dst(%dma_wait3A_437 : memref<10240x8xf32, #tpu.memory_space<vmem_shared>>)
      } else {
      }
      %add3A_413 = arith.constant 4 : i32
      %add3A_414 = arith.addi %add3A_168, %add3A_413 : i32
      %lt3A_415 = arith.cmpi slt, %add3A_414, %sub3A_47 : i32
      %convert_element_type3A_416 = arith.extui %lt3A_415 : i1 to i32
      %cond3A_417 = arith.constant 0 : i32
      %cond3A_418 = arith.cmpi ne, %convert_element_type3A_416, %cond3A_417 : i32
      scf.if %cond3A_418 {
        %add3A_430 = arith.constant 4 : i32
        %add3A_431 = arith.addi %add3A_168, %add3A_430 : i32
        %dma_start3A_432 = arith.constant 0 : i32
        %dma_start3A_433 = tpu.memref_slice %arg7[%add3A_431, %dma_start3A_432] : memref<79x128xi32, #tpu.memory_space<vmem>> -> memref<1x128xi32, #tpu.memory_space<vmem>>
        %dma_start3A_434 = tpu.memref_squeeze %dma_start3A_433 : memref<1x128xi32, #tpu.memory_space<vmem>> -> memref<128xi32, #tpu.memory_space<vmem>>
        %dma_start3A_435 = arith.constant 0 : i32
        %dma_start3A_436 = arith.constant 0 : i32
        %dma_start3A_437 = tpu.memref_slice %arg2[%dma_start3A_435, %dma_start3A_436] : memref<10240x8xf32, #tpu.memory_space<hbm>> -> memref<10240x8xf32, #tpu.memory_space<hbm>>
        tpu.enqueue_indirect_dma source(%dma_start3A_437 : memref<10240x8xf32, #tpu.memory_space<hbm>>) target(%arg13 : memref<128x8xf32, #tpu.memory_space<vmem>>) offsets(%dma_start3A_434 : memref<128xi32, #tpu.memory_space<vmem>>) semaphore(%arg21 : memref<!tpu.dma_semaphore, #tpu.memory_space<semaphore_mem>>)
      } else {
      }
      %dma_wait3A = arith.constant 0 : i32
      %dma_wait3A_419 = tpu.memref_slice %arg7[%add3A_168, %dma_wait3A] : memref<79x128xi32, #tpu.memory_space<vmem>> -> memref<1x128xi32, #tpu.memory_space<vmem>>
      %dma_wait3A_420 = tpu.memref_squeeze %dma_wait3A_419 : memref<1x128xi32, #tpu.memory_space<vmem>> -> memref<128xi32, #tpu.memory_space<vmem>>
      %dma_wait3A_421 = arith.constant 0 : i32
      %dma_wait3A_422 = arith.constant 0 : i32
      %dma_wait3A_423 = tpu.memref_slice %arg2[%dma_wait3A_421, %dma_wait3A_422] : memref<10240x8xf32, #tpu.memory_space<hbm>> -> memref<10240x8xf32, #tpu.memory_space<hbm>>
      tpu.wait_indirect_dma semaphore(%arg25 : memref<!tpu.dma_semaphore, #tpu.memory_space<semaphore_mem>>) src(%dma_wait3A_423 : memref<10240x8xf32, #tpu.memory_space<hbm>>) dst(%arg17 : memref<128x8xf32, #tpu.memory_space<vmem>>)
      %dma_start3A_424 = arith.constant 0 : i32
      %dma_start3A_425 = tpu.memref_slice %arg8[%add3A_168, %dma_start3A_424] : memref<79x128xi32, #tpu.memory_space<vmem>> -> memref<1x128xi32, #tpu.memory_space<vmem>>
      %dma_start3A_426 = tpu.memref_squeeze %dma_start3A_425 : memref<1x128xi32, #tpu.memory_space<vmem>> -> memref<128xi32, #tpu.memory_space<vmem>>
      %dma_start3A_427 = arith.constant 0 : i32
      %dma_start3A_428 = arith.constant 0 : i32
      %dma_start3A_429 = tpu.memref_slice %arg9[%dma_start3A_427, %dma_start3A_428] : memref<10240x8xf32, #tpu.memory_space<vmem_shared>> -> memref<10240x8xf32, #tpu.memory_space<vmem_shared>>
      tpu.enqueue_indirect_dma source(%arg17 : memref<128x8xf32, #tpu.memory_space<vmem>>) target(%dma_start3A_429 : memref<10240x8xf32, #tpu.memory_space<vmem_shared>>) offsets(%dma_start3A_426 : memref<128xi32, #tpu.memory_space<vmem>>) semaphore(%arg33 : memref<!tpu.dma_semaphore, #tpu.memory_space<semaphore_mem>>) {add = true}
    } else {
    }
    %sub3A_173 = arith.constant 1 : i32
    %sub3A_174 = arith.subi %sub3A_47, %sub3A_173 : i32
    %sub3A_175 = arith.constant 1 : i32
    %sub3A_176 = arith.subi %sub3A_47, %sub3A_175 : i32
    %sub3A_177 = arith.constant 0 : i32
    %sub3A_178 = arith.subi %sub3A_176, %sub3A_177 : i32
    %jit3A_179 = arith.constant 8 : i32
    %eq3A = arith.constant 0 : i32
    %eq3A_180 = arith.cmpi eq, %jit3A_179, %eq3A : i32
    %jit3A_181 = arith.constant 1 : i32
    %select_n3A_182 = arith.select %eq3A_180, %jit3A_181, %jit3A_179 : i32
    %rem3A_183 = arith.remsi %sub3A_178, %select_n3A_182 : i32
    %ne3A_184 = arith.constant 0 : i32
    %ne3A_185 = arith.cmpi ne, %rem3A_183, %ne3A_184 : i32
    %lt3A_186 = arith.constant 0 : i32
    %lt3A_187 = arith.cmpi slt, %rem3A_183, %lt3A_186 : i32
    %lt3A_188 = arith.constant 0 : i32
    %lt3A_189 = arith.cmpi slt, %select_n3A_182, %lt3A_188 : i32
    %ne3A_190 = arith.xori %lt3A_187, %lt3A_189 : i1
    %and3A_191 = arith.andi %ne3A_190, %ne3A_185 : i1
    %add3A_192 = arith.addi %rem3A_183, %select_n3A_182 : i32
    %select_n3A_193 = arith.select %and3A_191, %add3A_192, %rem3A_183 : i32
    %sub3A_194 = arith.subi %sub3A_174, %select_n3A_193 : i32
    %sub3A_195 = arith.constant 4 : i32
    %sub3A_196 = arith.subi %sub3A_47, %sub3A_195 : i32
    %ge3A = arith.cmpi sge, %sub3A_194, %sub3A_196 : i32
    %convert_element_type3A_197 = arith.extui %ge3A : i1 to i32
    %cond3A_198 = arith.constant 0 : i32
    %cond3A_199 = arith.cmpi ne, %convert_element_type3A_197, %cond3A_198 : i32
    scf.if %cond3A_199 {
      %dma_wait3A = arith.constant 0 : i32
      %dma_wait3A_408 = tpu.memref_slice %arg8[%sub3A_194, %dma_wait3A] : memref<79x128xi32, #tpu.memory_space<vmem>> -> memref<1x128xi32, #tpu.memory_space<vmem>>
      %dma_wait3A_409 = tpu.memref_squeeze %dma_wait3A_408 : memref<1x128xi32, #tpu.memory_space<vmem>> -> memref<128xi32, #tpu.memory_space<vmem>>
      %dma_wait3A_410 = arith.constant 0 : i32
      %dma_wait3A_411 = arith.constant 0 : i32
      %dma_wait3A_412 = tpu.memref_slice %arg9[%dma_wait3A_410, %dma_wait3A_411] : memref<10240x8xf32, #tpu.memory_space<vmem_shared>> -> memref<10240x8xf32, #tpu.memory_space<vmem_shared>>
      tpu.wait_indirect_dma semaphore(%arg26 : memref<!tpu.dma_semaphore, #tpu.memory_space<semaphore_mem>>) src(%arg10 : memref<128x8xf32, #tpu.memory_space<vmem>>) dst(%dma_wait3A_412 : memref<10240x8xf32, #tpu.memory_space<vmem_shared>>)
    } else {
    }
    %sub3A_200 = arith.constant 1 : i32
    %sub3A_201 = arith.subi %sub3A_47, %sub3A_200 : i32
    %sub3A_202 = arith.constant 1 : i32
    %sub3A_203 = arith.subi %sub3A_47, %sub3A_202 : i32
    %sub3A_204 = arith.constant 1 : i32
    %sub3A_205 = arith.subi %sub3A_203, %sub3A_204 : i32
    %jit3A_206 = arith.constant 8 : i32
    %eq3A_207 = arith.constant 0 : i32
    %eq3A_208 = arith.cmpi eq, %jit3A_206, %eq3A_207 : i32
    %jit3A_209 = arith.constant 1 : i32
    %select_n3A_210 = arith.select %eq3A_208, %jit3A_209, %jit3A_206 : i32
    %rem3A_211 = arith.remsi %sub3A_205, %select_n3A_210 : i32
    %ne3A_212 = arith.constant 0 : i32
    %ne3A_213 = arith.cmpi ne, %rem3A_211, %ne3A_212 : i32
    %lt3A_214 = arith.constant 0 : i32
    %lt3A_215 = arith.cmpi slt, %rem3A_211, %lt3A_214 : i32
    %lt3A_216 = arith.constant 0 : i32
    %lt3A_217 = arith.cmpi slt, %select_n3A_210, %lt3A_216 : i32
    %ne3A_218 = arith.xori %lt3A_215, %lt3A_217 : i1
    %and3A_219 = arith.andi %ne3A_218, %ne3A_213 : i1
    %add3A_220 = arith.addi %rem3A_211, %select_n3A_210 : i32
    %select_n3A_221 = arith.select %and3A_219, %add3A_220, %rem3A_211 : i32
    %sub3A_222 = arith.subi %sub3A_201, %select_n3A_221 : i32
    %sub3A_223 = arith.constant 4 : i32
    %sub3A_224 = arith.subi %sub3A_47, %sub3A_223 : i32
    %ge3A_225 = arith.cmpi sge, %sub3A_222, %sub3A_224 : i32
    %convert_element_type3A_226 = arith.extui %ge3A_225 : i1 to i32
    %cond3A_227 = arith.constant 0 : i32
    %cond3A_228 = arith.cmpi ne, %convert_element_type3A_226, %cond3A_227 : i32
    scf.if %cond3A_228 {
      %dma_wait3A = arith.constant 0 : i32
      %dma_wait3A_408 = tpu.memref_slice %arg8[%sub3A_222, %dma_wait3A] : memref<79x128xi32, #tpu.memory_space<vmem>> -> memref<1x128xi32, #tpu.memory_space<vmem>>
      %dma_wait3A_409 = tpu.memref_squeeze %dma_wait3A_408 : memref<1x128xi32, #tpu.memory_space<vmem>> -> memref<128xi32, #tpu.memory_space<vmem>>
      %dma_wait3A_410 = arith.constant 0 : i32
      %dma_wait3A_411 = arith.constant 0 : i32
      %dma_wait3A_412 = tpu.memref_slice %arg9[%dma_wait3A_410, %dma_wait3A_411] : memref<10240x8xf32, #tpu.memory_space<vmem_shared>> -> memref<10240x8xf32, #tpu.memory_space<vmem_shared>>
      tpu.wait_indirect_dma semaphore(%arg27 : memref<!tpu.dma_semaphore, #tpu.memory_space<semaphore_mem>>) src(%arg11 : memref<128x8xf32, #tpu.memory_space<vmem>>) dst(%dma_wait3A_412 : memref<10240x8xf32, #tpu.memory_space<vmem_shared>>)
    } else {
    }
    %sub3A_229 = arith.constant 1 : i32
    %sub3A_230 = arith.subi %sub3A_47, %sub3A_229 : i32
    %sub3A_231 = arith.constant 1 : i32
    %sub3A_232 = arith.subi %sub3A_47, %sub3A_231 : i32
    %sub3A_233 = arith.constant 2 : i32
    %sub3A_234 = arith.subi %sub3A_232, %sub3A_233 : i32
    %jit3A_235 = arith.constant 8 : i32
    %eq3A_236 = arith.constant 0 : i32
    %eq3A_237 = arith.cmpi eq, %jit3A_235, %eq3A_236 : i32
    %jit3A_238 = arith.constant 1 : i32
    %select_n3A_239 = arith.select %eq3A_237, %jit3A_238, %jit3A_235 : i32
    %rem3A_240 = arith.remsi %sub3A_234, %select_n3A_239 : i32
    %ne3A_241 = arith.constant 0 : i32
    %ne3A_242 = arith.cmpi ne, %rem3A_240, %ne3A_241 : i32
    %lt3A_243 = arith.constant 0 : i32
    %lt3A_244 = arith.cmpi slt, %rem3A_240, %lt3A_243 : i32
    %lt3A_245 = arith.constant 0 : i32
    %lt3A_246 = arith.cmpi slt, %select_n3A_239, %lt3A_245 : i32
    %ne3A_247 = arith.xori %lt3A_244, %lt3A_246 : i1
    %and3A_248 = arith.andi %ne3A_247, %ne3A_242 : i1
    %add3A_249 = arith.addi %rem3A_240, %select_n3A_239 : i32
    %select_n3A_250 = arith.select %and3A_248, %add3A_249, %rem3A_240 : i32
    %sub3A_251 = arith.subi %sub3A_230, %select_n3A_250 : i32
    %sub3A_252 = arith.constant 4 : i32
    %sub3A_253 = arith.subi %sub3A_47, %sub3A_252 : i32
    %ge3A_254 = arith.cmpi sge, %sub3A_251, %sub3A_253 : i32
    %convert_element_type3A_255 = arith.extui %ge3A_254 : i1 to i32
    %cond3A_256 = arith.constant 0 : i32
    %cond3A_257 = arith.cmpi ne, %convert_element_type3A_255, %cond3A_256 : i32
    scf.if %cond3A_257 {
      %dma_wait3A = arith.constant 0 : i32
      %dma_wait3A_408 = tpu.memref_slice %arg8[%sub3A_251, %dma_wait3A] : memref<79x128xi32, #tpu.memory_space<vmem>> -> memref<1x128xi32, #tpu.memory_space<vmem>>
      %dma_wait3A_409 = tpu.memref_squeeze %dma_wait3A_408 : memref<1x128xi32, #tpu.memory_space<vmem>> -> memref<128xi32, #tpu.memory_space<vmem>>
      %dma_wait3A_410 = arith.constant 0 : i32
      %dma_wait3A_411 = arith.constant 0 : i32
      %dma_wait3A_412 = tpu.memref_slice %arg9[%dma_wait3A_410, %dma_wait3A_411] : memref<10240x8xf32, #tpu.memory_space<vmem_shared>> -> memref<10240x8xf32, #tpu.memory_space<vmem_shared>>
      tpu.wait_indirect_dma semaphore(%arg28 : memref<!tpu.dma_semaphore, #tpu.memory_space<semaphore_mem>>) src(%arg12 : memref<128x8xf32, #tpu.memory_space<vmem>>) dst(%dma_wait3A_412 : memref<10240x8xf32, #tpu.memory_space<vmem_shared>>)
    } else {
    }
    %sub3A_258 = arith.constant 1 : i32
    %sub3A_259 = arith.subi %sub3A_47, %sub3A_258 : i32
    %sub3A_260 = arith.constant 1 : i32
    %sub3A_261 = arith.subi %sub3A_47, %sub3A_260 : i32
    %sub3A_262 = arith.constant 3 : i32
    %sub3A_263 = arith.subi %sub3A_261, %sub3A_262 : i32
    %jit3A_264 = arith.constant 8 : i32
    %eq3A_265 = arith.constant 0 : i32
    %eq3A_266 = arith.cmpi eq, %jit3A_264, %eq3A_265 : i32
    %jit3A_267 = arith.constant 1 : i32
    %select_n3A_268 = arith.select %eq3A_266, %jit3A_267, %jit3A_264 : i32
    %rem3A_269 = arith.remsi %sub3A_263, %select_n3A_268 : i32
    %ne3A_270 = arith.constant 0 : i32
    %ne3A_271 = arith.cmpi ne, %rem3A_269, %ne3A_270 : i32
    %lt3A_272 = arith.constant 0 : i32
    %lt3A_273 = arith.cmpi slt, %rem3A_269, %lt3A_272 : i32
    %lt3A_274 = arith.constant 0 : i32
    %lt3A_275 = arith.cmpi slt, %select_n3A_268, %lt3A_274 : i32
    %ne3A_276 = arith.xori %lt3A_273, %lt3A_275 : i1
    %and3A_277 = arith.andi %ne3A_276, %ne3A_271 : i1
    %add3A_278 = arith.addi %rem3A_269, %select_n3A_268 : i32
    %select_n3A_279 = arith.select %and3A_277, %add3A_278, %rem3A_269 : i32
    %sub3A_280 = arith.subi %sub3A_259, %select_n3A_279 : i32
    %sub3A_281 = arith.constant 4 : i32
    %sub3A_282 = arith.subi %sub3A_47, %sub3A_281 : i32
    %ge3A_283 = arith.cmpi sge, %sub3A_280, %sub3A_282 : i32
    %convert_element_type3A_284 = arith.extui %ge3A_283 : i1 to i32
    %cond3A_285 = arith.constant 0 : i32
    %cond3A_286 = arith.cmpi ne, %convert_element_type3A_284, %cond3A_285 : i32
    scf.if %cond3A_286 {
      %dma_wait3A = arith.constant 0 : i32
      %dma_wait3A_408 = tpu.memref_slice %arg8[%sub3A_280, %dma_wait3A] : memref<79x128xi32, #tpu.memory_space<vmem>> -> memref<1x128xi32, #tpu.memory_space<vmem>>
      %dma_wait3A_409 = tpu.memref_squeeze %dma_wait3A_408 : memref<1x128xi32, #tpu.memory_space<vmem>> -> memref<128xi32, #tpu.memory_space<vmem>>
      %dma_wait3A_410 = arith.constant 0 : i32
      %dma_wait3A_411 = arith.constant 0 : i32
      %dma_wait3A_412 = tpu.memref_slice %arg9[%dma_wait3A_410, %dma_wait3A_411] : memref<10240x8xf32, #tpu.memory_space<vmem_shared>> -> memref<10240x8xf32, #tpu.memory_space<vmem_shared>>
      tpu.wait_indirect_dma semaphore(%arg29 : memref<!tpu.dma_semaphore, #tpu.memory_space<semaphore_mem>>) src(%arg13 : memref<128x8xf32, #tpu.memory_space<vmem>>) dst(%dma_wait3A_412 : memref<10240x8xf32, #tpu.memory_space<vmem_shared>>)
    } else {
    }
    %sub3A_287 = arith.constant 1 : i32
    %sub3A_288 = arith.subi %sub3A_47, %sub3A_287 : i32
    %sub3A_289 = arith.constant 1 : i32
    %sub3A_290 = arith.subi %sub3A_47, %sub3A_289 : i32
    %sub3A_291 = arith.constant 4 : i32
    %sub3A_292 = arith.subi %sub3A_290, %sub3A_291 : i32
    %jit3A_293 = arith.constant 8 : i32
    %eq3A_294 = arith.constant 0 : i32
    %eq3A_295 = arith.cmpi eq, %jit3A_293, %eq3A_294 : i32
    %jit3A_296 = arith.constant 1 : i32
    %select_n3A_297 = arith.select %eq3A_295, %jit3A_296, %jit3A_293 : i32
    %rem3A_298 = arith.remsi %sub3A_292, %select_n3A_297 : i32
    %ne3A_299 = arith.constant 0 : i32
    %ne3A_300 = arith.cmpi ne, %rem3A_298, %ne3A_299 : i32
    %lt3A_301 = arith.constant 0 : i32
    %lt3A_302 = arith.cmpi slt, %rem3A_298, %lt3A_301 : i32
    %lt3A_303 = arith.constant 0 : i32
    %lt3A_304 = arith.cmpi slt, %select_n3A_297, %lt3A_303 : i32
    %ne3A_305 = arith.xori %lt3A_302, %lt3A_304 : i1
    %and3A_306 = arith.andi %ne3A_305, %ne3A_300 : i1
    %add3A_307 = arith.addi %rem3A_298, %select_n3A_297 : i32
    %select_n3A_308 = arith.select %and3A_306, %add3A_307, %rem3A_298 : i32
    %sub3A_309 = arith.subi %sub3A_288, %select_n3A_308 : i32
    %sub3A_310 = arith.constant 4 : i32
    %sub3A_311 = arith.subi %sub3A_47, %sub3A_310 : i32
    %ge3A_312 = arith.cmpi sge, %sub3A_309, %sub3A_311 : i32
    %convert_element_type3A_313 = arith.extui %ge3A_312 : i1 to i32
    %cond3A_314 = arith.constant 0 : i32
    %cond3A_315 = arith.cmpi ne, %convert_element_type3A_313, %cond3A_314 : i32
    scf.if %cond3A_315 {
      %dma_wait3A = arith.constant 0 : i32
      %dma_wait3A_408 = tpu.memref_slice %arg8[%sub3A_309, %dma_wait3A] : memref<79x128xi32, #tpu.memory_space<vmem>> -> memref<1x128xi32, #tpu.memory_space<vmem>>
      %dma_wait3A_409 = tpu.memref_squeeze %dma_wait3A_408 : memref<1x128xi32, #tpu.memory_space<vmem>> -> memref<128xi32, #tpu.memory_space<vmem>>
      %dma_wait3A_410 = arith.constant 0 : i32
      %dma_wait3A_411 = arith.constant 0 : i32
      %dma_wait3A_412 = tpu.memref_slice %arg9[%dma_wait3A_410, %dma_wait3A_411] : memref<10240x8xf32, #tpu.memory_space<vmem_shared>> -> memref<10240x8xf32, #tpu.memory_space<vmem_shared>>
      tpu.wait_indirect_dma semaphore(%arg30 : memref<!tpu.dma_semaphore, #tpu.memory_space<semaphore_mem>>) src(%arg14 : memref<128x8xf32, #tpu.memory_space<vmem>>) dst(%dma_wait3A_412 : memref<10240x8xf32, #tpu.memory_space<vmem_shared>>)
    } else {
    }
    %sub3A_316 = arith.constant 1 : i32
    %sub3A_317 = arith.subi %sub3A_47, %sub3A_316 : i32
    %sub3A_318 = arith.constant 1 : i32
    %sub3A_319 = arith.subi %sub3A_47, %sub3A_318 : i32
    %sub3A_320 = arith.constant 5 : i32
    %sub3A_321 = arith.subi %sub3A_319, %sub3A_320 : i32
    %jit3A_322 = arith.constant 8 : i32
    %eq3A_323 = arith.constant 0 : i32
    %eq3A_324 = arith.cmpi eq, %jit3A_322, %eq3A_323 : i32
    %jit3A_325 = arith.constant 1 : i32
    %select_n3A_326 = arith.select %eq3A_324, %jit3A_325, %jit3A_322 : i32
    %rem3A_327 = arith.remsi %sub3A_321, %select_n3A_326 : i32
    %ne3A_328 = arith.constant 0 : i32
    %ne3A_329 = arith.cmpi ne, %rem3A_327, %ne3A_328 : i32
    %lt3A_330 = arith.constant 0 : i32
    %lt3A_331 = arith.cmpi slt, %rem3A_327, %lt3A_330 : i32
    %lt3A_332 = arith.constant 0 : i32
    %lt3A_333 = arith.cmpi slt, %select_n3A_326, %lt3A_332 : i32
    %ne3A_334 = arith.xori %lt3A_331, %lt3A_333 : i1
    %and3A_335 = arith.andi %ne3A_334, %ne3A_329 : i1
    %add3A_336 = arith.addi %rem3A_327, %select_n3A_326 : i32
    %select_n3A_337 = arith.select %and3A_335, %add3A_336, %rem3A_327 : i32
    %sub3A_338 = arith.subi %sub3A_317, %select_n3A_337 : i32
    %sub3A_339 = arith.constant 4 : i32
    %sub3A_340 = arith.subi %sub3A_47, %sub3A_339 : i32
    %ge3A_341 = arith.cmpi sge, %sub3A_338, %sub3A_340 : i32
    %convert_element_type3A_342 = arith.extui %ge3A_341 : i1 to i32
    %cond3A_343 = arith.constant 0 : i32
    %cond3A_344 = arith.cmpi ne, %convert_element_type3A_342, %cond3A_343 : i32
    scf.if %cond3A_344 {
      %dma_wait3A = arith.constant 0 : i32
      %dma_wait3A_408 = tpu.memref_slice %arg8[%sub3A_338, %dma_wait3A] : memref<79x128xi32, #tpu.memory_space<vmem>> -> memref<1x128xi32, #tpu.memory_space<vmem>>
      %dma_wait3A_409 = tpu.memref_squeeze %dma_wait3A_408 : memref<1x128xi32, #tpu.memory_space<vmem>> -> memref<128xi32, #tpu.memory_space<vmem>>
      %dma_wait3A_410 = arith.constant 0 : i32
      %dma_wait3A_411 = arith.constant 0 : i32
      %dma_wait3A_412 = tpu.memref_slice %arg9[%dma_wait3A_410, %dma_wait3A_411] : memref<10240x8xf32, #tpu.memory_space<vmem_shared>> -> memref<10240x8xf32, #tpu.memory_space<vmem_shared>>
      tpu.wait_indirect_dma semaphore(%arg31 : memref<!tpu.dma_semaphore, #tpu.memory_space<semaphore_mem>>) src(%arg15 : memref<128x8xf32, #tpu.memory_space<vmem>>) dst(%dma_wait3A_412 : memref<10240x8xf32, #tpu.memory_space<vmem_shared>>)
    } else {
    }
    %sub3A_345 = arith.constant 1 : i32
    %sub3A_346 = arith.subi %sub3A_47, %sub3A_345 : i32
    %sub3A_347 = arith.constant 1 : i32
    %sub3A_348 = arith.subi %sub3A_47, %sub3A_347 : i32
    %sub3A_349 = arith.constant 6 : i32
    %sub3A_350 = arith.subi %sub3A_348, %sub3A_349 : i32
    %jit3A_351 = arith.constant 8 : i32
    %eq3A_352 = arith.constant 0 : i32
    %eq3A_353 = arith.cmpi eq, %jit3A_351, %eq3A_352 : i32
    %jit3A_354 = arith.constant 1 : i32
    %select_n3A_355 = arith.select %eq3A_353, %jit3A_354, %jit3A_351 : i32
    %rem3A_356 = arith.remsi %sub3A_350, %select_n3A_355 : i32
    %ne3A_357 = arith.constant 0 : i32
    %ne3A_358 = arith.cmpi ne, %rem3A_356, %ne3A_357 : i32
    %lt3A_359 = arith.constant 0 : i32
    %lt3A_360 = arith.cmpi slt, %rem3A_356, %lt3A_359 : i32
    %lt3A_361 = arith.constant 0 : i32
    %lt3A_362 = arith.cmpi slt, %select_n3A_355, %lt3A_361 : i32
    %ne3A_363 = arith.xori %lt3A_360, %lt3A_362 : i1
    %and3A_364 = arith.andi %ne3A_363, %ne3A_358 : i1
    %add3A_365 = arith.addi %rem3A_356, %select_n3A_355 : i32
    %select_n3A_366 = arith.select %and3A_364, %add3A_365, %rem3A_356 : i32
    %sub3A_367 = arith.subi %sub3A_346, %select_n3A_366 : i32
    %sub3A_368 = arith.constant 4 : i32
    %sub3A_369 = arith.subi %sub3A_47, %sub3A_368 : i32
    %ge3A_370 = arith.cmpi sge, %sub3A_367, %sub3A_369 : i32
    %convert_element_type3A_371 = arith.extui %ge3A_370 : i1 to i32
    %cond3A_372 = arith.constant 0 : i32
    %cond3A_373 = arith.cmpi ne, %convert_element_type3A_371, %cond3A_372 : i32
    scf.if %cond3A_373 {
      %dma_wait3A = arith.constant 0 : i32
      %dma_wait3A_408 = tpu.memref_slice %arg8[%sub3A_367, %dma_wait3A] : memref<79x128xi32, #tpu.memory_space<vmem>> -> memref<1x128xi32, #tpu.memory_space<vmem>>
      %dma_wait3A_409 = tpu.memref_squeeze %dma_wait3A_408 : memref<1x128xi32, #tpu.memory_space<vmem>> -> memref<128xi32, #tpu.memory_space<vmem>>
      %dma_wait3A_410 = arith.constant 0 : i32
      %dma_wait3A_411 = arith.constant 0 : i32
      %dma_wait3A_412 = tpu.memref_slice %arg9[%dma_wait3A_410, %dma_wait3A_411] : memref<10240x8xf32, #tpu.memory_space<vmem_shared>> -> memref<10240x8xf32, #tpu.memory_space<vmem_shared>>
      tpu.wait_indirect_dma semaphore(%arg32 : memref<!tpu.dma_semaphore, #tpu.memory_space<semaphore_mem>>) src(%arg16 : memref<128x8xf32, #tpu.memory_space<vmem>>) dst(%dma_wait3A_412 : memref<10240x8xf32, #tpu.memory_space<vmem_shared>>)
    } else {
    }
    %sub3A_374 = arith.constant 1 : i32
    %sub3A_375 = arith.subi %sub3A_47, %sub3A_374 : i32
    %sub3A_376 = arith.constant 1 : i32
    %sub3A_377 = arith.subi %sub3A_47, %sub3A_376 : i32
    %sub3A_378 = arith.constant 7 : i32
    %sub3A_379 = arith.subi %sub3A_377, %sub3A_378 : i32
    %jit3A_380 = arith.constant 8 : i32
    %eq3A_381 = arith.constant 0 : i32
    %eq3A_382 = arith.cmpi eq, %jit3A_380, %eq3A_381 : i32
    %jit3A_383 = arith.constant 1 : i32
    %select_n3A_384 = arith.select %eq3A_382, %jit3A_383, %jit3A_380 : i32
    %rem3A_385 = arith.remsi %sub3A_379, %select_n3A_384 : i32
    %ne3A_386 = arith.constant 0 : i32
    %ne3A_387 = arith.cmpi ne, %rem3A_385, %ne3A_386 : i32
    %lt3A_388 = arith.constant 0 : i32
    %lt3A_389 = arith.cmpi slt, %rem3A_385, %lt3A_388 : i32
    %lt3A_390 = arith.constant 0 : i32
    %lt3A_391 = arith.cmpi slt, %select_n3A_384, %lt3A_390 : i32
    %ne3A_392 = arith.xori %lt3A_389, %lt3A_391 : i1
    %and3A_393 = arith.andi %ne3A_392, %ne3A_387 : i1
    %add3A_394 = arith.addi %rem3A_385, %select_n3A_384 : i32
    %select_n3A_395 = arith.select %and3A_393, %add3A_394, %rem3A_385 : i32
    %sub3A_396 = arith.subi %sub3A_375, %select_n3A_395 : i32
    %sub3A_397 = arith.constant 4 : i32
    %sub3A_398 = arith.subi %sub3A_47, %sub3A_397 : i32
    %ge3A_399 = arith.cmpi sge, %sub3A_396, %sub3A_398 : i32
    %convert_element_type3A_400 = arith.extui %ge3A_399 : i1 to i32
    %cond3A_401 = arith.constant 0 : i32
    %cond3A_402 = arith.cmpi ne, %convert_element_type3A_400, %cond3A_401 : i32
    scf.if %cond3A_402 {
      %dma_wait3A = arith.constant 0 : i32
      %dma_wait3A_408 = tpu.memref_slice %arg8[%sub3A_396, %dma_wait3A] : memref<79x128xi32, #tpu.memory_space<vmem>> -> memref<1x128xi32, #tpu.memory_space<vmem>>
      %dma_wait3A_409 = tpu.memref_squeeze %dma_wait3A_408 : memref<1x128xi32, #tpu.memory_space<vmem>> -> memref<128xi32, #tpu.memory_space<vmem>>
      %dma_wait3A_410 = arith.constant 0 : i32
      %dma_wait3A_411 = arith.constant 0 : i32
      %dma_wait3A_412 = tpu.memref_slice %arg9[%dma_wait3A_410, %dma_wait3A_411] : memref<10240x8xf32, #tpu.memory_space<vmem_shared>> -> memref<10240x8xf32, #tpu.memory_space<vmem_shared>>
      tpu.wait_indirect_dma semaphore(%arg33 : memref<!tpu.dma_semaphore, #tpu.memory_space<semaphore_mem>>) src(%arg17 : memref<128x8xf32, #tpu.memory_space<vmem>>) dst(%dma_wait3A_412 : memref<10240x8xf32, #tpu.memory_space<vmem_shared>>)
    } else {
    }
    %barrier3A_403 = arith.constant 0 : index
    tpu.barrier barrier_id(%barrier3A_403)
    %mul3A_404 = arith.constant 640 : i32
    %mul3A_405 = arith.muli %arg1, %mul3A_404 : i32
    %mul3A_406 = arith.constant 640 : i32
    %mul3A_407 = arith.muli %arg1, %mul3A_406 : i32
    "tpu.region"() ({
      %run_scoped3A = tpu.sem_alloc : memref<!tpu.dma_semaphore, #tpu.memory_space<semaphore_mem>>
      %dma_start3A_408 = arith.constant 0 : i32
      %dma_start3A_409 = tpu.memref_slice %arg6[%arg0, %mul3A_407, %dma_start3A_408] : memref<2x10240x8xf32, #tpu.memory_space<hbm>> -> memref<1x640x8xf32, #tpu.memory_space<hbm>>
      %dma_start3A_410 = tpu.memref_squeeze %dma_start3A_409 : memref<1x640x8xf32, #tpu.memory_space<hbm>> -> memref<640x8xf32, #tpu.memory_space<hbm>>
      %dma_start3A_411 = arith.constant 0 : i32
      %dma_start3A_412 = tpu.memref_slice %arg9[%mul3A_405, %dma_start3A_411] : memref<10240x8xf32, #tpu.memory_space<vmem_shared>> -> memref<640x8xf32, #tpu.memory_space<vmem_shared>>
      tpu.enqueue_dma source(%dma_start3A_412 : memref<640x8xf32, #tpu.memory_space<vmem_shared>>) target(%dma_start3A_410 : memref<640x8xf32, #tpu.memory_space<hbm>>) target_semaphore(%run_scoped3A : memref<!tpu.dma_semaphore, #tpu.memory_space<semaphore_mem>>)
      %dma_wait3A = arith.constant 0 : i32
      %dma_wait3A_413 = tpu.memref_slice %arg6[%arg0, %mul3A_407, %dma_wait3A] : memref<2x10240x8xf32, #tpu.memory_space<hbm>> -> memref<1x640x8xf32, #tpu.memory_space<hbm>>
      %dma_wait3A_414 = tpu.memref_squeeze %dma_wait3A_413 : memref<1x640x8xf32, #tpu.memory_space<hbm>> -> memref<640x8xf32, #tpu.memory_space<hbm>>
      %dma_wait3A_415 = arith.constant 0 : i32
      %dma_wait3A_416 = tpu.memref_slice %arg9[%mul3A_405, %dma_wait3A_415] : memref<10240x8xf32, #tpu.memory_space<vmem_shared>> -> memref<640x8xf32, #tpu.memory_space<vmem_shared>>
      tpu.wait_dma2 semaphore(%run_scoped3A : memref<!tpu.dma_semaphore, #tpu.memory_space<semaphore_mem>>) src(%dma_wait3A_416 : memref<640x8xf32, #tpu.memory_space<vmem_shared>>) dst(%dma_wait3A_414 : memref<640x8xf32, #tpu.memory_space<hbm>>)
      tpu.yield
    }) : () -> ()
    return
  }
}

module attributes {stable_mosaic.version = 14 : i64} {
  func.func @_edges_body(%arg0: memref<2x320000xi32, #tpu.memory_space<vmem>>, %arg1: memref<2500x128xi32, #tpu.memory_space<vmem>>, %arg2: memref<2500x128xi32, #tpu.memory_space<vmem>>) attributes {dimension_semantics = [], scalar_prefetch = 0 : i64, scratch_operands = 0 : i64, tpu.core_type = #tpu.core_type<tc>} {
    %get3A = arith.constant 0 : index
    %get3A_0 = arith.constant 0 : index
    %get3A_1 = vector.load %arg0[%get3A, %get3A_0] : memref<2x320000xi32, #tpu.memory_space<vmem>>, vector<2x320000xi32>
    %slice3A = vector.extract_strided_slice %get3A_1 {offsets = [0, 0], sizes = [1, 320000], strides = [1, 1]} : vector<2x320000xi32> to vector<1x320000xi32>
    %squeeze3A = vector.shape_cast %slice3A : vector<1x320000xi32> to vector<320000xi32>
    %reshape3A = vector.shape_cast %squeeze3A : vector<320000xi32> to vector<2500x128xi32>
    %swap3A = arith.constant 0 : index
    %swap3A_2 = arith.constant 0 : index
    %swap3A_3 = vector.load %arg1[%swap3A, %swap3A_2] : memref<2500x128xi32, #tpu.memory_space<vmem>>, vector<2500x128xi32>
    tpu.vector_store %arg1[%swap3A, %swap3A_2], %reshape3A {strides = array<i32>} : memref<2500x128xi32, #tpu.memory_space<vmem>>, vector<2500x128xi32>,
    %slice3A_4 = vector.extract_strided_slice %get3A_1 {offsets = [1, 0], sizes = [1, 320000], strides = [1, 1]} : vector<2x320000xi32> to vector<1x320000xi32>
    %squeeze3A_5 = vector.shape_cast %slice3A_4 : vector<1x320000xi32> to vector<320000xi32>
    %reshape3A_6 = vector.shape_cast %squeeze3A_5 : vector<320000xi32> to vector<2500x128xi32>
    %swap3A_7 = arith.constant 0 : index
    %swap3A_8 = arith.constant 0 : index
    %swap3A_9 = vector.load %arg2[%swap3A_7, %swap3A_8] : memref<2500x128xi32, #tpu.memory_space<vmem>>, vector<2500x128xi32>
    tpu.vector_store %arg2[%swap3A_7, %swap3A_8], %reshape3A_6 {strides = array<i32>} : memref<2500x128xi32, #tpu.memory_space<vmem>>, vector<2500x128xi32>,
    return
  }
}

module attributes {stable_mosaic.version = 14 : i64} {
  func.func @_mm_body(%arg0: memref<625x2048xf32, #tpu.memory_space<vmem>>, %arg1: memref<2048x128xf32, #tpu.memory_space<vmem>>, %arg2: memref<625x128xf32, #tpu.memory_space<vmem>>) attributes {dimension_semantics = [], scalar_prefetch = 0 : i64, scratch_operands = 0 : i64, tpu.core_type = #tpu.core_type<tc>} {
    %get3A = arith.constant 0 : index
    %get3A_0 = arith.constant 0 : index
    %get3A_1 = vector.load %arg0[%get3A, %get3A_0] : memref<625x2048xf32, #tpu.memory_space<vmem>>, vector<625x2048xf32>
    %get3A_2 = arith.constant 0 : index
    %get3A_3 = arith.constant 0 : index
    %get3A_4 = vector.load %arg1[%get3A_2, %get3A_3] : memref<2048x128xf32, #tpu.memory_space<vmem>>, vector<2048x128xf32>
    %dot_general3A = arith.constant dense<0.000000e+00> : vector<625x128xf32>
    %dot_general3A_5 = tpu.matmul %get3A_1, %get3A_4, %dot_general3A {dimension_numbers = #tpu.dot_dimension_numbers<[1], [0], [0], [1], [0, 0, 1, 1], [], []>, transpose_lhs_hint = false} : vector<625x2048xf32>, vector<2048x128xf32>, vector<625x128xf32> -> vector<625x128xf32>
    %swap3A = arith.constant 0 : index
    %swap3A_6 = arith.constant 0 : index
    %swap3A_7 = vector.load %arg2[%swap3A, %swap3A_6] : memref<625x128xf32, #tpu.memory_space<vmem>>, vector<625x128xf32>
    tpu.vector_store %arg2[%swap3A, %swap3A_6], %dot_general3A_5 {strides = array<i32>} : memref<625x128xf32, #tpu.memory_space<vmem>>, vector<625x128xf32>,
    return
  }
}

module attributes {stable_mosaic.version = 14 : i64} {
  func.func @_scale_body(%arg0: memref<625x128xf32, #tpu.memory_space<vmem>>, %arg1: memref<2x640x128xf32, #tpu.memory_space<vmem>>, %arg2: memref<640x128xf32, #tpu.memory_space<vmem>>) attributes {dimension_semantics = [], scalar_prefetch = 0 : i64, scratch_operands = 0 : i64, tpu.core_type = #tpu.core_type<tc>} {
    %get3A = arith.constant 0 : index
    %get3A_0 = arith.constant 0 : index
    %get3A_1 = arith.constant 0 : index
    %get3A_2 = vector.load %arg1[%get3A, %get3A_0, %get3A_1] : memref<2x640x128xf32, #tpu.memory_space<vmem>>, vector<1x625x128xf32>
    %get3A_3 = vector.shape_cast %get3A_2 : vector<1x625x128xf32> to vector<625x128xf32>
    %add3A = arith.constant 1.000000e+00 : f32
    %add3A_4 = vector.broadcast %add3A : f32 to vector<625x128xf32>
    %add3A_5 = arith.addf %add3A_4, %get3A_3 : vector<625x128xf32>
    %get3A_6 = arith.constant 1 : index
    %get3A_7 = arith.constant 0 : index
    %get3A_8 = arith.constant 0 : index
    %get3A_9 = vector.load %arg1[%get3A_6, %get3A_7, %get3A_8] : memref<2x640x128xf32, #tpu.memory_space<vmem>>, vector<1x625x128xf32>
    %get3A_10 = vector.shape_cast %get3A_9 : vector<1x625x128xf32> to vector<625x128xf32>
    %add3A_11 = arith.addf %add3A_5, %get3A_10 : vector<625x128xf32>
    %get3A_12 = arith.constant 0 : index
    %get3A_13 = arith.constant 0 : index
    %get3A_14 = vector.load %arg0[%get3A_12, %get3A_13] : memref<625x128xf32, #tpu.memory_space<vmem>>, vector<625x128xf32>
    %rsqrt3A = math.rsqrt %add3A_11 : vector<625x128xf32>
    %mul3A = arith.mulf %get3A_14, %rsqrt3A : vector<625x128xf32>
    %swap3A = arith.constant 0 : index
    %swap3A_15 = arith.constant 0 : index
    %swap3A_16 = vector.load %arg2[%swap3A, %swap3A_15] : memref<640x128xf32, #tpu.memory_space<vmem>>, vector<625x128xf32>
    tpu.vector_store %arg2[%swap3A, %swap3A_15], %mul3A {strides = array<i32>} : memref<640x128xf32, #tpu.memory_space<vmem>>, vector<625x128xf32>,
    %broadcast_in_dim3A = arith.constant 0.000000e+00 : f32
    %broadcast_in_dim3A_17 = vector.broadcast %broadcast_in_dim3A : f32 to vector<15x128xf32>
    %swap3A_18 = arith.constant 625 : index
    %swap3A_19 = arith.constant 0 : index
    %swap3A_20 = vector.load %arg2[%swap3A_18, %swap3A_19] : memref<640x128xf32, #tpu.memory_space<vmem>>, vector<15x128xf32>
    tpu.vector_store %arg2[%swap3A_18, %swap3A_19], %broadcast_in_dim3A_17 {strides = array<i32>} : memref<640x128xf32, #tpu.memory_space<vmem>>, vector<15x128xf32>,
    return
  }
}

module attributes {stable_mosaic.version = 14 : i64} {
  func.func @_head_body(%arg0: memref<640x128xf32, #tpu.memory_space<vmem>>, %arg1: memref<2x640x128xf32, #tpu.memory_space<vmem>>, %arg2: memref<2x640x128xf32, #tpu.memory_space<vmem>>, %arg3: memref<1x128xf32, #tpu.memory_space<vmem>>, %arg4: memref<128x128xf32, #tpu.memory_space<vmem>>, %arg5: memref<1x128xf32, #tpu.memory_space<vmem>>, %arg6: memref<625x128xf32, #tpu.memory_space<vmem>>, %arg7: memref<625x128xf32, #tpu.memory_space<vmem>>) attributes {dimension_semantics = [], scalar_prefetch = 0 : i64, scratch_operands = 0 : i64, tpu.core_type = #tpu.core_type<tc>} {
    %get3A = arith.constant 0 : index
    %get3A_0 = arith.constant 0 : index
    %get3A_1 = arith.constant 0 : index
    %get3A_2 = vector.load %arg2[%get3A, %get3A_0, %get3A_1] : memref<2x640x128xf32, #tpu.memory_space<vmem>>, vector<1x625x128xf32>
    %get3A_3 = vector.shape_cast %get3A_2 : vector<1x625x128xf32> to vector<625x128xf32>
    %add3A = arith.constant 1.000000e+00 : f32
    %add3A_4 = vector.broadcast %add3A : f32 to vector<625x128xf32>
    %add3A_5 = arith.addf %add3A_4, %get3A_3 : vector<625x128xf32>
    %get3A_6 = arith.constant 1 : index
    %get3A_7 = arith.constant 0 : index
    %get3A_8 = arith.constant 0 : index
    %get3A_9 = vector.load %arg2[%get3A_6, %get3A_7, %get3A_8] : memref<2x640x128xf32, #tpu.memory_space<vmem>>, vector<1x625x128xf32>
    %get3A_10 = vector.shape_cast %get3A_9 : vector<1x625x128xf32> to vector<625x128xf32>
    %add3A_11 = arith.addf %add3A_5, %get3A_10 : vector<625x128xf32>
    %rsqrt3A = math.rsqrt %add3A_11 : vector<625x128xf32>
    %get3A_12 = arith.constant 0 : index
    %get3A_13 = arith.constant 0 : index
    %get3A_14 = arith.constant 0 : index
    %get3A_15 = vector.load %arg1[%get3A_12, %get3A_13, %get3A_14] : memref<2x640x128xf32, #tpu.memory_space<vmem>>, vector<1x625x128xf32>
    %get3A_16 = vector.shape_cast %get3A_15 : vector<1x625x128xf32> to vector<625x128xf32>
    %get3A_17 = arith.constant 1 : index
    %get3A_18 = arith.constant 0 : index
    %get3A_19 = arith.constant 0 : index
    %get3A_20 = vector.load %arg1[%get3A_17, %get3A_18, %get3A_19] : memref<2x640x128xf32, #tpu.memory_space<vmem>>, vector<1x625x128xf32>
    %get3A_21 = vector.shape_cast %get3A_20 : vector<1x625x128xf32> to vector<625x128xf32>
    %add3A_22 = arith.addf %get3A_16, %get3A_21 : vector<625x128xf32>
    %get3A_23 = arith.constant 0 : index
    %get3A_24 = arith.constant 0 : index
    %get3A_25 = vector.load %arg0[%get3A_23, %get3A_24] : memref<640x128xf32, #tpu.memory_space<vmem>>, vector<625x128xf32>
    %add3A_26 = arith.addf %add3A_22, %get3A_25 : vector<625x128xf32>
    %mul3A = arith.mulf %add3A_26, %rsqrt3A : vector<625x128xf32>
    %get3A_27 = arith.constant 0 : index
    %get3A_28 = arith.constant 0 : index
    %get3A_29 = vector.load %arg3[%get3A_27, %get3A_28] : memref<1x128xf32, #tpu.memory_space<vmem>>, vector<1x128xf32>
    %add3A_30 = vector.broadcast %get3A_29 : vector<1x128xf32> to vector<625x128xf32>
    %add3A_31 = arith.addf %mul3A, %add3A_30 : vector<625x128xf32>
    %max3A = arith.constant 0.000000e+00 : f32
    %max3A_32 = vector.broadcast %max3A : f32 to vector<625x128xf32>
    %max3A_33 = arith.maximumf %add3A_31, %max3A_32 : vector<625x128xf32>
    %swap3A = arith.constant 0 : index
    %swap3A_34 = arith.constant 0 : index
    %swap3A_35 = vector.load %arg6[%swap3A, %swap3A_34] : memref<625x128xf32, #tpu.memory_space<vmem>>, vector<625x128xf32>
    tpu.vector_store %arg6[%swap3A, %swap3A_34], %max3A_33 {strides = array<i32>} : memref<625x128xf32, #tpu.memory_space<vmem>>, vector<625x128xf32>,
    %get3A_36 = arith.constant 0 : index
    %get3A_37 = arith.constant 0 : index
    %get3A_38 = vector.load %arg4[%get3A_36, %get3A_37] : memref<128x128xf32, #tpu.memory_space<vmem>>, vector<128x128xf32>
    %dot_general3A = arith.constant dense<0.000000e+00> : vector<625x128xf32>
    %dot_general3A_39 = tpu.matmul %max3A_33, %get3A_38, %dot_general3A {dimension_numbers = #tpu.dot_dimension_numbers<[1], [0], [0], [1], [0, 0, 1, 1], [], []>, transpose_lhs_hint = false} : vector<625x128xf32>, vector<128x128xf32>, vector<625x128xf32> -> vector<625x128xf32>
    %get3A_40 = arith.constant 0 : index
    %get3A_41 = arith.constant 0 : index
    %get3A_42 = vector.load %arg5[%get3A_40, %get3A_41] : memref<1x128xf32, #tpu.memory_space<vmem>>, vector<1x128xf32>
    %add3A_43 = vector.broadcast %get3A_42 : vector<1x128xf32> to vector<625x128xf32>
    %add3A_44 = arith.addf %dot_general3A_39, %add3A_43 : vector<625x128xf32>
    %swap3A_45 = arith.constant 0 : index
    %swap3A_46 = arith.constant 0 : index
    %swap3A_47 = vector.load %arg7[%swap3A_45, %swap3A_46] : memref<625x128xf32, #tpu.memory_space<vmem>>, vector<625x128xf32>
    tpu.vector_store %arg7[%swap3A_45, %swap3A_46], %add3A_44 {strides = array<i32>} : memref<625x128xf32, #tpu.memory_space<vmem>>, vector<625x128xf32>,
    return
  }
}

</mosaic_0001>

<sc_bundles>
// kernel: kernel.11.cloned.1.call-start
scs
__scs_entry_jumppad:
0x0: {  	(pc) =	sbr.rel $0x88, $3  }
0x1: {  	(tag) =	ssettag $0x0;
	lr =	simm.s32 $0x1  }
0x2: {  	[smem:$0x3F9B] =	sst lr;
	_ =	strace $0xD0000000  }
0x3: {  	_ = 	snop  }
0x4: {  	_ = 	snop  }
0x5: {  	_ = 	snop  }
0x6: {  	_ = 	snop  }
0x7: {  	_ = 	snop  }
__scs_overlays_trampoline_lowered:
0x8: {  	[smem:$0x3FAA] =	sst s0  }
0x9: {  	[smem:$0x3FAB] =	sst s1  }
0xa: {  	[smem:$0x3FAC] =	sst s2  }
0xb: {  	[smem:$0x3FAD] =	sst s3  }
0xc: {  	[smem:$0x3FAE] =	sst s4  }
0xd: {  	[smem:$0x3FAF] =	sst s5  }
0xe: {  	[smem:$0x3FB0] =	sst s6  }
0xf: {  	[smem:$0x3FB1] =	sst s7  }
0x10: {  	[smem:$0x3FB2] =	sst s8  }
0x11: {  	[smem:$0x3FB3] =	sst s9;
	s0 =	simm.s32 @!p0 $0x0  }
0x12: {  	s1 =	sld [smem:$0x3F99];
	s0 =	simm.s32 @p0 $0x1  }
0x13: {  	[smem:$0x3FB4] =	sst s0;
	s0 =	simm.s32 @!p1 $0x0  }
0x14: {  	s2 =	sld [smem:$0x3F98];
	s0 =	simm.s32 @p1 $0x1  }
0x15: {  	[smem:$0x3FB5] =	sst s0;
	s0 =	simm.s32 @!p2 $0x0  }
0x16: {  	s3 =	sld [smem:$0x3FDB];
	s0 =	simm.s32 @p2 $0x1  }
0x17: {  	s4 =	simm.s32 $0x1BF5;
	[smem:$0x3FB7] =	sst s0  }
0x18: {  	s0 =	sld [smem:$0x3F9A];
	_ =	swait.ge [sflag:s4], $0x0  }
0x19: {  	s7 =	sld [smem:$0x3F9B]  }
0x1a: {  	s8 =	sadd.s32 $0xFFFFE003, lr  }
0x1b: {  	s9 =	sadd.s32 $0xFFFFFEF7, lr;
	s5 =	simm.s32 $0xFFFFFFFF;
	p2 =	slt.u32 s8, $0xFFFFF086  }
0x1c: {  	p1 =	slt.u32 s9, $0xF7A;
	s5 =	simm.s32 @!p2 $0x0  }
0x1d: {  	s5 =	simm.s32 @p1 $0x1;
	p0 =	seq.s32 s7, s2  }
0x1e: {  	s7 =	smul.u32 @!p0 $0xF7A, s2;
	p2 =	seq.s32 @!p0 s5, $0x0  }
0x1f: {  	s9 =	smul.u32 $0xF7A, s1;
	s8 =	simm.s32 @!p0 $0x1BF5;
	p2 =	por !p2, p0  }
0x20: {  	[sflag:s8] =	ssyncset.s32 @!p0 $0xFFFFF086;
	s6 =	sadd.s32 @!p0 s3, s7;
	s7 =	simm.s32 @!p0 $0x108  }
0x21: {  	s3 =	sadd.s32 s3, s9;
	s6 =	sadd.s32 @!p0 $0x88, s6;
	s7 =	simm.s32 @p2 $0x1082  }
0x22: {  	[simem:s7], [sflag:s8] =	dma.local @!p0 [hbm:s6], $0xF7A  }
0x23: {  	s9 =	sor.u32 $0xD0000000, s2;
	s6 =	simm.s32 $0x108;
	_ =	swait.ge @!p0 [sflag:s8], $0x0  }
0x24: {  	s3 =	sadd.s32 $0x88, s3;
	s6 =	simm.s32 @!p1 $0x1082;
	[sflag:s4] =	ssyncset.s32 $0xFFFFF086  }
0x25: {  	[simem:s6], [sflag:s4] =	dma.local [hbm:s3], $0xF7A  }
0x26: {  	[smem:$0x3F9B] =	sst s1;
	(tag) =	ssettag s2;
	_ =	strace s9  }
0x27: {  	s1 =	sld [smem:$0x3FAB]  }
0x28: {  	s2 =	sld [smem:$0x3FAC]  }
0x29: {  	s4 =	sld [smem:$0x3FAE]  }
0x2a: {  	p0 =	seq.s32 s5, $0x0;
	s5 =	sld [smem:$0x3FAF]  }
0x2b: {  	s6 =	sld [smem:$0x3FB0]  }
0x2c: {  	s7 =	sld [smem:$0x3FB1]  }
0x2d: {  	s3 =	simm.s32 $0x108;
	s8 =	sld [smem:$0x3FB2]  }
0x2e: {  	s3 =	simm.s32 @!p0 $0x1082;
	s9 =	sld [smem:$0x3FB3]  }
0x2f: {  	lr =	sadd.s32 s0, s3;
	s0 =	sld [smem:$0x3FAA]  }
0x30: {  	s3 =	sld [smem:$0x3FAD]  }
0x31: {  	[smem:$0x3FB6] =	sst s10  }
0x32: {  	s10 =	sld [smem:$0x3FB4];
	_ =	sdelay $0x3  }
0x33: {  	p0 =	seq.s32 s10, $0x1;
	s10 =	sld [smem:$0x3FB6];
	_ =	sdelay $0x3  }
0x34: {  	[smem:$0x3FB6] =	sst s10  }
0x35: {  	s10 =	sld [smem:$0x3FB5];
	_ =	sdelay $0x3  }
0x36: {  	p1 =	seq.s32 s10, $0x1;
	s10 =	sld [smem:$0x3FB6];
	_ =	sdelay $0x3  }
0x37: {  	[smem:$0x3FB6] =	sst s10  }
0x38: {  	s10 =	sld [smem:$0x3FB7]  }
0x39: {  	_ = 	snop;
	(pc) =	sbr.ind lr, $3  }
0x3a: {  	_ = 	snop  }
0x3b: {  	_ = 	snop  }
0x3c: {  	p2 =	seq.s32 s10, $0x1;
	s10 =	sld [smem:$0x3FB6]  }
0x3d: {  	_ =	shalt  }
0x3e: {  	_ =	shalt  }
0x3f: {  	_ =	shalt  }
0x40: {  	_ =	shalt  }
0x41: {  	_ =	shalt  }
0x42: {  	_ =	shalt  }
0x43: {  	_ =	shalt  }
0x44: {  	_ =	shalt  }
0x45: {  	_ =	shalt  }
0x46: {  	_ =	shalt  }
0x47: {  	_ =	shalt  }
0x48: {  	_ =	shalt  }
0x49: {  	_ =	shalt  }
0x4a: {  	_ =	shalt  }
0x4b: {  	_ =	shalt  }
0x4c: {  	_ =	shalt  }
0x4d: {  	_ =	shalt  }
0x4e: {  	_ =	shalt  }
0x4f: {  	_ =	shalt  }
0x50: {  	_ =	shalt  }
0x51: {  	_ =	shalt  }
0x52: {  	_ =	shalt  }
0x53: {  	_ =	shalt  }
0x54: {  	_ =	shalt  }
0x55: {  	_ =	shalt  }
0x56: {  	_ =	shalt  }
0x57: {  	_ =	shalt  }
0x58: {  	_ =	shalt  }
0x59: {  	_ =	shalt  }
0x5a: {  	_ =	shalt  }
0x5b: {  	_ =	shalt  }
0x5c: {  	_ =	shalt  }
0x5d: {  	_ =	shalt  }
0x5e: {  	_ =	shalt  }
0x5f: {  	_ =	shalt  }
0x60: {  	_ =	shalt  }
0x61: {  	_ =	shalt  }
0x62: {  	_ =	shalt  }
0x63: {  	_ =	shalt  }
0x64: {  	_ =	shalt  }
0x65: {  	_ =	shalt  }
0x66: {  	_ =	shalt  }
0x67: {  	_ =	shalt  }
0x68: {  	_ =	shalt  }
0x69: {  	_ =	shalt  }
0x6a: {  	_ =	shalt  }
0x6b: {  	_ =	shalt  }
0x6c: {  	_ =	shalt  }
0x6d: {  	_ =	shalt  }
0x6e: {  	_ =	shalt  }
0x6f: {  	_ =	shalt  }
0x70: {  	_ =	shalt  }
0x71: {  	_ =	shalt  }
0x72: {  	_ =	shalt  }
0x73: {  	_ =	shalt  }
0x74: {  	_ =	shalt  }
0x75: {  	_ =	shalt  }
0x76: {  	_ =	shalt  }
0x77: {  	_ =	shalt  }
0x78: {  	_ =	shalt  }
0x79: {  	_ =	shalt  }
0x7a: {  	_ =	shalt  }
0x7b: {  	_ =	shalt  }
0x7c: {  	_ =	shalt  }
0x7d: {  	_ =	shalt  }
0x7e: {  	_ =	shalt  }
0x7f: {  	_ =	shalt  }
0x80: {  	_ =	shalt  }
0x81: {  	_ =	shalt  }
0x82: {  	_ =	shalt  }
0x83: {  	_ =	shalt  }
0x84: {  	_ =	shalt  }
0x85: {  	_ =	shalt  }
0x86: {  	_ =	shalt  }
0x87: {  	_ =	shalt  }
.Lfunc_end0:
.L_simem_size_0:
called_computation.1_lowered:
.L_overlay_start_0:
0x88: {  	s2 =	sld [smem:$0x3FD9]  }
0x89: {  	s3 =	sld [smem:$0x3FFE];
	_ =	sdelay $0x1  }
0x8a: {  	s1 =	srdreg.scid  }
0x8b: {  	s0 =	sand.u32 $0x1, s1  }
0x8c: {  	s16 =	sshll.u32 s0, $0xA;
	s2 =	sadd.s32 s3, s2  }
0x8d: {  	s2 =	sadd.s32 s2, s16  }
0x8e: {  	[smem:$0x3FC2] =	sst s2  }
0x8f: {  	_ = 	snop  }
0x90: {  	(tm) =	ssettm $0x1  }
0x91: {  	s17 =	sld [smem:$0x3FFB];
	_ =	sdelay $0x3  }
0x92: {  	_ =	strace s17  }
0x93: {  	s2 =	sld [smem:$0x3FFC];
	_ =	sdelay $0x3  }
0x94: {  	_ =	strace s2  }
0x95: {  	s2 =	sld [smem:$0x3FFD];
	_ =	sdelay $0x3  }
0x96: {  	_ =	strace s2  }
0x97: {  	_ =	strace $0x8FFFFFFF  }
0x98: {  	s18 =	sld [smem:$0x3FDB];
	_ =	sdelay $0x1  }
0x99: {  	s19 =	simm.s32 $_scs_section_size  }
0x9a: {  	s4 =	simm.s32 $_size__tile_overlayer_lowered;
	s5 =	simm.s32 $_tile_overlayer_lowered  }
0x9b: {  	s22 =	simm.s32 $0x1BFF;
	s21 =	sshll.u32 s5, $0x1;
	s2 =	sadd.s32 s19, s18  }
0x9c: {  	s6 =	simm.s32 $0x0;
	s20 =	sshll.u32 s4, $0x1;
	s4 =	sadd.s32 s21, s2  }
0x9d: {  	[timem:s6], [sflag:s22] =	dma.local [hbm:s4], s20  }
0x9e: {  	_ =	swait.ge [sflag:s22], s20  }
0x9f: {  	s3 =	ssub.s32 $0x0, s20;
	[sflag:s22] =	ssyncset.done $0x0  }
0xa0: {  	[sflag:s22] =	ssyncadd.s32 s3;
	_ =	sdelay $0x1  }
0xa1: {  	s23 =	simm.s32 $0x1B8B  }
0xa2: {  	_ =	swait.ge [sflag:s23], $0x1  }
0xa3: {  	[sflag:s23] =	ssyncset.done $0x0  }
0xa4: {  	s25 =	simm.s32 $0x1B8E;
	s24 =	sld [smem:$0x3FFE];
	[sflag:s23] =	ssyncadd.s32 $0xFFFFFFFF  }
0xa5: {  	s26 =	simm.s32 $execute0_lowered;
	[smem:$0x3FD2] =	sst s25  }
0xa6: {  	s4 =	sshll.u32 s26, $0x1;
	_ =	strace $0x80000049;
	[dreg:$0x1] =	wrdreg $0xFFFFFFFF  }
0xa7: {  	s28 =	simm.s32 $_size_execute0_lowered;
	s2 =	sadd.s32 s2, s4;
	[dreg:$0x0] =	wrdreg $0x0  }
0xa8: {  	s4 =	sshll.u32 s28, $0x1;
	[dreg:$0x2] =	wrdreg s2  }
0xa9: {  	[dreg:$0x3] =	wrdreg s4  }
0xaa: {  	[dreg:$0x4] =	wrdreg $0xC0  }
0xab: {  	_ =	task [dreg:s6], $0x5FFFF  }
0xac: {  	[dreg:$0x1] =	wrdreg $0xFFFFFFFF  }
0xad: {  	[dreg:$0x0] =	wrdreg $0x60  }
0xae: {  	[dreg:$0x2] =	wrdreg s24  }
0xaf: {  	[dreg:$0x3] =	wrdreg $0x4F000  }
0xb0: {  	[dreg:$0x4] =	wrdreg $0x9  }
0xb1: {  	_ =	task.clear_ibuf [dreg:s6], $0x5FFFF;
	_ =	strace $0x90000049  }
0xb2: {  	s29 =	simm.s32 $0x9;
	_ =	strace $0x8000004B  }
0xb3: {  	_ =	swait.ge [sflag:s29], $0x1  }
0xb4: {  	[sflag:s29] =	ssyncadd.s32 $0xFFFFFFFF  }
0xb5: {  	_ =	strace $0x9000004B  }
0xb6: {  	_ =	sfence  }
0xb7: {  	s30 =	sld [smem:$0x0];
	_ =	sdelay $0x2  }
0xb8: {  	s31 =	sshll.u32 s1, $0xD;
	s1 =	sshrl.u32 s1, $0x2  }
0xb9: {  	s3 =	sand.u32 $0x4000, s31;
	s1 =	sadd.s32 s1, s30  }
0xba: {  	s0 =	sor.u32 s3, s0;
	s1 =	sshll.u32 s1, $0x11  }
0xbb: {  	s0 =	sor.u32 s1, s0  }
0xbc: {  	s0 =	sadd.s32 $0x8F2B, s0  }
0xbd: {  	[sflag:s0] =	ssyncadd.remote.s32 $0x1  }
0xbe: {  	_ =	sfence.sel $0xFFFF  }
0xbf: {  	[dreg:$0x0] =	wrdreg $0xFFFFFFFF;
	(pc) =	sbr.abs _section_cstart, $3  }
0xc0: {  	[dreg:$0x1] =	wrdreg $0xFFFFFFFF  }
0xc1: {  	_ =	task.clear_ibuf [dreg:s6], $0x2FFFF;
	_ =	strace $0x9FFFFFFF  }
0xc2: {  	(tm) =	ssettm $0x7FFFFFFF  }
0xc3: {  	_ =	shalt  }
tec
execute0_lowered:
.L_overlay_start_1:
0x0: {  	(tag) =	ssettag $0x1  }
0x1: {  	s0 =	srdreg.scid  }
0x2: {  	s12 =	stileid.u32;
	s3 =	rddreg [dreg:$0x0]  }
0x3: {  	s2 =	rddreg [dreg:$0x1];
	s11 =	simm.s32 $0x0;
	s28 =	simm.s32 $0x6700  }
0x4: {  	s30 =	simm.s32 $0x6F00;
	s31 =	simm.s32 $0x2;
	s1 =	sand.u32 $0x1, s0  }
0x5: {  	s6 =	smul.u32 $0x1400, s12;
	[smem:$0x7FF] =	sst s11;
	s4 =	sadd.s32 $0x18800, s3  }
0x6: {  	s19 =	sshll.u32 s12, $0x6;
	s0 =	sshll.u32 s1, $0x4;
	s13 =	smul.u32 $0x14000, s1  }
0x7: {  	_ =	strace $0x8000004A;
	s22 =	sor.u32 $0x1C11, s19;
	s19 =	simm.s32 $0x7F00  }
0x8: {  	s14 =	ssub.s32 $0x2, s1;
	s0 =	sor.u32 s12, s0;
	[dreg:$0x6] =	wrdreg s19  }
0x9: {  	s8 =	sshrl.u32 s6, $0x3;
	s9 =	sshrl.u32 s14, $0x1;
	[dreg:$0xa] =	wrdreg s22  }
0xa: {  	s5 =	smul.u32 $0x9C4, s0;
	s0 =	sadd.s32 s6, s13;
	s6 =	sadd.s32 s6, s2  }
0xb: {  	s8 =	sadd.s32 s8, s3;
	s0 =	sshrl.u32 s0, $0x3;
	[dreg:$0x7] =	wrdreg s6  }
0xc: {  	s8 =	sadd.s32 $0x16000, s8;
	s7 =	sshrl.u32 s5, $0x1;
	s0 =	sadd.s32 s0, s3  }
0xd: {  	s15 =	sadd.s32 $0x9C4, s5;
	s10 =	sshrl.u32 s5, $0x5;
	[dreg:$0x8] =	wrdreg s8  }
0xe: {  	s7 =	sand.u32 $0xFFF0, s7;
	s1 =	sshrl.u32 s15, $0x5;
	s15 =	simm.s32 $0x7300  }
0xf: {  	s0 =	sadd.s32 $0x1B000, s0;
	s7 =	sadd.s32 s7, s3;
	s5 =	ssub.s32 s1, s10  }
0x10: {  	p0 =	sne.s32 s1, s10;
	s1 =	simm.s32 $0x1;
	[dreg:$0x3] =	wrdreg s15  }
0x11: {  	s3 =	ssub.s32 s14, s9;
	[smem:$0x7EF] =	sst s0;
	s16 =	sshll.u32 s5, $0x10  }
0x12: {  	s11 =	sshra.s32 s5, $0x1F;
	s1 =	simm.s32 @!p0 $0x0;
	s20 =	sadd.s32 $0xC200, s7  }
0x13: {  	s7 =	sadd.s32 $0x2400, s7;
	s19 =	sadd.s32 $0x6, s5;
	s10 =	sshra.s32 s16, $0x1F  }
0x14: {  	s11 =	sor.u32 s1, s11;
	s1 =	sand.u32 $0x7, s5;
	[dreg:$0xb] =	wrdreg s20  }
0x15: {  	s10 =	sand.u32 $0x7, s10;
	p6 =	sne.s32 s11, $0x1;
	p1 =	sne.s32 s1, $0x0  }
0x16: {  	[dreg:$0xc] =	wrdreg s7;
	s17 =	sadd.s32 s10, s5;
	p0 =	por !p1, !p6  }
0x17: {  	s10 =	simm.s32 $0x1;
	s9 =	sshll.u32 s17, $0x10;
	p0 =	por !p0, !p0  }
0x18: {  	s17 =	simm.s32 $0x7700;
	s18 =	sshra.s32 s9, $0x13;
	s10 =	simm.s32 @!p0 $0x0  }
0x19: {  	[dreg:$0x4] =	wrdreg s17;
	s21 =	ssub.s32 s18, s10;
	s18 =	simm.s32 $0x7B00  }
0x1a: {  	s29 =	sadd.s32 $0xFFFFFFFC, s5;
	s6 =	sshll.u32 s21, $0x3;
	[dreg:$0x5] =	wrdreg s18  }
0x1b: {  	s23 =	sshll.u32 s21, $0xC;
	[dreg:$0x9] =	wrdreg s21;
	s7 =	sor.u32 $0x4, s6  }
0x1c: {  	s9 =	sshra.s32 s23, $0x2;
	s11 =	sor.u32 $0x5, s6;
	s26 =	sor.u32 $0x1, s6  }
0x1d: {  	s13 =	sor.u32 $0x2, s6;
	s15 =	sor.u32 $0x6, s6;
	s24 =	sshll.u32 s7, $0x9  }
0x1e: {  	s9 =	sadd.s32 $0x2780, s9;
	s25 =	sshll.u32 s11, $0x9;
	s16 =	sshll.u32 s26, $0x9  }
0x1f: {  	s20 =	sshll.u32 s13, $0x9;
	p0 =	sge.s32 s7, s5;
	s23 =	sshll.u32 s15, $0x9  }
0x20: {  	p1 =	slt.s32 s26, s5;
	p2 =	sge.s32 s13, s5;
	p3 =	sge.s32 s11, s5  }
0x21: {  	s11 =	sshllo.u32 s21, $0x3;
	[dreg:$0x10] =	wrdreg s15;
	s8 =	sshra.s32 s24, $0x2  }
0x22: {  	[dreg:$0xe] =	wrdreg s9;
	s14 =	sshra.s32 s25, $0x2;
	s12 =	sshra.s32 s16, $0x2  }
0x23: {  	s9 =	sshra.s32 s20, $0x2;
	s7 =	simm.s32 @!p1 $0x0;
	s25 =	sor.u32 $0x3, s6  }
0x24: {  	p5 =	slt.s32 @!p2 s13, $0x4;
	s26 =	sshll.u32 s11, $0x9;
	s16 =	sadd.s32 $0xB, s6  }
0x25: {  	s20 =	sand.u32 $0x7, s19;
	[dreg:$0x14] =	wrdreg s11;
	s12 =	sadd.s32 $0x2780, s12  }
0x26: {  	s24 =	sadd.s32 $0x2780, s9;
	s7 =	simm.s32 @p1 $0x1;
	[dreg:$0x1a] =	wrdreg s16  }
0x27: {  	p4 =	sge.s32 s25, s5;
	s13 =	sshra.s32 s26, $0x2;
	[dreg:$0xd] =	wrdreg s8  }
0x28: {  	s9 =	sadd.s32 $0x8, s6;
	s18 =	sshll.u32 s16, $0x9;
	[dreg:$0xf] =	wrdreg s14  }
0x29: {  	s26 =	sand.u32 $0x7, s29;
	s16 =	sadd.s32 $0x1, s5;
	[dreg:$0x11] =	wrdreg s12  }
0x2a: {  	p5 =	por p5, p2;
	s12 =	sshra.s32 s23, $0x2;
	[dreg:$0x13] =	wrdreg s24  }
0x2b: {  	[smem:$0x7E7] =	sst s7;
	s7 =	sshll.u32 s25, $0x9;
	p1 =	sge.s32 @!p0 s9, s5  }
0x2c: {  	s9 =	sshll.u32 s9, $0x9;
	s23 =	sadd.s32 $0x5, s5;
	[dreg:$0x15] =	wrdreg s13  }
0x2d: {  	s24 =	sadd.s32 $0xFFFFFFFF, s5;
	s9 =	sshra.s32 s9, $0x2;
	[dreg:$0x12] =	wrdreg s12  }
0x2e: {  	s0 =	simm.s32 @!p5 $0x0;
	s1 =	ssub.s32 s24, s1;
	[dreg:$0x17] =	wrdreg s9  }
0x2f: {  	s7 =	sshra.s32 s7, $0x2;
	s19 =	sand.u32 $0xFFFFFFF8, s24;
	[smem:$0x7ED] =	sst s1  }
0x30: {  	s0 =	simm.s32 @p5 $0x1;
	p5 =	slt.s32 @!p4 s21, $0x1;
	[smem:$0x7EE] =	sst s19  }
0x31: {  	p1 =	por p1, p0;
	s7 =	sadd.s32 $0x2780, s7;
	[smem:$0x7F1] =	sst s0  }
0x32: {  	s0 =	simm.s32 @!p2 $0x0;
	[dreg:$0x16] =	wrdreg s7;
	s7 =	sadd.s32 $0x9, s6  }
0x33: {  	s1 =	simm.s32 $0x3;
	s19 =	simm.s32 $0x0;
	p6 =	sge.s32 @!p3 s7, s5  }
0x34: {  	s0 =	simm.s32 @p2 $0x1;
	s7 =	sshll.u32 s7, $0x9;
	s10 =	simm.s32 @!p6 $0x0  }
0x35: {  	[smem:$0x7F2] =	sst s0;
	s7 =	sshra.s32 s7, $0x2;
	s10 =	simm.s32 @p6 $0x1  }
0x36: {  	[dreg:$0x18] =	wrdreg s7;
	p6 =	slt.s32 s6, s5;
	s7 =	sand.u32 $0x7, s23  }
0x37: {  	s23 =	sadd.s32 $0x2780, s8;
	[smem:$0x7E8] =	sst s10;
	s10 =	sadd.s32 $0xA, s6  }
0x38: {  	s9 =	simm.s32 @!p6 $0x0;
	s25 =	ssub.s32 s24, s7;
	[smem:$0x7F9] =	sst s23  }
0x39: {  	s7 =	sadd.s32 $0x3, s5;
	s23 =	simm.s32 $0x11;
	[dreg:$0x19] =	wrdreg s10  }
0x3a: {  	s9 =	simm.s32 @p6 $0x1;
	s17 =	sshll.u32 s10, $0x9;
	[dreg:$0x1e] =	wrdreg s25  }
0x3b: {  	s10 =	sadd.s32 $0x2, s5;
	p6 =	sge.s32 @!p2 s15, s5;
	s25 =	sadd.s32 $0x2780, s12  }
0x3c: {  	s15 =	simm.s32 $0x4;
	s12 =	simm.s32 $0x7;
	[smem:$0x7E9] =	sst s9  }
0x3d: {  	s6 =	sshra.s32 s17, $0x2;
	p2 =	por p6, p2;
	[smem:$0x7FB] =	sst s25  }
0x3e: {  	p6 =	slt.s32 @!p0 s21, $0x0;
	s25 =	simm.s32 $0x6;
	[dreg:$0x1b] =	wrdreg s6  }
0x3f: {  	s6 =	sshra.s32 s18, $0x2;
	s18 =	sand.u32 $0x7, s16;
	s0 =	simm.s32 @!p2 $0x0  }
0x40: {  	s16 =	simm.s32 $0xB;
	[dreg:$0x1c] =	wrdreg s6;
	s6 =	ssub.s32 s24, s20  }
0x41: {  	s20 =	smax.u32 s3, $0x1;
	s0 =	simm.s32 @p2 $0x1;
	[dreg:$0x1d] =	wrdreg s6  }
0x42: {  	p2 =	por p5, p4;
	p5 =	sge.s32 @!p4 s11, s5;
	[smem:$0x7F0] =	sst s20  }
0x43: {  	s6 =	ssub.s32 s24, s26;
	[smem:$0x7F3] =	sst s0;
	s0 =	simm.s32 @!p2 $0x0  }
0x44: {  	s26 =	sadd.s32 $0x2780, s13;
	s20 =	simm.s32 $0x6B00;
	s13 =	simm.s32 $0xA  }
0x45: {  	[dreg:$0x1f] =	wrdreg s6;
	s6 =	sand.u32 $0x7, s7;
	s7 =	sand.u32 $0x7, s10  }
0x46: {  	s0 =	simm.s32 @p2 $0x1;
	p2 =	por p5, p4;
	[smem:$0x7FC] =	sst s26  }
0x47: {  	p5 =	slt.s32 @!p3 s21, $0x0;
	s6 =	ssub.s32 s24, s6;
	[smem:$0x7F4] =	sst s0  }
0x48: {  	s10 =	simm.s32 $0x1;
	s17 =	ssub.s32 s24, s7;
	[smem:$0x7EA] =	sst s6  }
0x49: {  	s26 =	simm.s32 $0x6300;
	s0 =	simm.s32 @!p2 $0x0;
	[smem:$0x7EB] =	sst s17  }
0x4a: {  	s6 =	ssub.s32 s24, s18;
	s0 =	simm.s32 @p2 $0x1;
	p2 =	por p6, p0  }
0x4b: {  	p6 =	slt.s32 s21, $0x1;
	s24 =	sadd.s32 $0x2780, s14;
	[smem:$0x7EC] =	sst s6  }
0x4c: {  	s17 =	simm.s32 $0x80;
	[smem:$0x7F5] =	sst s0;
	s0 =	simm.s32 @!p2 $0x0  }
0x4d: {  	s14 =	simm.s32 $0xC;
	[smem:$0x7FA] =	sst s24;
	s0 =	simm.s32 @p2 $0x1  }
.Ltmp0:
0x4e: {  	[smem:$0x7F6] =	sst s0;
	s0 =	simm.s32 @!p1 $0x0;
	(pc) =	sbr.rel .LBB2_1-.Ltmp0, $4  }
0x4f: {  	s3 =	simm.s32 @!p6 $0x0;
	s0 =	simm.s32 @p1 $0x1;
	p1 =	por p5, p3  }
0x50: {  	s3 =	simm.s32 @p6 $0x1;
	[smem:$0x7F7] =	sst s0;
	s0 =	simm.s32 @!p1 $0x0  }
0x51: {  	s24 =	simm.s32 $0x5;
	[smem:$0x7FD] =	sst s3;
	s0 =	simm.s32 @p1 $0x1  }
0x52: {  	s6 =	simm.s32 $0x8;
	[smem:$0x7F8] =	sst s0;
	s0 =	simm.s32 $0x9  }
.LBB2_15:
0x53: {  	s3 =	simm.s32 @!p3 $0x80;
	s7 =	simm.s32 @!p3 $0x7700;
	s8 =	rddreg [dreg:$0xf]  }
0x54: {  	[tilespmem:s7], [sflag:$0x6] =	stream.indirect.gather @!p3 [hbm4b:s4+s3], $0x8, s8, s3, $0xb8;
	[tilespmem:$0x8300] =	vst v63  }
0x55: {  	_ =	swait.ge [sflag:s31], $0x400  }
0x56: {  	[sflag:s31] =	ssyncset.done $0x0  }
0x57: {  	s18 =	rddreg [dreg:$0x11];
	[sflag:s31] =	ssyncadd.s32 $0xFFFFFC00  }
0x58: {  	[spmem:s2] =	stream.indirect.scatter.add.f32 [tilespmem:s28], [sflag:$0xA], $0x8, s18, s17, $0xb8;
	[tilespmem:$0x8300] =	vst v63  }
.LBB2_16:
0x59: {  	s3 =	sld [smem:$0x7F1];
	_ =	sdelay $0x2  }
0x5a: {  	p1 =	seq.s32 s3, $0x1  }
0x5b: {  	s3 =	simm.s32 @!p1 $0xF  }
0x5c: {  	_ =	swait.ge @!p1 [sflag:s3], $0x400  }
0x5d: {  	s11 =	sld [smem:$0x7F3];
	_ =	sdelay $0x1  }
0x5e: {  	[sflag:s3] =	ssyncset.done @!p1 $0x0  }
0x5f: {  	s18 =	sld [smem:$0x7F2];
	[sflag:s3] =	ssyncadd.s32 @!p1 $0xFFFFFC00;
	p1 =	seq.s32 s11, $0x1  }
0x60: {  	s8 =	rddreg [dreg:$0x12];
	s3 =	simm.s32 @!p1 $0x80;
	s7 =	simm.s32 @!p1 $0x7B00  }
0x61: {  	[tilespmem:s7], [sflag:$0x7] =	stream.indirect.gather @!p1 [hbm4b:s4+s3], $0x8, s8, s3, $0xb8;
	[tilespmem:$0x8300] =	vst v63  }
0x62: {  	p1 =	seq.s32 s18, $0x1  }
0x63: {  	s3 =	simm.s32 @!p1 $0x3  }
0x64: {  	_ =	swait.ge @!p1 [sflag:s3], $0x400  }
0x65: {  	s7 =	simm.s32 @!p1 $0x6B00;
	[sflag:s3] =	ssyncset.done @!p1 $0x0  }
0x66: {  	s8 =	rddreg [dreg:$0x13];
	[sflag:s3] =	ssyncadd.s32 @!p1 $0xFFFFFC00;
	s3 =	simm.s32 @!p1 $0x80  }
0x67: {  	[spmem:s2] =	stream.indirect.scatter.add.f32 @!p1 [tilespmem:s7], [sflag:$0xB], $0x8, s8, s3, $0xb8;
	[tilespmem:$0x8300] =	vst v63  }
0x68: {  	s7 =	sld [smem:$0x7F4];
	_ =	sdelay $0x2  }
0x69: {  	p1 =	seq.s32 s7, $0x1  }
0x6a: {  	s3 =	simm.s32 @!p1 $0x10  }
0x6b: {  	_ =	swait.ge @!p1 [sflag:s3], $0x400  }
0x6c: {  	s8 =	sld [smem:$0x7F5];
	_ =	sdelay $0x1  }
0x6d: {  	[sflag:s3] =	ssyncset.done @!p1 $0x0  }
0x6e: {  	[sflag:s3] =	ssyncadd.s32 @!p1 $0xFFFFFC00;
	p1 =	seq.s32 s8, $0x1  }
0x6f: {  	s8 =	rddreg [dreg:$0x15];
	s3 =	simm.s32 @!p1 $0x80;
	s7 =	simm.s32 @!p1 $0x7F00  }
0x70: {  	[tilespmem:s7], [sflag:$0x8] =	stream.indirect.gather @!p1 [hbm4b:s4+s3], $0x8, s8, s3, $0xb8;
	[tilespmem:$0x8300] =	vst v63  }
0x71: {  	s3 =	simm.s32 @!p4 $0x4  }
0x72: {  	_ =	swait.ge @!p4 [sflag:s3], $0x400  }
0x73: {  	s7 =	simm.s32 @!p4 $0x6F00;
	[sflag:s3] =	ssyncset.done @!p4 $0x0;
	s11 =	sld [smem:$0x7F6]  }
0x74: {  	s8 =	rddreg [dreg:$0x16];
	[sflag:s3] =	ssyncadd.s32 @!p4 $0xFFFFFC00;
	s3 =	simm.s32 @!p4 $0x80  }
0x75: {  	[spmem:s2] =	stream.indirect.scatter.add.f32 @!p4 [tilespmem:s7], [sflag:$0xC], $0x8, s8, s3, $0xb8;
	[tilespmem:$0x8300] =	vst v63  }
0x76: {  	p1 =	seq.s32 s11, $0x1  }
0x77: {  	s3 =	simm.s32 @!p1 $0x9  }
0x78: {  	_ =	swait.ge @!p1 [sflag:s3], $0x400  }
0x79: {  	s18 =	sld [smem:$0x7F7];
	_ =	sdelay $0x1  }
0x7a: {  	[sflag:s3] =	ssyncset.done @!p1 $0x0  }
0x7b: {  	[sflag:s3] =	ssyncadd.s32 @!p1 $0xFFFFFC00;
	p1 =	seq.s32 s18, $0x1  }
0x7c: {  	s8 =	rddreg [dreg:$0x17];
	s3 =	simm.s32 @!p1 $0x80;
	s7 =	simm.s32 @!p1 $0x6300  }
0x7d: {  	[tilespmem:s7], [sflag:$0x1] =	stream.indirect.gather @!p1 [hbm4b:s4+s3], $0x8, s8, s3, $0xb8;
	[tilespmem:$0x8300] =	vst v63  }
0x7e: {  	s3 =	simm.s32 @!p0 $0x5  }
0x7f: {  	_ =	swait.ge @!p0 [sflag:s3], $0x400  }
0x80: {  	s8 =	sld [smem:$0x7F9]  }
0x81: {  	[sflag:s3] =	ssyncset.done @!p0 $0x0  }
0x82: {  	s7 =	simm.s32 @!p0 $0x7300;
	[sflag:s3] =	ssyncadd.s32 @!p0 $0xFFFFFC00;
	s3 =	simm.s32 @!p0 $0x80  }
0x83: {  	[spmem:s2] =	stream.indirect.scatter.add.f32 @!p0 [tilespmem:s7], [sflag:$0xD], $0x8, s8, s3, $0xb8;
	[tilespmem:$0x8300] =	vst v63  }
0x84: {  	s7 =	sld [smem:$0x7F8];
	_ =	sdelay $0x2  }
0x85: {  	p2 =	seq.s32 s7, $0x1  }
0x86: {  	s3 =	simm.s32 @!p2 $0xA  }
0x87: {  	_ =	swait.ge @!p2 [sflag:s3], $0x400  }
0x88: {  	s8 =	sld [smem:$0x7E8];
	_ =	sdelay $0x2  }
0x89: {  	[sflag:s3] =	ssyncset.done @!p2 $0x0;
	p5 =	seq.s32 s8, $0x1  }
0x8a: {  	[sflag:s3] =	ssyncadd.s32 @!p2 $0xFFFFFC00;
	p1 =	por p5, p3  }
0x8b: {  	s8 =	rddreg [dreg:$0x18];
	s3 =	simm.s32 @!p1 $0x80;
	s7 =	simm.s32 @!p1 $0x6700  }
0x8c: {  	[tilespmem:s7], [sflag:$0x2] =	stream.indirect.gather @!p1 [hbm4b:s4+s3], $0x8, s8, s3, $0xb8;
	[tilespmem:$0x8300] =	vst v63  }
0x8d: {  	s3 =	simm.s32 @!p3 $0x6  }
0x8e: {  	_ =	swait.ge @!p3 [sflag:s3], $0x400  }
0x8f: {  	s8 =	sld [smem:$0x7FA]  }
0x90: {  	s11 =	rddreg [dreg:$0x10]  }
0x91: {  	s7 =	simm.s32 @!p3 $0x7700;
	[sflag:s3] =	ssyncset.done @!p3 $0x0;
	p1 =	sge.s32 s11, s5  }
0x92: {  	[sflag:s3] =	ssyncadd.s32 @!p3 $0xFFFFFC00;
	s3 =	simm.s32 @!p3 $0x80;
	p2 =	slt.s32 @!p1 s21, $0x0  }
0x93: {  	[spmem:s2] =	stream.indirect.scatter.add.f32 @!p3 [tilespmem:s7], [sflag:$0xE], $0x8, s8, s3, $0xb8;
	[tilespmem:$0x8300] =	vst v63  }
0x94: {  	p2 =	por p2, p1  }
0x95: {  	s3 =	simm.s32 @!p2 $0xB  }
0x96: {  	_ =	swait.ge @!p2 [sflag:s3], $0x400  }
0x97: {  	s7 =	rddreg [dreg:$0x19]  }
0x98: {  	p5 =	sge.s32 @!p1 s7, s5  }
0x99: {  	[sflag:s3] =	ssyncset.done @!p2 $0x0;
	s8 =	rddreg [dreg:$0x1b];
	p5 =	por p5, p1  }
0x9a: {  	[sflag:s3] =	ssyncadd.s32 @!p2 $0xFFFFFC00;
	s3 =	simm.s32 @!p5 $0x80;
	s7 =	simm.s32 @!p5 $0x6B00  }
0x9b: {  	[tilespmem:s7], [sflag:$0x3] =	stream.indirect.gather @!p5 [hbm4b:s4+s3], $0x8, s8, s3, $0xb8;
	[tilespmem:$0x8300] =	vst v63  }
0x9c: {  	s3 =	simm.s32 @!p1 $0x7  }
0x9d: {  	_ =	swait.ge @!p1 [sflag:s3], $0x400  }
0x9e: {  	s8 =	sld [smem:$0x7FB]  }
0x9f: {  	s7 =	simm.s32 @!p1 $0x7B00;
	[sflag:s3] =	ssyncset.done @!p1 $0x0  }
0xa0: {  	s18 =	rddreg [dreg:$0x14];
	[sflag:s3] =	ssyncadd.s32 @!p1 $0xFFFFFC00;
	s3 =	simm.s32 @!p1 $0x80  }
0xa1: {  	[spmem:s2] =	stream.indirect.scatter.add.f32 @!p1 [tilespmem:s7], [sflag:$0xF], $0x8, s8, s3, $0xb8;
	[tilespmem:$0x8300] =	vst v63  }
0xa2: {  	p1 =	sge.s32 s18, s5  }
0xa3: {  	p2 =	slt.s32 @!p1 s21, $0x0  }
0xa4: {  	p2 =	por p2, p1  }
0xa5: {  	s3 =	simm.s32 @!p2 $0xC  }
0xa6: {  	_ =	swait.ge @!p2 [sflag:s3], $0x400  }
0xa7: {  	s7 =	rddreg [dreg:$0x1a]  }
0xa8: {  	p5 =	sge.s32 @!p1 s7, s5  }
0xa9: {  	[sflag:s3] =	ssyncset.done @!p2 $0x0;
	s8 =	rddreg [dreg:$0x1c];
	p5 =	por p5, p1  }
0xaa: {  	[sflag:s3] =	ssyncadd.s32 @!p2 $0xFFFFFC00;
	s3 =	simm.s32 @!p5 $0x80;
	s7 =	simm.s32 @!p5 $0x6F00  }
0xab: {  	[tilespmem:s7], [sflag:$0x4] =	stream.indirect.gather @!p5 [hbm4b:s4+s3], $0x8, s8, s3, $0xb8;
	[tilespmem:$0x8300] =	vst v63  }
0xac: {  	s3 =	simm.s32 @!p1 $0x8  }
0xad: {  	_ =	swait.ge @!p1 [sflag:s3], $0x400  }
0xae: {  	s8 =	sld [smem:$0x7FC]  }
0xaf: {  	[sflag:s3] =	ssyncset.done @!p1 $0x0  }
0xb0: {  	s7 =	simm.s32 @!p1 $0x7F00;
	[sflag:s3] =	ssyncadd.s32 @!p1 $0xFFFFFC00;
	s3 =	simm.s32 @!p1 $0x80  }
0xb1: {  	[spmem:s2] =	stream.indirect.scatter.add.f32 @!p1 [tilespmem:s7], [sflag:$0x10], $0x8, s8, s3, $0xb8;
	[tilespmem:$0x8300] =	vst v63  }
0xb2: {  	s7 =	sld [smem:$0x7EE];
	_ =	sdelay $0x2  }
0xb3: {  	p1 =	slt.s32 s7, s29  }
0xb4: {  	s3 =	simm.s32 @!p1 $0x9  }
0xb5: {  	_ =	swait.ge @!p1 [sflag:s3], $0x400  }
0xb6: {  	s8 =	rddreg [dreg:$0x1d]  }
0xb7: {  	[sflag:s3] =	ssyncset.done @!p1 $0x0;
	p2 =	slt.s32 s8, s29  }
0xb8: {  	[sflag:s3] =	ssyncadd.s32 @!p1 $0xFFFFFC00;
	s3 =	simm.s32 @!p2 $0xA  }
0xb9: {  	_ =	swait.ge @!p2 [sflag:s3], $0x400  }
0xba: {  	s11 =	rddreg [dreg:$0x1e]  }
0xbb: {  	[sflag:s3] =	ssyncset.done @!p2 $0x0;
	p1 =	slt.s32 s11, s29  }
0xbc: {  	[sflag:s3] =	ssyncadd.s32 @!p2 $0xFFFFFC00;
	s3 =	simm.s32 @!p1 $0xB  }
0xbd: {  	_ =	swait.ge @!p1 [sflag:s3], $0x400  }
0xbe: {  	s18 =	rddreg [dreg:$0x1f]  }
0xbf: {  	[sflag:s3] =	ssyncset.done @!p1 $0x0;
	p2 =	slt.s32 s18, s29  }
0xc0: {  	[sflag:s3] =	ssyncadd.s32 @!p1 $0xFFFFFC00;
	s3 =	simm.s32 @!p2 $0xC  }
0xc1: {  	_ =	swait.ge @!p2 [sflag:s3], $0x400  }
0xc2: {  	s8 =	sld [smem:$0x7EA];
	_ =	sdelay $0x2  }
0xc3: {  	[sflag:s3] =	ssyncset.done @!p2 $0x0;
	p1 =	slt.s32 s8, s29  }
0xc4: {  	[sflag:s3] =	ssyncadd.s32 @!p2 $0xFFFFFC00;
	s3 =	simm.s32 @!p1 $0xD  }
0xc5: {  	_ =	swait.ge @!p1 [sflag:s3], $0x400  }
0xc6: {  	s11 =	sld [smem:$0x7EB];
	_ =	sdelay $0x2  }
0xc7: {  	[sflag:s3] =	ssyncset.done @!p1 $0x0;
	p2 =	slt.s32 s11, s29  }
0xc8: {  	[sflag:s3] =	ssyncadd.s32 @!p1 $0xFFFFFC00;
	s3 =	simm.s32 @!p2 $0xE  }
0xc9: {  	_ =	swait.ge @!p2 [sflag:s3], $0x400  }
0xca: {  	s18 =	sld [smem:$0x7EC];
	_ =	sdelay $0x2  }
0xcb: {  	[sflag:s3] =	ssyncset.done @!p2 $0x0;
	p1 =	slt.s32 s18, s29  }
0xcc: {  	[sflag:s3] =	ssyncadd.s32 @!p2 $0xFFFFFC00;
	s3 =	simm.s32 @!p1 $0xF  }
0xcd: {  	_ =	swait.ge @!p1 [sflag:s3], $0x400  }
0xce: {  	s8 =	sld [smem:$0x7ED];
	_ =	sdelay $0x2  }
0xcf: {  	[sflag:s3] =	ssyncset.done @!p1 $0x0;
	p2 =	slt.s32 s8, s29  }
0xd0: {  	[sflag:s3] =	ssyncadd.s32 @!p1 $0xFFFFFC00;
	s3 =	simm.s32 @!p2 $0x10  }
0xd1: {  	_ =	swait.ge @!p2 [sflag:s3], $0x400  }
0xd2: {  	[sflag:s3] =	ssyncset.done @!p2 $0x0  }
0xd3: {  	[sflag:s3] =	ssyncadd.s32 @!p2 $0xFFFFFC00  }
0xd4: {  	[bflag:$0x0] =	sbarrier.arrive $0xFFFF  }
0xd5: {  	s11 =	sld [smem:$0x7EF];
	_ =	sdelay $0x2  }
0xd6: {  	[hbm:s11], [sflag:s22] =	dma.local [spmem:s9], $0x280  }
0xd7: {  	_ =	swait.ge [sflag:s23], $0x280  }
0xd8: {  	s18 =	sld [smem:$0x7F0];
	_ =	sdelay $0x1  }
0xd9: {  	s19 =	sadd.s32 $0x1, s19  }
0xda: {  	p1 =	sne.s32 s19, s18  }
.Ltmp1:
0xdb: {  	_ = 	snop;
	(pc) =	sbr.rel @!p1 .LBB2_17-.Ltmp1, $3  }
0xdc: {  	_ =	sdelay $0x1  }
0xdd: {  	[sflag:s23] =	ssyncset.done $0x0  }
0xde: {  	[sflag:s23] =	ssyncadd.s32 $0xFFFFFD80  }
.LBB2_1:
0xdf: {  	s3 =	rddreg [dreg:$0x7]  }
0xe0: {  	s8 =	rddreg [dreg:$0x8];
	s9 =	sshrl.u32 s3, $0x3  }
0xe1: {  	[spmem:s9], [sflag:s22] =	dma.local [hbm:s8], $0x280  }
0xe2: {  	_ =	swait.ge [sflag:s23], $0x280  }
0xe3: {  	[sflag:s23] =	ssyncset.done $0x0  }
0xe4: {  	s11 =	simm.s32 $0x0;
	s7 =	rddreg [dreg:$0xb];
	[sflag:s23] =	ssyncadd.s32 $0xFFFFFD80  }
0xe5: {  	[tilespmem:s11], [sflag:$0x11] =	stream.linear.gather [hbm4b:s7+s11], $0x2780, $0x38;
	[tilespmem:$0x8300] =	vst v63  }
0xe6: {  	_ =	swait.ge [sflag:s23], $0x2780  }
0xe7: {  	[sflag:s23] =	ssyncset.done $0x0  }
0xe8: {  	s8 =	simm.s32 $0x2780;
	s18 =	rddreg [dreg:$0xc];
	[sflag:s23] =	ssyncadd.s32 $0xFFFFD880  }
0xe9: {  	[tilespmem:s8], [sflag:$0x11] =	stream.linear.gather [hbm4b:s18+s11], $0x2780, $0x38;
	[tilespmem:$0x8300] =	vst v63  }
0xea: {  	_ =	swait.ge [sflag:s23], $0x2780  }
0xeb: {  	[sflag:s23] =	ssyncset.done $0x0  }
0xec: {  	[sflag:s23] =	ssyncadd.s32 $0xFFFFD880  }
0xed: {  	[bflag:$0x0] =	sbarrier.arrive $0xFFFF  }
0xee: {  	[tilespmem:s26], [sflag:$0x1] =	stream.indirect.gather [hbm4b:s4+s17], $0x8, s11, s17, $0xb8;
	[tilespmem:$0x8300] =	vst v63  }
0xef: {  	_ = 	snop  }
0xf0: {  	[tilespmem:s28], [sflag:$0x2] =	stream.indirect.gather [hbm4b:s4+s17], $0x8, s17, s17, $0xb8;
	[tilespmem:$0x8300] =	vst v63  }
.Ltmp2:
0xf1: {  	_ = 	snop;
	(pc) =	sbr.rel @p6 .LBB2_13-.Ltmp2, $4  }
0xf2: {  	s11 =	simm.s32 $0x100  }
0xf3: {  	[tilespmem:s20], [sflag:$0x3] =	stream.indirect.gather [hbm4b:s4+s17], $0x8, s11, s17, $0xb8;
	[tilespmem:$0x8300] =	vst v63  }
0xf4: {  	s18 =	simm.s32 $0x180  }
0xf5: {  	[tilespmem:s30], [sflag:$0x4] =	stream.indirect.gather [hbm4b:s4+s17], $0x8, s18, s17, $0xb8;
	[tilespmem:$0x8300] =	vst v63  }
0xf6: {  	s3 =	sadd.s32 $0xFFFFFFFF, s21  }
0xf7: {  	p5 =	sne.s32 s3, $0x0  }
.Ltmp3:
0xf8: {  	_ = 	snop;
	(pc) =	sbr.rel @!p5 .LBB2_3-.Ltmp3, $3  }
0xf9: {  	_ =	sdelay $0x1  }
0xfa: {  	[smem:$0x7E6] =	sst s9;
	p1 =	por $0x1, $0x1  }
0xfb: {  	s11 =	simm.s32 $0x1000;
	p6 =	por p1, p1;
	p1 =	por $0x0, $0x0  }
0xfc: {  	s9 =	simm.s32 @!p6 $0xD  }
0xfd: {  	p1 =	sle.s32 s5, $0x4;
	_ =	swait.ge @!p6 [sflag:s9], $0x400  }
0xfe: {  	s18 =	simm.s32 @!p1 $0x7300;
	[sflag:s9] =	ssyncset.done @!p6 $0x0  }
0xff: {  	s21 =	simm.s32 @!p1 $0x80;
	[sflag:s9] =	ssyncadd.s32 @!p6 $0xFFFFFC00;
	s9 =	simm.s32 @!p1 $0x200  }
0x100: {  	[tilespmem:s18], [sflag:$0x5] =	stream.indirect.gather @!p1 [hbm4b:s4+s21], $0x8, s9, s21, $0xb8;
	[tilespmem:$0x8300] =	vst v63  }
0x101: {  	_ =	swait.ge [sflag:s10], $0x400  }
0x102: {  	[sflag:s10] =	ssyncset.done $0x0  }
0x103: {  	s22 =	simm.s32 $0x2780;
	s18 =	simm.s32 @!p6 $0xE;
	[sflag:s10] =	ssyncadd.s32 $0xFFFFFC00  }
0x104: {  	[spmem:s2] =	stream.indirect.scatter.add.f32 [tilespmem:s26], [sflag:$0x9], $0x8, s22, s17, $0xb8;
	[tilespmem:$0x8300] =	vst v63  }
0x105: {  	p1 =	sle.s32 s5, $0x5;
	_ =	swait.ge @!p6 [sflag:s18], $0x400  }
0x106: {  	s9 =	simm.s32 @!p1 $0x7700;
	[sflag:s18] =	ssyncset.done @!p6 $0x0  }
0x107: {  	s21 =	simm.s32 @!p1 $0x80;
	[sflag:s18] =	ssyncadd.s32 @!p6 $0xFFFFFC00;
	s18 =	simm.s32 @!p1 $0x280  }
0x108: {  	[tilespmem:s9], [sflag:$0x6] =	stream.indirect.gather @!p1 [hbm4b:s4+s21], $0x8, s18, s21, $0xb8;
	[tilespmem:$0x8300] =	vst v63  }
0x109: {  	_ =	swait.ge [sflag:s31], $0x400  }
0x10a: {  	[sflag:s31] =	ssyncset.done $0x0  }
0x10b: {  	s7 =	simm.s32 $0x2800;
	s18 =	simm.s32 @!p6 $0xF;
	[sflag:s31] =	ssyncadd.s32 $0xFFFFFC00  }
0x10c: {  	[spmem:s2] =	stream.indirect.scatter.add.f32 [tilespmem:s28], [sflag:$0xA], $0x8, s7, s17, $0xb8;
	[tilespmem:$0x8300] =	vst v63  }
0x10d: {  	p1 =	sle.s32 s5, $0x6;
	_ =	swait.ge @!p6 [sflag:s18], $0x400  }
0x10e: {  	s9 =	simm.s32 @!p1 $0x80;
	[sflag:s18] =	ssyncset.done @!p6 $0x0  }
0x10f: {  	s21 =	simm.s32 @!p1 $0x7B00;
	[sflag:s18] =	ssyncadd.s32 @!p6 $0xFFFFFC00;
	s18 =	simm.s32 @!p1 $0x300  }
0x110: {  	[tilespmem:s21], [sflag:$0x7] =	stream.indirect.gather @!p1 [hbm4b:s4+s9], $0x8, s18, s9, $0xb8;
	[tilespmem:$0x8300] =	vst v63  }
0x111: {  	_ =	swait.ge [sflag:s1], $0x400  }
0x112: {  	[sflag:s1] =	ssyncset.done $0x0  }
0x113: {  	s8 =	simm.s32 $0x2880;
	s18 =	simm.s32 @!p6 $0x10;
	[sflag:s1] =	ssyncadd.s32 $0xFFFFFC00  }
0x114: {  	[spmem:s2] =	stream.indirect.scatter.add.f32 [tilespmem:s20], [sflag:$0xB], $0x8, s8, s17, $0xb8;
	[tilespmem:$0x8300] =	vst v63  }
0x115: {  	p1 =	sle.s32 s5, $0x7;
	_ =	swait.ge @!p6 [sflag:s18], $0x400  }
0x116: {  	s9 =	simm.s32 @!p1 $0x7F00;
	[sflag:s18] =	ssyncset.done @!p6 $0x0  }
0x117: {  	s21 =	simm.s32 @!p1 $0x80;
	[sflag:s18] =	ssyncadd.s32 @!p6 $0xFFFFFC00;
	s18 =	simm.s32 @!p1 $0x380  }
0x118: {  	[tilespmem:s9], [sflag:$0x8] =	stream.indirect.gather @!p1 [hbm4b:s4+s21], $0x8, s18, s21, $0xb8;
	[tilespmem:$0x8300] =	vst v63  }
0x119: {  	_ =	swait.ge [sflag:s15], $0x400  }
0x11a: {  	[sflag:s15] =	ssyncset.done $0x0  }
0x11b: {  	s18 =	simm.s32 $0x2900;
	[sflag:s15] =	ssyncadd.s32 $0xFFFFFC00  }
0x11c: {  	[spmem:s2] =	stream.indirect.scatter.add.f32 [tilespmem:s30], [sflag:$0xC], $0x8, s18, s17, $0xb8;
	[tilespmem:$0x8300] =	vst v63  }
0x11d: {  	p1 =	sle.s32 s5, $0x8;
	_ =	swait.ge [sflag:s0], $0x400  }
0x11e: {  	s9 =	simm.s32 @!p1 $0x6300;
	[sflag:s0] =	ssyncset.done $0x0  }
0x11f: {  	s21 =	simm.s32 @!p1 $0x80;
	s18 =	simm.s32 @!p1 $0x400;
	[sflag:s0] =	ssyncadd.s32 $0xFFFFFC00  }
0x120: {  	[tilespmem:s9], [sflag:$0x1] =	stream.indirect.gather @!p1 [hbm4b:s4+s21], $0x8, s18, s21, $0xb8;
	[tilespmem:$0x8300] =	vst v63  }
0x121: {  	_ =	swait.ge [sflag:s24], $0x400  }
0x122: {  	[sflag:s24] =	ssyncset.done $0x0  }
0x123: {  	s22 =	simm.s32 $0x2980;
	s21 =	rddreg [dreg:$0x3];
	[sflag:s24] =	ssyncadd.s32 $0xFFFFFC00  }
0x124: {  	[spmem:s2] =	stream.indirect.scatter.add.f32 [tilespmem:s21], [sflag:$0xD], $0x8, s22, s17, $0xb8;
	[tilespmem:$0x8300] =	vst v63  }
0x125: {  	p1 =	sle.s32 s5, $0x9;
	_ =	swait.ge [sflag:s13], $0x400  }
0x126: {  	s9 =	simm.s32 @!p1 $0x6700;
	[sflag:s13] =	ssyncset.done $0x0  }
0x127: {  	s18 =	simm.s32 @!p1 $0x480;
	s21 =	simm.s32 @!p1 $0x80;
	[sflag:s13] =	ssyncadd.s32 $0xFFFFFC00  }
0x128: {  	[tilespmem:s9], [sflag:$0x2] =	stream.indirect.gather @!p1 [hbm4b:s4+s21], $0x8, s18, s21, $0xb8;
	[tilespmem:$0x8300] =	vst v63  }
0x129: {  	_ =	swait.ge [sflag:s25], $0x400  }
0x12a: {  	[sflag:s25] =	ssyncset.done $0x0  }
0x12b: {  	s8 =	simm.s32 $0x2A00;
	s7 =	rddreg [dreg:$0x4];
	[sflag:s25] =	ssyncadd.s32 $0xFFFFFC00  }
0x12c: {  	[spmem:s2] =	stream.indirect.scatter.add.f32 [tilespmem:s7], [sflag:$0xE], $0x8, s8, s17, $0xb8;
	[tilespmem:$0x8300] =	vst v63  }
0x12d: {  	p1 =	sle.s32 s5, $0xA;
	_ =	swait.ge [sflag:s16], $0x400  }
0x12e: {  	s9 =	simm.s32 @!p1 $0x6B00;
	[sflag:s16] =	ssyncset.done $0x0  }
0x12f: {  	s18 =	simm.s32 @!p1 $0x500;
	s21 =	simm.s32 @!p1 $0x80;
	[sflag:s16] =	ssyncadd.s32 $0xFFFFFC00  }
0x130: {  	[tilespmem:s9], [sflag:$0x3] =	stream.indirect.gather @!p1 [hbm4b:s4+s21], $0x8, s18, s21, $0xb8;
	[tilespmem:$0x8300] =	vst v63  }
0x131: {  	_ =	swait.ge [sflag:s12], $0x400  }
0x132: {  	[sflag:s12] =	ssyncset.done $0x0  }
0x133: {  	s22 =	simm.s32 $0x2A80;
	s21 =	rddreg [dreg:$0x5];
	[sflag:s12] =	ssyncadd.s32 $0xFFFFFC00  }
0x134: {  	[spmem:s2] =	stream.indirect.scatter.add.f32 [tilespmem:s21], [sflag:$0xF], $0x8, s22, s17, $0xb8;
	[tilespmem:$0x8300] =	vst v63  }
0x135: {  	p1 =	sle.s32 s5, $0xB;
	_ =	swait.ge [sflag:s14], $0x400  }
0x136: {  	s9 =	simm.s32 @!p1 $0x6F00;
	[sflag:s14] =	ssyncset.done $0x0  }
0x137: {  	s18 =	simm.s32 @!p1 $0x580;
	s21 =	simm.s32 @!p1 $0x80;
	[sflag:s14] =	ssyncadd.s32 $0xFFFFFC00  }
0x138: {  	[tilespmem:s9], [sflag:$0x4] =	stream.indirect.gather @!p1 [hbm4b:s4+s21], $0x8, s18, s21, $0xb8;
	[tilespmem:$0x8300] =	vst v63  }
0x139: {  	s21 =	sadd.s32 $0xFFFFFFFF, s3  }
0x13a: {  	p5 =	sne.s32 s21, $0x0  }
.Ltmp4:
0x13b: {  	_ = 	snop;
	(pc) =	sbr.rel @!p5 .LBB2_5-.Ltmp4, $4  }
0x13c: {  	p6 =	por $0x0, $0x0  }
0x13d: {  	p6 =	por p6, p6;
	_ =	swait.ge [sflag:s6], $0x400  }
0x13e: {  	s22 =	simm.s32 $0x2000;
	s3 =	simm.s32 $0x2B00;
	[sflag:s6] =	ssyncset.done $0x0  }
0x13f: {  	s18 =	simm.s32 $0x13;
	s9 =	rddreg [dreg:$0x6];
	[sflag:s6] =	ssyncadd.s32 $0xFFFFFC00  }
.LBB2_6:
0x140: {  	[spmem:s2] =	stream.indirect.scatter.add.f32 [tilespmem:s9], [sflag:$0x10], $0x8, s3, s17, $0xb8;
	[tilespmem:$0x8300] =	vst v63  }
0x141: {  	s3 =	simm.s32 @!p6 $0xD;
	s7 =	sadd.s32 $0xFFFFFFF9, s18  }
0x142: {  	_ =	swait.ge @!p6 [sflag:s3], $0x400;
	p1 =	sge.s32 s7, s5  }
0x143: {  	[sflag:s3] =	ssyncset.done @!p6 $0x0;
	s9 =	sshra.s32 @!p1 s11, $0x2;
	s8 =	simm.s32 @!p1 $0x7300  }
0x144: {  	[sflag:s3] =	ssyncadd.s32 @!p6 $0xFFFFFC00;
	s3 =	sadd.s32 @!p1 $0x200, s9;
	s9 =	simm.s32 @!p1 $0x80  }
0x145: {  	[tilespmem:s8], [sflag:$0x5] =	stream.indirect.gather @!p1 [hbm4b:s4+s9], $0x8, s3, s9, $0xb8;
	[tilespmem:$0x8300] =	vst v63  }
0x146: {  	_ =	swait.ge [sflag:s10], $0x400  }
0x147: {  	s7 =	simm.s32 @!p6 $0xE;
	s3 =	sshra.s32 s11, $0x2;
	[sflag:s10] =	ssyncset.done $0x0  }
0x148: {  	s8 =	sadd.s32 $0xFFFFFFFA, s18;
	s9 =	sadd.s32 $0x2780, s3;
	[sflag:s10] =	ssyncadd.s32 $0xFFFFFC00  }
0x149: {  	[spmem:s2] =	stream.indirect.scatter.add.f32 [tilespmem:s26], [sflag:$0x9], $0x8, s9, s17, $0xb8;
	[tilespmem:$0x8300] =	vst v63  }
0x14a: {  	p2 =	sge.s32 s8, s5;
	_ =	swait.ge @!p6 [sflag:s7], $0x400  }
0x14b: {  	s8 =	sshra.s32 @!p2 s11, $0x2;
	s9 =	simm.s32 @!p2 $0x7700;
	[sflag:s7] =	ssyncset.done @!p6 $0x0  }
0x14c: {  	[sflag:s7] =	ssyncadd.s32 @!p6 $0xFFFFFC00;
	s7 =	sadd.s32 @!p2 $0x280, s8;
	s8 =	simm.s32 @!p2 $0x80  }
0x14d: {  	[tilespmem:s9], [sflag:$0x6] =	stream.indirect.gather @!p2 [hbm4b:s4+s8], $0x8, s7, s8, $0xb8;
	[tilespmem:$0x8300] =	vst v63  }
0x14e: {  	_ =	swait.ge [sflag:s31], $0x400  }
0x14f: {  	s7 =	sadd.s32 $0xFFFFFFFB, s18;
	s8 =	sadd.s32 $0x2800, s3;
	[sflag:s31] =	ssyncset.done $0x0  }
0x150: {  	s9 =	simm.s32 @!p6 $0xF;
	p2 =	sge.s32 s7, s5;
	[sflag:s31] =	ssyncadd.s32 $0xFFFFFC00  }
0x151: {  	[spmem:s2] =	stream.indirect.scatter.add.f32 [tilespmem:s28], [sflag:$0xA], $0x8, s8, s17, $0xb8;
	[tilespmem:$0x8300] =	vst v63  }
0x152: {  	s7 =	sshra.s32 @!p2 s11, $0x2;
	_ =	swait.ge @!p6 [sflag:s9], $0x400  }
0x153: {  	s7 =	sadd.s32 @!p2 $0x300, s7;
	[sflag:s9] =	ssyncset.done @!p6 $0x0  }
0x154: {  	s8 =	simm.s32 @!p2 $0x80;
	[sflag:s9] =	ssyncadd.s32 @!p6 $0xFFFFFC00;
	s9 =	simm.s32 @!p2 $0x7B00  }
0x155: {  	[tilespmem:s9], [sflag:$0x7] =	stream.indirect.gather @!p2 [hbm4b:s4+s8], $0x8, s7, s8, $0xb8;
	[tilespmem:$0x8300] =	vst v63  }
0x156: {  	_ =	swait.ge [sflag:s1], $0x400  }
0x157: {  	s7 =	sadd.s32 $0xFFFFFFFC, s18;
	s8 =	sadd.s32 $0x2880, s3;
	[sflag:s1] =	ssyncset.done $0x0  }
0x158: {  	s9 =	simm.s32 @!p6 $0x10;
	p2 =	sge.s32 s7, s5;
	[sflag:s1] =	ssyncadd.s32 $0xFFFFFC00  }
0x159: {  	[spmem:s2] =	stream.indirect.scatter.add.f32 [tilespmem:s20], [sflag:$0xB], $0x8, s8, s17, $0xb8;
	[tilespmem:$0x8300] =	vst v63  }
0x15a: {  	s7 =	sshra.s32 @!p2 s11, $0x2;
	_ =	swait.ge @!p6 [sflag:s9], $0x400  }
0x15b: {  	s7 =	sadd.s32 @!p2 $0x380, s7;
	[sflag:s9] =	ssyncset.done @!p6 $0x0  }
0x15c: {  	s8 =	simm.s32 @!p2 $0x7F00;
	[sflag:s9] =	ssyncadd.s32 @!p6 $0xFFFFFC00;
	s9 =	simm.s32 @!p2 $0x80  }
0x15d: {  	[tilespmem:s8], [sflag:$0x8] =	stream.indirect.gather @!p2 [hbm4b:s4+s9], $0x8, s7, s9, $0xb8;
	[tilespmem:$0x8300] =	vst v63  }
0x15e: {  	_ =	swait.ge [sflag:s15], $0x400  }
0x15f: {  	[sflag:s15] =	ssyncset.done $0x0  }
0x160: {  	s8 =	sadd.s32 $0x2900, s3;
	s9 =	sadd.s32 $0xFFFFFFFD, s18;
	[sflag:s15] =	ssyncadd.s32 $0xFFFFFC00  }
0x161: {  	[spmem:s2] =	stream.indirect.scatter.add.f32 [tilespmem:s30], [sflag:$0xC], $0x8, s8, s17, $0xb8;
	[tilespmem:$0x8300] =	vst v63  }
0x162: {  	p2 =	sge.s32 s9, s5;
	_ =	swait.ge [sflag:s0], $0x400  }
0x163: {  	s7 =	sshra.s32 @!p2 s11, $0x2;
	s9 =	simm.s32 @!p2 $0x80;
	[sflag:s0] =	ssyncset.done $0x0  }
0x164: {  	s7 =	sadd.s32 @!p2 $0x400, s7;
	s8 =	simm.s32 @!p2 $0x6300;
	[sflag:s0] =	ssyncadd.s32 $0xFFFFFC00  }
0x165: {  	[tilespmem:s8], [sflag:$0x1] =	stream.indirect.gather @!p2 [hbm4b:s4+s9], $0x8, s7, s9, $0xb8;
	[tilespmem:$0x8300] =	vst v63  }
0x166: {  	_ =	swait.ge [sflag:s24], $0x400  }
0x167: {  	s8 =	sadd.s32 $0x2980, s3;
	[sflag:s24] =	ssyncset.done $0x0  }
0x168: {  	s9 =	sadd.s32 $0xFFFFFFFE, s18;
	s7 =	rddreg [dreg:$0x3];
	[sflag:s24] =	ssyncadd.s32 $0xFFFFFC00  }
0x169: {  	[spmem:s2] =	stream.indirect.scatter.add.f32 [tilespmem:s7], [sflag:$0xD], $0x8, s8, s17, $0xb8;
	[tilespmem:$0x8300] =	vst v63  }
0x16a: {  	p2 =	sge.s32 s9, s5;
	_ =	swait.ge [sflag:s13], $0x400  }
0x16b: {  	s9 =	simm.s32 @!p2 $0x80;
	s7 =	sshra.s32 @!p2 s11, $0x2;
	[sflag:s13] =	ssyncset.done $0x0  }
0x16c: {  	s8 =	simm.s32 @!p2 $0x6700;
	s7 =	sadd.s32 @!p2 $0x480, s7;
	[sflag:s13] =	ssyncadd.s32 $0xFFFFFC00  }
0x16d: {  	[tilespmem:s8], [sflag:$0x2] =	stream.indirect.gather @!p2 [hbm4b:s4+s9], $0x8, s7, s9, $0xb8;
	[tilespmem:$0x8300] =	vst v63  }
0x16e: {  	_ =	swait.ge [sflag:s25], $0x400  }
0x16f: {  	s8 =	sadd.s32 $0x2A00, s3;
	[sflag:s25] =	ssyncset.done $0x0  }
0x170: {  	s9 =	sadd.s32 $0xFFFFFFFF, s18;
	s7 =	rddreg [dreg:$0x4];
	[sflag:s25] =	ssyncadd.s32 $0xFFFFFC00  }
0x171: {  	[spmem:s2] =	stream.indirect.scatter.add.f32 [tilespmem:s7], [sflag:$0xE], $0x8, s8, s17, $0xb8;
	[tilespmem:$0x8300] =	vst v63  }
0x172: {  	p2 =	sge.s32 s9, s5;
	_ =	swait.ge [sflag:s16], $0x400  }
0x173: {  	s9 =	simm.s32 @!p2 $0x80;
	s7 =	sshra.s32 @!p2 s11, $0x2;
	[sflag:s16] =	ssyncset.done $0x0  }
0x174: {  	s8 =	simm.s32 @!p2 $0x6B00;
	s7 =	sadd.s32 @!p2 $0x500, s7;
	[sflag:s16] =	ssyncadd.s32 $0xFFFFFC00  }
0x175: {  	[tilespmem:s8], [sflag:$0x3] =	stream.indirect.gather @!p2 [hbm4b:s4+s9], $0x8, s7, s9, $0xb8;
	[tilespmem:$0x8300] =	vst v63  }
0x176: {  	p5 =	seq.s32 s22, $0x0;
	_ =	swait.ge [sflag:s12], $0x400  }
0x177: {  	s21 =	sadd.s32 $0xFFFFFFFF, s21;
	s9 =	sadd.s32 $0x2A80, s3;
	[sflag:s12] =	ssyncset.done $0x0  }
0x178: {  	p2 =	sge.s32 s18, s5;
	s8 =	rddreg [dreg:$0x5];
	[sflag:s12] =	ssyncadd.s32 $0xFFFFFC00  }
0x179: {  	[spmem:s2] =	stream.indirect.scatter.add.f32 [tilespmem:s8], [sflag:$0xF], $0x8, s9, s17, $0xb8;
	[tilespmem:$0x8300] =	vst v63  }
0x17a: {  	p1 =	sne.s32 s21, $0x0;
	s7 =	sshra.s32 @!p2 s11, $0x2;
	_ =	swait.ge [sflag:s14], $0x400  }
0x17b: {  	s7 =	sadd.s32 @!p2 $0x580, s7;
	s8 =	simm.s32 @!p2 $0x6F00;
	[sflag:s14] =	ssyncset.done $0x0  }
.Ltmp5:
0x17c: {  	s9 =	simm.s32 @!p2 $0x80;
	[sflag:s14] =	ssyncadd.s32 $0xFFFFFC00;
	(pc) =	sbr.rel @p1 .LBB2_6-.Ltmp5, $4  }
0x17d: {  	[tilespmem:s8], [sflag:$0x4] =	stream.indirect.gather @!p2 [hbm4b:s4+s9], $0x8, s7, s9, $0xb8;
	[tilespmem:$0x8300] =	vst v63  }
0x17e: {  	p6 =	por p5, p5;
	s3 =	sadd.s32 $0x2B00, s3;
	_ =	swait.ge [sflag:s6], $0x400  }
0x17f: {  	s18 =	sadd.s32 $0x8, s18;
	s11 =	smov.u32 s22;
	[sflag:s6] =	ssyncset.done $0x0  }
0x180: {  	s22 =	sadd.s32 $0x1000, s22;
	s9 =	rddreg [dreg:$0x6];
	[sflag:s6] =	ssyncadd.s32 $0xFFFFFC00  }
0x181: {  	s21 =	rddreg [dreg:$0x9]  }
0x182: {  	s22 =	rddreg [dreg:$0xa];
	p1 =	por $0x1, $0x1  }
.LBB2_8:
0x183: {  	[spmem:s2] =	stream.indirect.scatter.add.f32 @p1 [tilespmem:s9], [sflag:$0x10], $0x8, s3, s17, $0xb8;
	[tilespmem:$0x8300] =	vst v63  }
0x184: {  	s3 =	simm.s32 @!p6 $0xD;
	s7 =	sadd.s32 $0xFFFFFFF9, s18  }
0x185: {  	_ =	swait.ge @!p6 [sflag:s3], $0x400;
	p1 =	sge.s32 s7, s5  }
0x186: {  	[sflag:s3] =	ssyncset.done @!p6 $0x0;
	s7 =	sshra.s32 @!p1 s11, $0x2;
	s8 =	simm.s32 @!p1 $0x7300  }
0x187: {  	[sflag:s3] =	ssyncadd.s32 @!p6 $0xFFFFFC00;
	s3 =	sadd.s32 @!p1 $0x200, s7;
	s7 =	simm.s32 @!p1 $0x80  }
0x188: {  	[tilespmem:s8], [sflag:$0x5] =	stream.indirect.gather @!p1 [hbm4b:s4+s7], $0x8, s3, s7, $0xb8;
	[tilespmem:$0x8300] =	vst v63  }
0x189: {  	s9 =	simm.s32 @!p6 $0xE;
	_ =	swait.ge [sflag:s10], $0x400  }
0x18a: {  	s3 =	sshra.s32 s11, $0x2;
	s7 =	sadd.s32 $0xFFFFFFFA, s18;
	[sflag:s10] =	ssyncset.done $0x0  }
0x18b: {  	s8 =	sadd.s32 $0x2780, s3;
	p1 =	sge.s32 s7, s5;
	[sflag:s10] =	ssyncadd.s32 $0xFFFFFC00  }
0x18c: {  	[spmem:s2] =	stream.indirect.scatter.add.f32 [tilespmem:s26], [sflag:$0x9], $0x8, s8, s17, $0xb8;
	[tilespmem:$0x8300] =	vst v63  }
0x18d: {  	s7 =	sshra.s32 @!p1 s11, $0x2;
	_ =	swait.ge @!p6 [sflag:s9], $0x400  }
0x18e: {  	s7 =	sadd.s32 @!p1 $0x280, s7;
	[sflag:s9] =	ssyncset.done @!p6 $0x0  }
0x18f: {  	s8 =	simm.s32 @!p1 $0x7700;
	[sflag:s9] =	ssyncadd.s32 @!p6 $0xFFFFFC00;
	s9 =	simm.s32 @!p1 $0x80  }
0x190: {  	[tilespmem:s8], [sflag:$0x6] =	stream.indirect.gather @!p1 [hbm4b:s4+s9], $0x8, s7, s9, $0xb8;
	[tilespmem:$0x8300] =	vst v63  }
0x191: {  	_ =	swait.ge [sflag:s31], $0x400  }
0x192: {  	s7 =	sadd.s32 $0xFFFFFFFB, s18;
	s8 =	sadd.s32 $0x2800, s3;
	[sflag:s31] =	ssyncset.done $0x0  }
0x193: {  	s9 =	simm.s32 @!p6 $0xF;
	p1 =	sge.s32 s7, s5;
	[sflag:s31] =	ssyncadd.s32 $0xFFFFFC00  }
0x194: {  	[spmem:s2] =	stream.indirect.scatter.add.f32 [tilespmem:s28], [sflag:$0xA], $0x8, s8, s17, $0xb8;
	[tilespmem:$0x8300] =	vst v63  }
0x195: {  	s7 =	sshra.s32 @!p1 s11, $0x2;
	_ =	swait.ge @!p6 [sflag:s9], $0x400  }
0x196: {  	s7 =	sadd.s32 @!p1 $0x300, s7;
	[sflag:s9] =	ssyncset.done @!p6 $0x0  }
0x197: {  	s8 =	simm.s32 @!p1 $0x80;
	[sflag:s9] =	ssyncadd.s32 @!p6 $0xFFFFFC00;
	s9 =	simm.s32 @!p1 $0x7B00  }
0x198: {  	[tilespmem:s9], [sflag:$0x7] =	stream.indirect.gather @!p1 [hbm4b:s4+s8], $0x8, s7, s8, $0xb8;
	[tilespmem:$0x8300] =	vst v63  }
0x199: {  	_ =	swait.ge [sflag:s1], $0x400  }
0x19a: {  	s7 =	sadd.s32 $0xFFFFFFFC, s18;
	s8 =	sadd.s32 $0x2880, s3;
	[sflag:s1] =	ssyncset.done $0x0  }
0x19b: {  	s9 =	simm.s32 @!p6 $0x10;
	p1 =	sge.s32 s7, s5;
	[sflag:s1] =	ssyncadd.s32 $0xFFFFFC00  }
0x19c: {  	[spmem:s2] =	stream.indirect.scatter.add.f32 [tilespmem:s20], [sflag:$0xB], $0x8, s8, s17, $0xb8;
	[tilespmem:$0x8300] =	vst v63  }
0x19d: {  	s7 =	sshra.s32 @!p1 s11, $0x2;
	_ =	swait.ge @!p6 [sflag:s9], $0x400  }
0x19e: {  	s7 =	sadd.s32 @!p1 $0x380, s7;
	[sflag:s9] =	ssyncset.done @!p6 $0x0  }
0x19f: {  	s8 =	simm.s32 @!p1 $0x7F00;
	[sflag:s9] =	ssyncadd.s32 @!p6 $0xFFFFFC00;
	s9 =	simm.s32 @!p1 $0x80  }
0x1a0: {  	[tilespmem:s8], [sflag:$0x8] =	stream.indirect.gather @!p1 [hbm4b:s4+s9], $0x8, s7, s9, $0xb8;
	[tilespmem:$0x8300] =	vst v63  }
0x1a1: {  	_ =	swait.ge [sflag:s15], $0x400  }
0x1a2: {  	[sflag:s15] =	ssyncset.done $0x0  }
0x1a3: {  	s8 =	sadd.s32 $0x2900, s3;
	s9 =	sadd.s32 $0xFFFFFFFD, s18;
	[sflag:s15] =	ssyncadd.s32 $0xFFFFFC00  }
0x1a4: {  	[spmem:s2] =	stream.indirect.scatter.add.f32 [tilespmem:s30], [sflag:$0xC], $0x8, s8, s17, $0xb8;
	[tilespmem:$0x8300] =	vst v63  }
0x1a5: {  	p1 =	sge.s32 s9, s5;
	_ =	swait.ge [sflag:s0], $0x400  }
0x1a6: {  	s7 =	sshra.s32 @!p1 s11, $0x2;
	s9 =	simm.s32 @!p1 $0x80;
	[sflag:s0] =	ssyncset.done $0x0  }
0x1a7: {  	s7 =	sadd.s32 @!p1 $0x400, s7;
	s8 =	simm.s32 @!p1 $0x6300;
	[sflag:s0] =	ssyncadd.s32 $0xFFFFFC00  }
0x1a8: {  	[tilespmem:s8], [sflag:$0x1] =	stream.indirect.gather @!p1 [hbm4b:s4+s9], $0x8, s7, s9, $0xb8;
	[tilespmem:$0x8300] =	vst v63  }
0x1a9: {  	_ =	swait.ge [sflag:s24], $0x400  }
0x1aa: {  	s8 =	sadd.s32 $0x2980, s3;
	[sflag:s24] =	ssyncset.done $0x0  }
0x1ab: {  	s9 =	sadd.s32 $0xFFFFFFFE, s18;
	s7 =	rddreg [dreg:$0x3];
	[sflag:s24] =	ssyncadd.s32 $0xFFFFFC00  }
0x1ac: {  	[spmem:s2] =	stream.indirect.scatter.add.f32 [tilespmem:s7], [sflag:$0xD], $0x8, s8, s17, $0xb8;
	[tilespmem:$0x8300] =	vst v63  }
0x1ad: {  	p1 =	sge.s32 s9, s5;
	_ =	swait.ge [sflag:s13], $0x400  }
0x1ae: {  	s9 =	simm.s32 @!p1 $0x80;
	s7 =	sshra.s32 @!p1 s11, $0x2;
	[sflag:s13] =	ssyncset.done $0x0  }
0x1af: {  	s8 =	simm.s32 @!p1 $0x6700;
	s7 =	sadd.s32 @!p1 $0x480, s7;
	[sflag:s13] =	ssyncadd.s32 $0xFFFFFC00  }
0x1b0: {  	[tilespmem:s8], [sflag:$0x2] =	stream.indirect.gather @!p1 [hbm4b:s4+s9], $0x8, s7, s9, $0xb8;
	[tilespmem:$0x8300] =	vst v63  }
0x1b1: {  	_ =	swait.ge [sflag:s25], $0x400  }
0x1b2: {  	s8 =	sadd.s32 $0x2A00, s3;
	[sflag:s25] =	ssyncset.done $0x0  }
0x1b3: {  	s9 =	sadd.s32 $0xFFFFFFFF, s18;
	s7 =	rddreg [dreg:$0x4];
	[sflag:s25] =	ssyncadd.s32 $0xFFFFFC00  }
0x1b4: {  	[spmem:s2] =	stream.indirect.scatter.add.f32 [tilespmem:s7], [sflag:$0xE], $0x8, s8, s17, $0xb8;
	[tilespmem:$0x8300] =	vst v63  }
0x1b5: {  	p1 =	sge.s32 s9, s5;
	_ =	swait.ge [sflag:s16], $0x400  }
0x1b6: {  	s9 =	simm.s32 @!p1 $0x80;
	s7 =	sshra.s32 @!p1 s11, $0x2;
	[sflag:s16] =	ssyncset.done $0x0  }
0x1b7: {  	s8 =	simm.s32 @!p1 $0x6B00;
	s7 =	sadd.s32 @!p1 $0x500, s7;
	[sflag:s16] =	ssyncadd.s32 $0xFFFFFC00  }
0x1b8: {  	[tilespmem:s8], [sflag:$0x3] =	stream.indirect.gather @!p1 [hbm4b:s4+s9], $0x8, s7, s9, $0xb8;
	[tilespmem:$0x8300] =	vst v63  }
0x1b9: {  	_ =	swait.ge [sflag:s12], $0x400  }
0x1ba: {  	s9 =	sadd.s32 $0x2A80, s3;
	[sflag:s12] =	ssyncset.done $0x0  }
0x1bb: {  	p1 =	sge.s32 s18, s5;
	s8 =	rddreg [dreg:$0x5];
	[sflag:s12] =	ssyncadd.s32 $0xFFFFFC00  }
0x1bc: {  	[spmem:s2] =	stream.indirect.scatter.add.f32 [tilespmem:s8], [sflag:$0xF], $0x8, s9, s17, $0xb8;
	[tilespmem:$0x8300] =	vst v63  }
0x1bd: {  	s7 =	sshra.s32 @!p1 s11, $0x2;
	_ =	swait.ge [sflag:s14], $0x400  }
0x1be: {  	s7 =	sadd.s32 @!p1 $0x580, s7;
	[sflag:s14] =	ssyncset.done $0x0  }
0x1bf: {  	s8 =	simm.s32 @!p1 $0x6F00;
	s9 =	simm.s32 @!p1 $0x80;
	[sflag:s14] =	ssyncadd.s32 $0xFFFFFC00  }
0x1c0: {  	[tilespmem:s8], [sflag:$0x4] =	stream.indirect.gather @!p1 [hbm4b:s4+s9], $0x8, s7, s9, $0xb8;
	[tilespmem:$0x8300] =	vst v63  }
0x1c1: {  	_ =	swait.ge [sflag:s6], $0x400  }
0x1c2: {  	s11 =	sld [smem:$0x7E9];
	_ =	sdelay $0x2  }
0x1c3: {  	p1 =	seq.s32 s11, $0x1  }
.Ltmp6:
0x1c4: {  	_ = 	snop;
	(pc) =	sbr.rel @!p1 .LBB2_11-.Ltmp6, $4  }
0x1c5: {  	[sflag:s6] =	ssyncset.done $0x0;
	s18 =	sld [smem:$0x7FD]  }
0x1c6: {  	s3 =	sadd.s32 $0x2B00, s3;
	s9 =	rddreg [dreg:$0x6];
	[sflag:s6] =	ssyncadd.s32 $0xFFFFFC00  }
0x1c7: {  	[spmem:s2] =	stream.indirect.scatter.add.f32 [tilespmem:s9], [sflag:$0x10], $0x8, s3, s17, $0xb8;
	[tilespmem:$0x8300] =	vst v63  }
0x1c8: {  	s9 =	sld [smem:$0x7E6];
	p6 =	seq.s32 s18, $0x1  }
.Ltmp7:
0x1c9: {  	(pc) =	sbr.rel .LBB2_10-.Ltmp7, $4  }
0x1ca: {  	s3 =	simm.s32 $0xD  }
0x1cb: {  	_ =	swait.ge [sflag:s3], $0x400  }
0x1cc: {  	[sflag:s3] =	ssyncset.done $0x0  }
0x1cd: {  	[sflag:s3] =	ssyncadd.s32 $0xFFFFFC00  }
.LBB2_13:
0x1ce: {  	s3 =	sld [smem:$0x7E9];
	_ =	sdelay $0x2  }
0x1cf: {  	p1 =	seq.s32 s3, $0x1  }
.Ltmp8:
0x1d0: {  	_ = 	snop;
	(pc) =	sbr.rel @!p1 .LBB2_14-.Ltmp8, $1  }
0x1d1: {  	_ =	sdelay $0x3  }
.LBB2_10:
0x1d2: {  	s3 =	simm.s32 @!p0 $0x80;
	s7 =	simm.s32 @!p0 $0x7300;
	s8 =	rddreg [dreg:$0xd]  }
0x1d3: {  	[tilespmem:s7], [sflag:$0x5] =	stream.indirect.gather @!p0 [hbm4b:s4+s3], $0x8, s8, s3, $0xb8;
	[tilespmem:$0x8300] =	vst v63  }
0x1d4: {  	_ =	swait.ge [sflag:s10], $0x400  }
0x1d5: {  	[sflag:s10] =	ssyncset.done $0x0  }
0x1d6: {  	s18 =	rddreg [dreg:$0xe];
	[sflag:s10] =	ssyncadd.s32 $0xFFFFFC00  }
0x1d7: {  	[spmem:s2] =	stream.indirect.scatter.add.f32 [tilespmem:s26], [sflag:$0x9], $0x8, s18, s17, $0xb8;
	[tilespmem:$0x8300] =	vst v63  }
.LBB2_11:
0x1d8: {  	s3 =	sld [smem:$0x7E7];
	_ =	sdelay $0x2  }
0x1d9: {  	p1 =	seq.s32 s3, $0x1  }
.Ltmp9:
0x1da: {  	_ = 	snop;
	(pc) =	sbr.rel @!p1 .LBB2_16-.Ltmp9, $1  }
0x1db: {  	_ =	sdelay $0x3  }
.Ltmp10:
0x1dc: {  	(pc) =	sbr.rel .LBB2_15-.Ltmp10, $4  }
0x1dd: {  	s3 =	simm.s32 @!p6 $0xE  }
0x1de: {  	_ =	swait.ge @!p6 [sflag:s3], $0x400  }
0x1df: {  	[sflag:s3] =	ssyncset.done @!p6 $0x0  }
0x1e0: {  	[sflag:s3] =	ssyncadd.s32 @!p6 $0xFFFFFC00  }
.LBB2_14:
0x1e1: {  	s3 =	sld [smem:$0x7E7];
	_ =	sdelay $0x2  }
0x1e2: {  	p1 =	seq.s32 s3, $0x1  }
.Ltmp11:
0x1e3: {  	_ = 	snop;
	(pc) =	sbr.rel @!p1 .LBB2_16-.Ltmp11, $4  }
.Ltmp12:
0x1e4: {  	_ = 	snop;
	(pc) =	sbr.rel @p1 .LBB2_15-.Ltmp12, $4  }
0x1e5: {  	_ = 	snop  }
0x1e6: {  	_ = 	snop  }
0x1e7: {  	_ = 	snop  }
0x1e8: {  	_ = 	snop  }
.LBB2_3:
.Ltmp13:
0x1e9: {  	(pc) =	sbr.rel .LBB2_8-.Ltmp13, $2  }
0x1ea: {  	_ =	sdelay $0x2  }
0x1eb: {  	s18 =	simm.s32 $0xB;
	s11 =	simm.s32 $0x0  }
.LBB2_5:
.Ltmp14:
0x1ec: {  	(pc) =	sbr.rel .LBB2_8-.Ltmp14, $3  }
0x1ed: {  	_ =	sdelay $0x1  }
0x1ee: {  	s21 =	rddreg [dreg:$0x9]  }
0x1ef: {  	s22 =	rddreg [dreg:$0xa];
	p1 =	por $0x1, $0x1  }
.LBB2_17:
0x1f0: {  	_ =	sfence.sel $0x180000  }
0x1f1: {  	[bflag:$0x0] =	sbarrier.arrive $0xFFFF  }
0x1f2: {  	_ =	strace $0x9000004A  }
0x1f3: {  	s0 =	stileid.u32;
	[bflag:$0x2] =	sbarrier.arrive $0xFFFF  }
0x1f4: {  	p0 =	sne.s32 s0, $0x0;
	s0 =	rddreg [dreg:$0x2]  }
0x1f5: {  	s0 =	sadd.s32 @!p0 $0x100000, s0  }
0x1f6: {  	[sflag:s0] =	ssyncadd.tile.s32 @!p0 $0x1;
	_ =	shalt  }
.Lfunc_end2:
_tile_overlayer_lowered:
.L_overlay_start_2:
0x1f7: {  	(tag) =	ssettag $0x2  }
0x1f8: {  	s0 =	rddreg [dreg:$0x0];
	s2 =	stileid.u32  }
0x1f9: {  	s1 =	rddreg [dreg:$0x1];
	p0 =	sne.s32 s2, $0x0  }
0x1fa: {  	s3 =	rddreg [dreg:$0x2];
	[bflag:$0x3] =	sbarrier.arrive $0xFFFF;
	s2 =	simm.s32 @!p0 $0x1C11  }
0x1fb: {  	[timem:s3], [sflag:s2] =	dma.local @!p0 [hbm:s0], s1  }
0x1fc: {  	s0 =	simm.s32 @!p0 $0x11  }
0x1fd: {  	_ =	swait.ge @!p0 [sflag:s0], s1  }
0x1fe: {  	s1 =	ssub.s32 @!p0 $0x0, s1;
	[sflag:s0] =	ssyncset.done @!p0 $0x0  }
0x1ff: {  	[sflag:s0] =	ssyncadd.s32 @!p0 s1  }
0x200: {  	[bflag:$0x3] =	sbarrier.arrive $0xFFFF  }
0x201: {  	_ =	shalt  }

// kernel: kernel.8.cloned.1.call-start
scs
__scs_entry_jumppad:
0x0: {  	(pc) =	sbr.rel $0x88, $3  }
0x1: {  	(tag) =	ssettag $0x0;
	lr =	simm.s32 $0x1  }
0x2: {  	[smem:$0x3F9B] =	sst lr;
	_ =	strace $0xD0000000  }
0x3: {  	_ = 	snop  }
0x4: {  	_ = 	snop  }
0x5: {  	_ = 	snop  }
0x6: {  	_ = 	snop  }
0x7: {  	_ = 	snop  }
__scs_overlays_trampoline_lowered:
0x8: {  	[smem:$0x3FAA] =	sst s0  }
0x9: {  	[smem:$0x3FAB] =	sst s1  }
0xa: {  	[smem:$0x3FAC] =	sst s2  }
0xb: {  	[smem:$0x3FAD] =	sst s3  }
0xc: {  	[smem:$0x3FAE] =	sst s4  }
0xd: {  	[smem:$0x3FAF] =	sst s5  }
0xe: {  	[smem:$0x3FB0] =	sst s6  }
0xf: {  	[smem:$0x3FB1] =	sst s7  }
0x10: {  	[smem:$0x3FB2] =	sst s8  }
0x11: {  	[smem:$0x3FB3] =	sst s9;
	s0 =	simm.s32 @!p0 $0x0  }
0x12: {  	s1 =	sld [smem:$0x3F99];
	s0 =	simm.s32 @p0 $0x1  }
0x13: {  	[smem:$0x3FB4] =	sst s0;
	s0 =	simm.s32 @!p1 $0x0  }
0x14: {  	s2 =	sld [smem:$0x3F98];
	s0 =	simm.s32 @p1 $0x1  }
0x15: {  	[smem:$0x3FB5] =	sst s0;
	s0 =	simm.s32 @!p2 $0x0  }
0x16: {  	s3 =	sld [smem:$0x3FDB];
	s0 =	simm.s32 @p2 $0x1  }
0x17: {  	s4 =	simm.s32 $0x1BF5;
	[smem:$0x3FB7] =	sst s0  }
0x18: {  	s0 =	sld [smem:$0x3F9A];
	_ =	swait.ge [sflag:s4], $0x0  }
0x19: {  	s7 =	sld [smem:$0x3F9B]  }
0x1a: {  	s8 =	sadd.s32 $0xFFFFE003, lr  }
0x1b: {  	s9 =	sadd.s32 $0xFFFFFEF7, lr;
	s5 =	simm.s32 $0xFFFFFFFF;
	p2 =	slt.u32 s8, $0xFFFFF086  }
0x1c: {  	p1 =	slt.u32 s9, $0xF7A;
	s5 =	simm.s32 @!p2 $0x0  }
0x1d: {  	s5 =	simm.s32 @p1 $0x1;
	p0 =	seq.s32 s7, s2  }
0x1e: {  	s7 =	smul.u32 @!p0 $0xF7A, s2;
	p2 =	seq.s32 @!p0 s5, $0x0  }
0x1f: {  	s9 =	smul.u32 $0xF7A, s1;
	s8 =	simm.s32 @!p0 $0x1BF5;
	p2 =	por !p2, p0  }
0x20: {  	[sflag:s8] =	ssyncset.s32 @!p0 $0xFFFFF086;
	s6 =	sadd.s32 @!p0 s3, s7;
	s7 =	simm.s32 @!p0 $0x108  }
0x21: {  	s3 =	sadd.s32 s3, s9;
	s6 =	sadd.s32 @!p0 $0x88, s6;
	s7 =	simm.s32 @p2 $0x1082  }
0x22: {  	[simem:s7], [sflag:s8] =	dma.local @!p0 [hbm:s6], $0xF7A  }
0x23: {  	s9 =	sor.u32 $0xD0000000, s2;
	s6 =	simm.s32 $0x108;
	_ =	swait.ge @!p0 [sflag:s8], $0x0  }
0x24: {  	s3 =	sadd.s32 $0x88, s3;
	s6 =	simm.s32 @!p1 $0x1082;
	[sflag:s4] =	ssyncset.s32 $0xFFFFF086  }
0x25: {  	[simem:s6], [sflag:s4] =	dma.local [hbm:s3], $0xF7A  }
0x26: {  	[smem:$0x3F9B] =	sst s1;
	(tag) =	ssettag s2;
	_ =	strace s9  }
0x27: {  	s1 =	sld [smem:$0x3FAB]  }
0x28: {  	s2 =	sld [smem:$0x3FAC]  }
0x29: {  	s4 =	sld [smem:$0x3FAE]  }
0x2a: {  	p0 =	seq.s32 s5, $0x0;
	s5 =	sld [smem:$0x3FAF]  }
0x2b: {  	s6 =	sld [smem:$0x3FB0]  }
0x2c: {  	s7 =	sld [smem:$0x3FB1]  }
0x2d: {  	s3 =	simm.s32 $0x108;
	s8 =	sld [smem:$0x3FB2]  }
0x2e: {  	s3 =	simm.s32 @!p0 $0x1082;
	s9 =	sld [smem:$0x3FB3]  }
0x2f: {  	lr =	sadd.s32 s0, s3;
	s0 =	sld [smem:$0x3FAA]  }
0x30: {  	s3 =	sld [smem:$0x3FAD]  }
0x31: {  	[smem:$0x3FB6] =	sst s10  }
0x32: {  	s10 =	sld [smem:$0x3FB4];
	_ =	sdelay $0x3  }
0x33: {  	p0 =	seq.s32 s10, $0x1;
	s10 =	sld [smem:$0x3FB6];
	_ =	sdelay $0x3  }
0x34: {  	[smem:$0x3FB6] =	sst s10  }
0x35: {  	s10 =	sld [smem:$0x3FB5];
	_ =	sdelay $0x3  }
0x36: {  	p1 =	seq.s32 s10, $0x1;
	s10 =	sld [smem:$0x3FB6];
	_ =	sdelay $0x3  }
0x37: {  	[smem:$0x3FB6] =	sst s10  }
0x38: {  	s10 =	sld [smem:$0x3FB7]  }
0x39: {  	_ = 	snop;
	(pc) =	sbr.ind lr, $3  }
0x3a: {  	_ = 	snop  }
0x3b: {  	_ = 	snop  }
0x3c: {  	p2 =	seq.s32 s10, $0x1;
	s10 =	sld [smem:$0x3FB6]  }
0x3d: {  	_ =	shalt  }
0x3e: {  	_ =	shalt  }
0x3f: {  	_ =	shalt  }
0x40: {  	_ =	shalt  }
0x41: {  	_ =	shalt  }
0x42: {  	_ =	shalt  }
0x43: {  	_ =	shalt  }
0x44: {  	_ =	shalt  }
0x45: {  	_ =	shalt  }
0x46: {  	_ =	shalt  }
0x47: {  	_ =	shalt  }
0x48: {  	_ =	shalt  }
0x49: {  	_ =	shalt  }
0x4a: {  	_ =	shalt  }
0x4b: {  	_ =	shalt  }
0x4c: {  	_ =	shalt  }
0x4d: {  	_ =	shalt  }
0x4e: {  	_ =	shalt  }
0x4f: {  	_ =	shalt  }
0x50: {  	_ =	shalt  }
0x51: {  	_ =	shalt  }
0x52: {  	_ =	shalt  }
0x53: {  	_ =	shalt  }
0x54: {  	_ =	shalt  }
0x55: {  	_ =	shalt  }
0x56: {  	_ =	shalt  }
0x57: {  	_ =	shalt  }
0x58: {  	_ =	shalt  }
0x59: {  	_ =	shalt  }
0x5a: {  	_ =	shalt  }
0x5b: {  	_ =	shalt  }
0x5c: {  	_ =	shalt  }
0x5d: {  	_ =	shalt  }
0x5e: {  	_ =	shalt  }
0x5f: {  	_ =	shalt  }
0x60: {  	_ =	shalt  }
0x61: {  	_ =	shalt  }
0x62: {  	_ =	shalt  }
0x63: {  	_ =	shalt  }
0x64: {  	_ =	shalt  }
0x65: {  	_ =	shalt  }
0x66: {  	_ =	shalt  }
0x67: {  	_ =	shalt  }
0x68: {  	_ =	shalt  }
0x69: {  	_ =	shalt  }
0x6a: {  	_ =	shalt  }
0x6b: {  	_ =	shalt  }
0x6c: {  	_ =	shalt  }
0x6d: {  	_ =	shalt  }
0x6e: {  	_ =	shalt  }
0x6f: {  	_ =	shalt  }
0x70: {  	_ =	shalt  }
0x71: {  	_ =	shalt  }
0x72: {  	_ =	shalt  }
0x73: {  	_ =	shalt  }
0x74: {  	_ =	shalt  }
0x75: {  	_ =	shalt  }
0x76: {  	_ =	shalt  }
0x77: {  	_ =	shalt  }
0x78: {  	_ =	shalt  }
0x79: {  	_ =	shalt  }
0x7a: {  	_ =	shalt  }
0x7b: {  	_ =	shalt  }
0x7c: {  	_ =	shalt  }
0x7d: {  	_ =	shalt  }
0x7e: {  	_ =	shalt  }
0x7f: {  	_ =	shalt  }
0x80: {  	_ =	shalt  }
0x81: {  	_ =	shalt  }
0x82: {  	_ =	shalt  }
0x83: {  	_ =	shalt  }
0x84: {  	_ =	shalt  }
0x85: {  	_ =	shalt  }
0x86: {  	_ =	shalt  }
0x87: {  	_ =	shalt  }
.Lfunc_end0:
.L_simem_size_0:
called_computation_lowered:
.L_overlay_start_0:
0x88: {  	s2 =	sld [smem:$0x3FD9]  }
0x89: {  	s3 =	sld [smem:$0x3FFE];
	_ =	sdelay $0x1  }
0x8a: {  	s1 =	srdreg.scid  }
0x8b: {  	s0 =	sand.u32 $0x1, s1  }
0x8c: {  	s14 =	sshll.u32 s0, $0xA;
	s2 =	sadd.s32 s3, s2  }
0x8d: {  	s2 =	sadd.s32 s2, s14  }
0x8e: {  	[smem:$0x3FC2] =	sst s2  }
0x8f: {  	_ = 	snop  }
0x90: {  	s2 =	sld [smem:$0x3FD0];
	_ =	sdelay $0x2  }
0x91: {  	s15 =	simm.s32 $0xA;
	s4 =	simm.s32 $0x10  }
0x92: {  	[smem:s4], [sflag:s15] =	dma.local [hbm:s2], $0x1  }
0x93: {  	_ =	swait.eq [sflag:s15], $0x1  }
0x94: {  	[sflag:s15] =	ssyncset.done $0x0  }
0x95: {  	[sflag:s15] =	ssyncadd.s32 $0xFFFFFFFF  }
0x96: {  	s16 =	sld [smem:$0x11];
	(tm) =	ssettm $0x1  }
0x97: {  	s17 =	sld [smem:$0x3FFB];
	_ =	sdelay $0x3  }
0x98: {  	_ =	strace s17  }
0x99: {  	s3 =	sld [smem:$0x3FFC];
	_ =	sdelay $0x3  }
0x9a: {  	_ =	strace s3  }
0x9b: {  	s3 =	sld [smem:$0x3FFD];
	_ =	sdelay $0x3  }
0x9c: {  	_ =	strace s3  }
0x9d: {  	_ =	strace $0x8FFFFFFF  }
0x9e: {  	s18 =	sld [smem:$0x3FDB];
	_ =	sdelay $0x1  }
0x9f: {  	s19 =	simm.s32 $_scs_section_size  }
0xa0: {  	s5 =	simm.s32 $_size__tile_overlayer_lowered;
	s6 =	simm.s32 $_tile_overlayer_lowered  }
0xa1: {  	s22 =	simm.s32 $0x1BFF;
	s21 =	sshll.u32 s6, $0x1;
	s3 =	sadd.s32 s19, s18  }
0xa2: {  	s7 =	simm.s32 $0x0;
	s20 =	sshll.u32 s5, $0x1;
	s5 =	sadd.s32 s21, s3  }
0xa3: {  	[timem:s7], [sflag:s22] =	dma.local [hbm:s5], s20  }
0xa4: {  	_ =	swait.ge [sflag:s22], s20  }
0xa5: {  	s4 =	ssub.s32 $0x0, s20;
	[sflag:s22] =	ssyncset.done $0x0  }
0xa6: {  	[sflag:s22] =	ssyncadd.s32 s4;
	_ =	sdelay $0x1  }
0xa7: {  	s23 =	simm.s32 $0x1B8B  }
0xa8: {  	_ =	swait.ge [sflag:s23], $0x1  }
0xa9: {  	[sflag:s23] =	ssyncset.done $0x0  }
0xaa: {  	s25 =	simm.s32 $0x1B8E;
	s24 =	sld [smem:$0x3FFE];
	[sflag:s23] =	ssyncadd.s32 $0xFFFFFFFF  }
0xab: {  	s26 =	simm.s32 $execute0_lowered;
	[smem:$0x3FD2] =	sst s25  }
0xac: {  	s5 =	sshll.u32 s26, $0x1;
	_ =	strace $0x80000046;
	[dreg:$0x1] =	wrdreg $0xFFFFFFFF  }
0xad: {  	s28 =	simm.s32 $_size_execute0_lowered;
	s3 =	sadd.s32 s3, s5;
	[dreg:$0x0] =	wrdreg $0x0  }
0xae: {  	s5 =	sshll.u32 s28, $0x1;
	[dreg:$0x2] =	wrdreg s3  }
0xaf: {  	[dreg:$0x3] =	wrdreg s5  }
0xb0: {  	[dreg:$0x4] =	wrdreg $0xC0  }
0xb1: {  	_ =	task [dreg:s7], $0x5FFFF  }
0xb2: {  	[dreg:$0x1] =	wrdreg $0xFFFFFFFF  }
0xb3: {  	[dreg:$0x0] =	wrdreg $0x60  }
0xb4: {  	[dreg:$0x2] =	wrdreg s24  }
0xb5: {  	[dreg:$0x3] =	wrdreg s16  }
0xb6: {  	[dreg:$0x4] =	wrdreg $0x2B800  }
0xb7: {  	[dreg:$0x5] =	wrdreg $0x9  }
0xb8: {  	_ =	task.clear_ibuf [dreg:s7], $0x6FFFF;
	_ =	strace $0x90000046  }
0xb9: {  	s29 =	simm.s32 $0x9;
	_ =	strace $0x80000048  }
0xba: {  	_ =	swait.ge [sflag:s29], $0x1  }
0xbb: {  	[sflag:s29] =	ssyncadd.s32 $0xFFFFFFFF  }
0xbc: {  	_ =	strace $0x90000048  }
0xbd: {  	_ =	sfence  }
0xbe: {  	s30 =	sld [smem:$0x0];
	_ =	sdelay $0x2  }
0xbf: {  	s31 =	sshll.u32 s1, $0xD;
	s1 =	sshrl.u32 s1, $0x2  }
0xc0: {  	s3 =	sand.u32 $0x4000, s31;
	s1 =	sadd.s32 s1, s30  }
0xc1: {  	s0 =	sor.u32 s3, s0;
	s1 =	sshll.u32 s1, $0x11  }
0xc2: {  	s0 =	sor.u32 s1, s0  }
0xc3: {  	s0 =	sadd.s32 $0x8F2B, s0  }
0xc4: {  	[sflag:s0] =	ssyncadd.remote.s32 $0x1  }
0xc5: {  	_ =	sfence.sel $0xFFFF  }
0xc6: {  	[dreg:$0x0] =	wrdreg $0xFFFFFFFF;
	(pc) =	sbr.abs _section_cstart, $3  }
0xc7: {  	[dreg:$0x1] =	wrdreg $0xFFFFFFFF  }
0xc8: {  	_ =	task.clear_ibuf [dreg:s7], $0x2FFFF;
	_ =	strace $0x9FFFFFFF  }
0xc9: {  	(tm) =	ssettm $0x7FFFFFFF  }
tec
execute0_lowered:
.L_overlay_start_1:
0x0: {  	(tag) =	ssettag $0x1  }
0x1: {  	s6 =	rddreg [dreg:$0x0]  }
0x2: {  	s0 =	srdreg.scid;
	s2 =	rddreg [dreg:$0x1]  }
0x3: {  	s3 =	rddreg [dreg:$0x2];
	s4 =	simm.s32 $0x0;
	s14 =	simm.s32 $0x80  }
0x4: {  	s15 =	simm.s32 $0x1;
	s5 =	sand.u32 $0x1, s0;
	s0 =	stileid.u32  }
0x5: {  	s16 =	simm.s32 $0x0;
	[smem:$0x7FF] =	sst s4;
	s8 =	smul.u32 $0x1400, s0  }
0x6: {  	s1 =	sshll.u32 s5, $0x4;
	s10 =	smul.u32 $0x14000, s5;
	s5 =	ssub.s32 $0x2, s5  }
0x7: {  	s31 =	sshll.u32 s0, $0x6;
	s1 =	sor.u32 s0, s1;
	s26 =	sshrl.u32 s5, $0x1  }
0x8: {  	s7 =	smul.u32 $0x9C4, s1;
	s1 =	rddreg [dreg:$0x3];
	_ =	strace $0x80000047  }
0x9: {  	s11 =	sshrl.u32 s8, $0x3;
	s10 =	sadd.s32 s8, s10;
	s13 =	ssub.s32 s5, s26  }
0xa: {  	s30 =	sadd.s32 s8, s3;
	s11 =	sadd.s32 s11, s6;
	s10 =	sshrl.u32 s10, $0x3  }
0xb: {  	s9 =	sshrl.u32 s7, $0x1;
	s10 =	sadd.s32 s10, s6;
	s12 =	sadd.s32 $0x9C4, s7  }
.Ltmp0:
0xc: {  	s28 =	sshrl.u32 s7, $0x5;
	s7 =	sor.u32 $0x1C02, s31;
	(pc) =	sbr.rel .LBB2_1-.Ltmp0, $4  }
0xd: {  	s9 =	sand.u32 $0xFFF0, s9;
	s29 =	sshrl.u32 s12, $0x5;
	s12 =	simm.s32 $0x2  }
0xe: {  	s9 =	sadd.s32 s9, s6;
	s5 =	ssub.s32 s29, s28;
	s6 =	sadd.s32 $0x16000, s11  }
0xf: {  	s11 =	sshrl.u32 s30, $0x3;
	s8 =	sadd.s32 $0x2400, s9;
	s9 =	sadd.s32 $0x18800, s10  }
0x10: {  	s10 =	smax.u32 s13, $0x1;
	p0 =	slt.s32 s5, $0x1;
	s13 =	simm.s32 $0x2780  }
.LBB2_4:
0x11: {  	[spmem:s3] =	stream.indirect.scatter.add.f32 [tilespmem:s13], [sflag:$0x1], $0x8, s19, s14, $0xb8;
	[tilespmem:$0x3F80] =	vst v63  }
.LBB2_5:
0x12: {  	_ =	swait.ge [sflag:s15], $0x400  }
0x13: {  	[sflag:s15] =	ssyncset.done $0x0  }
0x14: {  	[sflag:s15] =	ssyncadd.s32 $0xFFFFFC00  }
0x15: {  	_ =	swait.ge [sflag:s15], $0x400  }
0x16: {  	[sflag:s15] =	ssyncset.done $0x0  }
0x17: {  	[sflag:s15] =	ssyncadd.s32 $0xFFFFFC00  }
0x18: {  	_ =	swait.ge [sflag:s15], $0x400  }
0x19: {  	[sflag:s15] =	ssyncset.done $0x0  }
0x1a: {  	[sflag:s15] =	ssyncadd.s32 $0xFFFFFC00  }
0x1b: {  	_ =	swait.ge [sflag:s15], $0x400  }
0x1c: {  	[sflag:s15] =	ssyncset.done $0x0  }
0x1d: {  	[sflag:s15] =	ssyncadd.s32 $0xFFFFFC00  }
0x1e: {  	_ =	swait.ge [sflag:s15], $0x400  }
0x1f: {  	[sflag:s15] =	ssyncset.done $0x0  }
0x20: {  	[sflag:s15] =	ssyncadd.s32 $0xFFFFFC00  }
0x21: {  	_ =	swait.ge [sflag:s15], $0x400  }
0x22: {  	[sflag:s15] =	ssyncset.done $0x0  }
0x23: {  	[sflag:s15] =	ssyncadd.s32 $0xFFFFFC00  }
0x24: {  	_ =	swait.ge [sflag:s15], $0x400  }
0x25: {  	[sflag:s15] =	ssyncset.done $0x0  }
0x26: {  	[sflag:s15] =	ssyncadd.s32 $0xFFFFFC00  }
0x27: {  	_ =	swait.ge [sflag:s15], $0x400  }
0x28: {  	s16 =	sadd.s32 $0x1, s16;
	[sflag:s15] =	ssyncset.done $0x0  }
0x29: {  	p1 =	sne.s32 s16, s10;
	[sflag:s15] =	ssyncadd.s32 $0xFFFFFC00  }
.Ltmp1:
0x2a: {  	[bflag:$0x0] =	sbarrier.arrive $0xFFFF;
	(pc) =	sbr.rel @!p1 .LBB2_6-.Ltmp1, $4  }
0x2b: {  	[hbm:s9], [sflag:s7] =	dma.local [spmem:s11], $0x280  }
0x2c: {  	_ =	swait.ge [sflag:s12], $0x280  }
0x2d: {  	[sflag:s12] =	ssyncset.done $0x0  }
0x2e: {  	[sflag:s12] =	ssyncadd.s32 $0xFFFFFD80  }
.LBB2_1:
0x2f: {  	[spmem:s11], [sflag:s7] =	dma.local [hbm:s6], $0x280  }
0x30: {  	_ =	swait.ge [sflag:s12], $0x280  }
0x31: {  	[sflag:s12] =	ssyncset.done $0x0  }
0x32: {  	[sflag:s12] =	ssyncadd.s32 $0xFFFFFD80  }
0x33: {  	[tilespmem:s4], [sflag:$0x2] =	stream.linear.gather [hbm4b:s8+s4], $0x2780, $0x38;
	[tilespmem:$0x3F80] =	vst v63  }
0x34: {  	_ =	swait.ge [sflag:s12], $0x2780  }
0x35: {  	[sflag:s12] =	ssyncset.done $0x0  }
0x36: {  	[sflag:s12] =	ssyncadd.s32 $0xFFFFD880  }
0x37: {  	[tilespmem:s13], [sflag:$0x2] =	stream.linear.gather [hbm4b:s2+s4], $0x400, $0x38;
	[tilespmem:$0x3F80] =	vst v63  }
.Ltmp2:
0x38: {  	_ =	swait.ge [sflag:s12], $0x400;
	(pc) =	sbr.rel @p0 .LBB2_5-.Ltmp2, $3  }
0x39: {  	[sflag:s12] =	ssyncset.done $0x0  }
0x3a: {  	[sflag:s12] =	ssyncadd.s32 $0xFFFFFC00  }
0x3b: {  	[bflag:$0x0] =	sbarrier.arrive $0xFFFF;
	_ =	sdelay $0x1  }
0x3c: {  	p2 =	sgt.s32 s5, $0x1  }
.Ltmp3:
0x3d: {  	p1 =	por $0x1, $0x1;
	(pc) =	sbr.rel @!p2 .LBB2_4-.Ltmp3, $4  }
0x3e: {  	s18 =	simm.s32 @!p1 $0x1  }
0x3f: {  	_ =	swait.ge @!p1 [sflag:s18], $0x400  }
0x40: {  	s17 =	simm.s32 $0x1;
	[sflag:s18] =	ssyncset.done @!p1 $0x0  }
0x41: {  	s19 =	simm.s32 $0x0;
	[sflag:s18] =	ssyncadd.s32 @!p1 $0xFFFFFC00;
	s18 =	simm.s32 $0x80  }
.LBB2_3:
0x42: {  	[spmem:s3] =	stream.indirect.scatter.add.f32 [tilespmem:s13], [sflag:$0x1], $0x8, s19, s14, $0xb8;
	[tilespmem:$0x3F80] =	vst v63  }
0x43: {  	p1 =	slt.u32 s17, $0x8;
	s17 =	sadd.s32 $0x1, s17  }
0x44: {  	p2 =	slt.s32 s17, s5  }
.Ltmp4:
0x45: {  	(pc) =	sbr.rel @p2 .LBB2_3-.Ltmp4, $4  }
0x46: {  	s19 =	smov.u32 s18;
	s20 =	simm.s32 @!p1 $0x1  }
0x47: {  	_ =	swait.ge @!p1 [sflag:s20], $0x400  }
0x48: {  	[sflag:s20] =	ssyncset.done @!p1 $0x0  }
0x49: {  	s18 =	sadd.s32 $0x80, s18;
	[sflag:s20] =	ssyncadd.s32 @!p1 $0xFFFFFC00  }
.Ltmp5:
0x4a: {  	_ = 	snop;
	(pc) =	sbr.rel .LBB2_4-.Ltmp5, $1  }
0x4b: {  	_ =	sdelay $0x3  }
.LBB2_6:
0x4c: {  	_ =	sfence.sel $0x180000  }
0x4d: {  	[bflag:$0x0] =	sbarrier.arrive $0xFFFF  }
0x4e: {  	p0 =	sne.s32 s0, $0x0;
	_ =	strace $0x90000047  }
0x4f: {  	s0 =	sadd.s32 @!p0 $0x100000, s1;
	[bflag:$0x2] =	sbarrier.arrive $0xFFFF  }
0x50: {  	[sflag:s0] =	ssyncadd.tile.s32 @!p0 $0x1;
	_ =	shalt  }
.Lfunc_end2:
_tile_overlayer_lowered:
.L_overlay_start_2:
0x51: {  	(tag) =	ssettag $0x2  }
0x52: {  	s0 =	rddreg [dreg:$0x0];
	s2 =	stileid.u32  }
0x53: {  	s1 =	rddreg [dreg:$0x1];
	p0 =	sne.s32 s2, $0x0  }
0x54: {  	s3 =	rddreg [dreg:$0x2];
	[bflag:$0x3] =	sbarrier.arrive $0xFFFF;
	s2 =	simm.s32 @!p0 $0x1C02  }
0x55: {  	[timem:s3], [sflag:s2] =	dma.local @!p0 [hbm:s0], s1  }
0x56: {  	s0 =	simm.s32 @!p0 $0x2  }
0x57: {  	_ =	swait.ge @!p0 [sflag:s0], s1  }
0x58: {  	s1 =	ssub.s32 @!p0 $0x0, s1;
	[sflag:s0] =	ssyncset.done @!p0 $0x0  }
0x59: {  	[sflag:s0] =	ssyncadd.s32 @!p0 s1  }
0x5a: {  	[bflag:$0x3] =	sbarrier.arrive $0xFFFF  }
0x5b: {  	_ =	shalt  }

</sc_bundles>
